<compile_context>
chip_gen: v7x
topology: tpu7x:2x2x1
jax: 0.10.2.dev20260603
libtpu: 0.0.44.dev20260713+nightly
codegen_flags: <defaults>
</compile_context>

<pallas_src>
import jax
import jax.numpy as jnp
from jax import lax
from jax.experimental import pallas as pl
from jax.experimental.pallas import tpu as pltpu
from jax.experimental.pallas import tpu_sc as plsc

N_NODES = 10000
N_EDGES = 320000
D = 128

NC, NS = 2, 16
NW = NC * NS
E_PER_W = N_EDGES // NW
CHUNK = 80
NCH = E_PER_W // CHUNK
NHALF = 5
CPH = NCH // NHALF
NB = 4

NZC = N_NODES // CHUNK


def _sc_aggregate_body(src_hbm, dst_hbm, x_hbm, out_hbm,
                       src_i, dst_i, rows, acc, gsems, ssems):
    c = lax.axis_index("c")
    s = lax.axis_index("s")
    wid = c * NS + s

    pref = [
        pltpu.async_copy(src_hbm.at[wid, 0], src_i, gsems[0]),
        pltpu.async_copy(dst_hbm.at[wid, 0], dst_i, gsems[0]),
    ]

    zero = jnp.zeros((16,), jnp.float32)

    def zbuf_body(i, carry):
        rows[0][i // 8, pl.ds((i % 8) * 16, 16)] = zero
        return carry

    lax.fori_loop(0, CHUNK * (D // 16), zbuf_body, 0)

    n_z = (NZC - s + NS - 1) // NS

    def zacc_body(t, carry):
        j = s + t * NS
        pltpu.sync_copy(rows[0], acc.at[pl.ds(j * CHUNK, CHUNK)])
        return carry

    lax.fori_loop(0, n_z, zacc_body, 0)
    plsc.subcore_barrier()
    for p in pref:
        p.wait()

    def fire_gather(j, b):
        pltpu.async_copy(x_hbm.at[src_i.at[j]], rows[b], gsems[b])

    def wait_gather(b):
        pltpu.make_async_copy(x_hbm.at[src_i.at[0]], rows[b],
                              gsems[b]).wait()

    def fire_scatter(j, b):
        pltpu.async_copy(rows[b], acc.at[dst_i.at[j]], ssems[b], add=True)

    def wait_scatter(b):
        pltpu.make_async_copy(rows[b], acc.at[dst_i.at[0]],
                              ssems[b]).wait()

    def pipe_body(t, carry):
        j0 = t * NB
        for b in range(NB):
            @pl.when(j0 + b < CPH)
            def _():
                wait_gather(b)
                fire_scatter(j0 + b, b)
        for b in range(NB):
            @pl.when(j0 + b + NB < CPH)
            def _():
                wait_scatter(b)
                fire_gather(j0 + b + NB, b)
        return carry

    for h in range(NHALF):
        if h > 0:
            pltpu.sync_copy(src_hbm.at[wid, h], src_i)
            pltpu.sync_copy(dst_hbm.at[wid, h], dst_i)
        for b in range(NB):
            fire_gather(b, b)
        lax.fori_loop(0, -(-CPH // NB), pipe_body, 0)
        for b in range(NB):
            wait_scatter(b)
    plsc.subcore_barrier()

    n_wb = (NZC - s + NS - 1) // NS

    def wb_body(t, carry):
        j = s + t * NS
        pltpu.sync_copy(acc.at[pl.ds(j * CHUNK, CHUNK)],
                        out_hbm.at[c, pl.ds(j * CHUNK, CHUNK)])
        return carry

    lax.fori_loop(0, n_wb, wb_body, 0)


def _sc_aggregate(edge_index, x):
    src3 = edge_index[0].reshape(NW, NHALF, CPH, CHUNK)
    dst3 = edge_index[1].reshape(NW, NHALF, CPH, CHUNK)

    mesh = plsc.VectorSubcoreMesh(core_axis_name="c", subcore_axis_name="s")
    k = pl.kernel(
        _sc_aggregate_body,
        out_type=jax.ShapeDtypeStruct((NC, N_NODES, D), jnp.float32),
        mesh=mesh,
        scratch_types=[
            pltpu.VMEM((CPH, CHUNK), jnp.int32),
            pltpu.VMEM((CPH, CHUNK), jnp.int32),
            [pltpu.VMEM((CHUNK, D), jnp.float32) for _ in range(NB)],
            pltpu.VMEM_SHARED((N_NODES, D), jnp.float32),
            [pltpu.SemaphoreType.DMA for _ in range(NB)],
            [pltpu.SemaphoreType.DMA for _ in range(NB)],
        ],
    )
    return k(src3, dst3, x)


def _tc_head_body(x_ref, p_ref, ws_ref, wn_ref, b_ref, wo_ref, out_ref):
    agg = p_ref[0] + p_ref[1]
    h = (jnp.dot(x_ref[...], ws_ref[...], preferred_element_type=jnp.float32)
         + jnp.dot(agg, wn_ref[...], preferred_element_type=jnp.float32)
         + b_ref[...][None, :])
    h = jnp.maximum(h, 0.0)
    out_ref[...] = jnp.sum(h * wo_ref[...][None, :], axis=1)


def _tc_head(x, partials, W_self, W_nbr, b, w_out):
    return pl.pallas_call(
        _tc_head_body,
        out_shape=jax.ShapeDtypeStruct((N_NODES,), jnp.float32),
    )(x, partials, W_self, W_nbr, b, w_out)


def kernel(x, edge_index, W_self, W_nbr, b, w_out):
    partials = _sc_aggregate(edge_index, x)
    return _tc_head(x, partials, W_self, W_nbr, b, w_out)

# --- scband reference (transcript-rebuilt; emitter-appended) ---
"""Pipeline reference for scband-actor-gnn-16784732192966 (READ-ONLY COPY).

The authoritative reference and input builder live on the scoring server;
editing this copy changes nothing except your own understanding.
"""

import jax, jax.numpy as jnp
import numpy as np

N_NODES = 10000
N_EDGES = 320000
D_FEAT = 128


def setup_inputs(seed: int = 0) -> dict:
    key = jax.random.key(seed)
    k1, k2, k3, k4, k5, k6 = jax.random.split(key, 6)
    x = jax.random.normal(k1, (N_NODES, D_FEAT), dtype=jnp.float32)
    edge_index = jax.random.randint(k2, (2, N_EDGES), 0, N_NODES, dtype=jnp.int32)
    W_self = jax.random.normal(k3, (D_FEAT, D_FEAT), dtype=jnp.float32) * (1.0 / np.sqrt(D_FEAT))
    W_nbr = jax.random.normal(k4, (D_FEAT, D_FEAT), dtype=jnp.float32) * (1.0 / np.sqrt(D_FEAT))
    b = jax.random.normal(k5, (D_FEAT,), dtype=jnp.float32) * 0.01
    w_out = jax.random.normal(k6, (D_FEAT,), dtype=jnp.float32) * (1.0 / np.sqrt(D_FEAT))
    return {"x": x, "edge_index": edge_index, "W_self": W_self, "W_nbr": W_nbr, "b": b, "w_out": w_out}


def reference(x, edge_index, W_self, W_nbr, b, w_out):
    # ActorGNN: one message-passing layer (gather on src, scatter-add on dst)
    # followed by an actor head producing one logit per node (action scores over MERs/placements).
    src = edge_index[0]
    dst = edge_index[1]
    msgs = jnp.take(x, src, axis=0) @ W_nbr            # gather + transform per-edge
    agg = jax.ops.segment_sum(msgs, dst, num_segments=x.shape[0])  # scatter-add to dst nodes
    h = jax.nn.relu(x @ W_self + agg + b)
    logits = h @ w_out                                  # per-node actor logit
    return logits

if __name__ == "__main__":
    import jax
    _d = setup_inputs()
    print(jax.jit(kernel)(*tuple(_d.values())))

</pallas_src>

<mosaic_0001>
#map = affine_map<(d0, d1) -> (0, 0, 0, 0)>
#map1 = affine_map<(d0, d1) -> (0, 0)>
#map2 = affine_map<(d0, d1) -> (0, 0, 0)>
module attributes {stable_mosaic.version = 14 : i64} {
  func.func @_sc_aggregate_body(%arg0: i32, %arg1: i32, %arg2: memref<32x5x25x80xi32, #tpu.memory_space<hbm>>, %arg3: memref<32x5x25x80xi32, #tpu.memory_space<hbm>>, %arg4: memref<10000x128xf32, #tpu.memory_space<hbm>>, %arg5: memref<2x10000x128xf32, #tpu.memory_space<hbm>>, %arg6: memref<25x80xi32, #tpu.memory_space<vmem>>, %arg7: memref<25x80xi32, #tpu.memory_space<vmem>>, %arg8: memref<80x128xf32, #tpu.memory_space<vmem>>, %arg9: memref<80x128xf32, #tpu.memory_space<vmem>>, %arg10: memref<80x128xf32, #tpu.memory_space<vmem>>, %arg11: memref<80x128xf32, #tpu.memory_space<vmem>>, %arg12: memref<10000x128xf32, #tpu.memory_space<vmem_shared>>, %arg13: memref<!tpu.dma_semaphore, #tpu.memory_space<semaphore_mem>>, %arg14: memref<!tpu.dma_semaphore, #tpu.memory_space<semaphore_mem>>, %arg15: memref<!tpu.dma_semaphore, #tpu.memory_space<semaphore_mem>>, %arg16: memref<!tpu.dma_semaphore, #tpu.memory_space<semaphore_mem>>, %arg17: memref<!tpu.dma_semaphore, #tpu.memory_space<semaphore_mem>>, %arg18: memref<!tpu.dma_semaphore, #tpu.memory_space<semaphore_mem>>, %arg19: memref<!tpu.dma_semaphore, #tpu.memory_space<semaphore_mem>>, %arg20: memref<!tpu.dma_semaphore, #tpu.memory_space<semaphore_mem>>) attributes {dimension_semantics = [#tpu.dimension_semantics<core_parallel>, #tpu.dimension_semantics<subcore_parallel>], iteration_bounds = array<i64: 2, 16>, scalar_prefetch = 0 : i64, scratch_operands = 15 : i64, tpu.core_type = #tpu.core_type<sc_vector_subcore>, window_params = [{transform_indices = #map}, {transform_indices = #map}, {transform_indices = #map1}, {transform_indices = #map2}]} {
    %mul3A = arith.constant 16 : i32
    %mul3A_0 = arith.muli %arg0, %mul3A : i32
    %add3A = arith.addi %mul3A_0, %arg1 : i32
    %dma_start3A = arith.constant 0 : i32
    %dma_start3A_1 = arith.constant 0 : i32
    %dma_start3A_2 = arith.constant 0 : i32
    %dma_start3A_3 = tpu.memref_slice %arg2[%add3A, %dma_start3A, %dma_start3A_1, %dma_start3A_2] : memref<32x5x25x80xi32, #tpu.memory_space<hbm>> -> memref<1x1x25x80xi32, #tpu.memory_space<hbm>>
    %dma_start3A_4 = tpu.memref_squeeze %dma_start3A_3 : memref<1x1x25x80xi32, #tpu.memory_space<hbm>> -> memref<25x80xi32, #tpu.memory_space<hbm>>
    %dma_start3A_5 = arith.constant 0 : i32
    %dma_start3A_6 = arith.constant 0 : i32
    %dma_start3A_7 = tpu.memref_slice %arg2[%add3A, %dma_start3A, %dma_start3A_5, %dma_start3A_6] : memref<32x5x25x80xi32, #tpu.memory_space<hbm>> -> memref<1x1x25x80xi32, #tpu.memory_space<hbm>>
    %dma_start3A_8 = tpu.memref_squeeze %dma_start3A_7 : memref<1x1x25x80xi32, #tpu.memory_space<hbm>> -> memref<25x80xi32, #tpu.memory_space<hbm>>
    tpu.enqueue_dma source(%dma_start3A_8 : memref<25x80xi32, #tpu.memory_space<hbm>>) target(%arg6 : memref<25x80xi32, #tpu.memory_space<vmem>>) target_semaphore(%arg13 : memref<!tpu.dma_semaphore, #tpu.memory_space<semaphore_mem>>)
    %dma_start3A_9 = arith.constant 0 : i32
    %dma_start3A_10 = arith.constant 0 : i32
    %dma_start3A_11 = arith.constant 0 : i32
    %dma_start3A_12 = tpu.memref_slice %arg3[%add3A, %dma_start3A_9, %dma_start3A_10, %dma_start3A_11] : memref<32x5x25x80xi32, #tpu.memory_space<hbm>> -> memref<1x1x25x80xi32, #tpu.memory_space<hbm>>
    %dma_start3A_13 = tpu.memref_squeeze %dma_start3A_12 : memref<1x1x25x80xi32, #tpu.memory_space<hbm>> -> memref<25x80xi32, #tpu.memory_space<hbm>>
    %dma_start3A_14 = arith.constant 0 : i32
    %dma_start3A_15 = arith.constant 0 : i32
    %dma_start3A_16 = tpu.memref_slice %arg3[%add3A, %dma_start3A_9, %dma_start3A_14, %dma_start3A_15] : memref<32x5x25x80xi32, #tpu.memory_space<hbm>> -> memref<1x1x25x80xi32, #tpu.memory_space<hbm>>
    %dma_start3A_17 = tpu.memref_squeeze %dma_start3A_16 : memref<1x1x25x80xi32, #tpu.memory_space<hbm>> -> memref<25x80xi32, #tpu.memory_space<hbm>>
    tpu.enqueue_dma source(%dma_start3A_17 : memref<25x80xi32, #tpu.memory_space<hbm>>) target(%arg7 : memref<25x80xi32, #tpu.memory_space<vmem>>) target_semaphore(%arg13 : memref<!tpu.dma_semaphore, #tpu.memory_space<semaphore_mem>>)
    %broadcast_in_dim3A = arith.constant 0.000000e+00 : f32
    %broadcast_in_dim3A_18 = vector.broadcast %broadcast_in_dim3A : f32 to vector<16xf32>
    %scan3A = arith.constant 0 : i32
    %scan3A_19 = arith.constant 0 : i32
    %scan3A_20 = arith.constant 640 : i32
    %scan3A_21 = arith.addi %scan3A_19, %scan3A_20 : i32
    %scan3A_22 = arith.constant 1 : i32
    scf.for %scan3A_430 = %scan3A_19 to %scan3A_21 step %scan3A_22  : i32 {
      %jit3A_431 = arith.constant 8 : i32
      %div3A_432 = arith.divsi %scan3A_430, %jit3A_431 : i32
      %sign3A_433 = arith.constant 0 : i32
      %sign3A_434 = arith.cmpi sgt, %scan3A_430, %sign3A_433 : i32
      %sign3A_435 = arith.extui %sign3A_434 : i1 to i32
      %sign3A_436 = arith.constant 0 : i32
      %sign3A_437 = arith.cmpi slt, %scan3A_430, %sign3A_436 : i32
      %sign3A_438 = arith.extui %sign3A_437 : i1 to i32
      %sign3A_439 = arith.subi %sign3A_435, %sign3A_438 : i32
      %sign3A_440 = arith.constant 0 : i32
      %sign3A_441 = arith.cmpi sgt, %jit3A_431, %sign3A_440 : i32
      %sign3A_442 = arith.extui %sign3A_441 : i1 to i32
      %sign3A_443 = arith.constant 0 : i32
      %sign3A_444 = arith.cmpi slt, %jit3A_431, %sign3A_443 : i32
      %sign3A_445 = arith.extui %sign3A_444 : i1 to i32
      %sign3A_446 = arith.subi %sign3A_442, %sign3A_445 : i32
      %ne3A_447 = arith.cmpi ne, %sign3A_439, %sign3A_446 : i32
      %rem3A_448 = arith.remsi %scan3A_430, %jit3A_431 : i32
      %ne3A_449 = arith.constant 0 : i32
      %ne3A_450 = arith.cmpi ne, %rem3A_448, %ne3A_449 : i32
      %and3A_451 = arith.andi %ne3A_447, %ne3A_450 : i1
      %sub3A_452 = arith.constant 1 : i32
      %sub3A_453 = arith.subi %div3A_432, %sub3A_452 : i32
      %select_n3A_454 = arith.select %and3A_451, %sub3A_453, %div3A_432 : i32
      %jit3A_455 = arith.constant 8 : i32
      %eq3A = arith.constant 0 : i32
      %eq3A_456 = arith.cmpi eq, %jit3A_455, %eq3A : i32
      %jit3A_457 = arith.constant 1 : i32
      %select_n3A_458 = arith.select %eq3A_456, %jit3A_457, %jit3A_455 : i32
      %rem3A_459 = arith.remsi %scan3A_430, %select_n3A_458 : i32
      %ne3A_460 = arith.constant 0 : i32
      %ne3A_461 = arith.cmpi ne, %rem3A_459, %ne3A_460 : i32
      %lt3A = arith.constant 0 : i32
      %lt3A_462 = arith.cmpi slt, %rem3A_459, %lt3A : i32
      %lt3A_463 = arith.constant 0 : i32
      %lt3A_464 = arith.cmpi slt, %select_n3A_458, %lt3A_463 : i32
      %ne3A_465 = arith.xori %lt3A_462, %lt3A_464 : i1
      %and3A_466 = arith.andi %ne3A_465, %ne3A_461 : i1
      %add3A_467 = arith.addi %rem3A_459, %select_n3A_458 : i32
      %select_n3A_468 = arith.select %and3A_466, %add3A_467, %rem3A_459 : i32
      %mul3A_469 = arith.constant 16 : i32
      %mul3A_470 = arith.muli %select_n3A_468, %mul3A_469 : i32
      %swap3A = arith.index_cast %select_n3A_454 : i32 to index
      %swap3A_471 = arith.index_cast %mul3A_470 : i32 to index
      %swap3A_472 = tpu.vector_load %arg8[%swap3A, %swap3A_471] {strides = array<i32>} : memref<80x128xf32, #tpu.memory_space<vmem>>, vector<1x16xf32>,
      %swap3A_473 = vector.shape_cast %swap3A_472 : vector<1x16xf32> to vector<16xf32>
      %swap3A_474 = vector.shape_cast %broadcast_in_dim3A_18 : vector<16xf32> to vector<1x16xf32>
      tpu.vector_store %arg8[%swap3A, %swap3A_471], %swap3A_474 {strides = array<i32>} : memref<80x128xf32, #tpu.memory_space<vmem>>, vector<1x16xf32>,
    }
    %scan3A_23 = arith.constant 640 : i32
    %sub3A = arith.constant 125 : i32
    %sub3A_24 = arith.subi %sub3A, %arg1 : i32
    %add3A_25 = arith.constant 16 : i32
    %add3A_26 = arith.addi %sub3A_24, %add3A_25 : i32
    %sub3A_27 = arith.constant 1 : i32
    %sub3A_28 = arith.subi %add3A_26, %sub3A_27 : i32
    %jit3A = arith.constant 16 : i32
    %div3A = arith.divsi %sub3A_28, %jit3A : i32
    %sign3A = arith.constant 0 : i32
    %sign3A_29 = arith.cmpi sgt, %sub3A_28, %sign3A : i32
    %sign3A_30 = arith.extui %sign3A_29 : i1 to i32
    %sign3A_31 = arith.constant 0 : i32
    %sign3A_32 = arith.cmpi slt, %sub3A_28, %sign3A_31 : i32
    %sign3A_33 = arith.extui %sign3A_32 : i1 to i32
    %sign3A_34 = arith.subi %sign3A_30, %sign3A_33 : i32
    %sign3A_35 = arith.constant 0 : i32
    %sign3A_36 = arith.cmpi sgt, %jit3A, %sign3A_35 : i32
    %sign3A_37 = arith.extui %sign3A_36 : i1 to i32
    %sign3A_38 = arith.constant 0 : i32
    %sign3A_39 = arith.cmpi slt, %jit3A, %sign3A_38 : i32
    %sign3A_40 = arith.extui %sign3A_39 : i1 to i32
    %sign3A_41 = arith.subi %sign3A_37, %sign3A_40 : i32
    %ne3A = arith.cmpi ne, %sign3A_34, %sign3A_41 : i32
    %rem3A = arith.remsi %sub3A_28, %jit3A : i32
    %ne3A_42 = arith.constant 0 : i32
    %ne3A_43 = arith.cmpi ne, %rem3A, %ne3A_42 : i32
    %and3A = arith.andi %ne3A, %ne3A_43 : i1
    %sub3A_44 = arith.constant 1 : i32
    %sub3A_45 = arith.subi %div3A, %sub3A_44 : i32
    %select_n3A = arith.select %and3A, %sub3A_45, %div3A : i32
    %while3A = arith.constant 0 : i32
    %while3A_46 = arith.constant 0 : i32
    %while3A_47 = arith.subi %select_n3A, %while3A_46 : i32
    %while3A_48 = arith.addi %while3A_46, %while3A_47 : i32
    %while3A_49 = arith.constant 1 : i32
    %while3A_50 = arith.divsi %while3A_47, %while3A_49 : i32
    %while3A_51 = arith.muli %while3A_50, %while3A_49 : i32
    %while3A_52 = arith.addi %while3A_46, %while3A_51 : i32
    %while3A_53 = arith.constant 1 : i32
    scf.for %while3A_430 = %while3A_46 to %while3A_52 step %while3A_53  : i32 {
      %mul3A_431 = arith.constant 16 : i32
      %mul3A_432 = arith.muli %while3A_430, %mul3A_431 : i32
      %add3A_433 = arith.addi %arg1, %mul3A_432 : i32
      %mul3A_434 = arith.constant 80 : i32
      %mul3A_435 = arith.muli %add3A_433, %mul3A_434 : i32
      "tpu.region"() ({
        %run_scoped3A_436 = tpu.sem_alloc : memref<!tpu.dma_semaphore, #tpu.memory_space<semaphore_mem>>
        %dma_start3A_437 = arith.constant 0 : i32
        %dma_start3A_438 = tpu.memref_slice %arg12[%mul3A_435, %dma_start3A_437] : memref<10000x128xf32, #tpu.memory_space<vmem_shared>> -> memref<80x128xf32, #tpu.memory_space<vmem_shared>>
        %dma_start3A_439 = arith.constant 0 : i32
        %dma_start3A_440 = tpu.memref_slice %arg12[%mul3A_435, %dma_start3A_439] : memref<10000x128xf32, #tpu.memory_space<vmem_shared>> -> memref<80x128xf32, #tpu.memory_space<vmem_shared>>
        tpu.enqueue_dma source(%arg8 : memref<80x128xf32, #tpu.memory_space<vmem>>) target(%dma_start3A_440 : memref<80x128xf32, #tpu.memory_space<vmem_shared>>) target_semaphore(%run_scoped3A_436 : memref<!tpu.dma_semaphore, #tpu.memory_space<semaphore_mem>>)
        %dma_wait3A_441 = arith.constant 0 : i32
        %dma_wait3A_442 = tpu.memref_slice %arg12[%mul3A_435, %dma_wait3A_441] : memref<10000x128xf32, #tpu.memory_space<vmem_shared>> -> memref<80x128xf32, #tpu.memory_space<vmem_shared>>
        %dma_wait3A_443 = arith.constant 0 : i32
        %dma_wait3A_444 = tpu.memref_slice %arg12[%mul3A_435, %dma_wait3A_443] : memref<10000x128xf32, #tpu.memory_space<vmem_shared>> -> memref<80x128xf32, #tpu.memory_space<vmem_shared>>
        tpu.wait_dma2 semaphore(%run_scoped3A_436 : memref<!tpu.dma_semaphore, #tpu.memory_space<semaphore_mem>>) src(%arg8 : memref<80x128xf32, #tpu.memory_space<vmem>>) dst(%dma_wait3A_444 : memref<80x128xf32, #tpu.memory_space<vmem_shared>>)
        tpu.yield
      }) : () -> ()
    }
    %while3A_54 = arith.constant 1 : i32
    scf.for %while3A_430 = %while3A_52 to %while3A_48 step %while3A_54  : i32 {
      %mul3A_431 = arith.constant 16 : i32
      %mul3A_432 = arith.muli %while3A_430, %mul3A_431 : i32
      %add3A_433 = arith.addi %arg1, %mul3A_432 : i32
      %mul3A_434 = arith.constant 80 : i32
      %mul3A_435 = arith.muli %add3A_433, %mul3A_434 : i32
      "tpu.region"() ({
        %run_scoped3A_436 = tpu.sem_alloc : memref<!tpu.dma_semaphore, #tpu.memory_space<semaphore_mem>>
        %dma_start3A_437 = arith.constant 0 : i32
        %dma_start3A_438 = tpu.memref_slice %arg12[%mul3A_435, %dma_start3A_437] : memref<10000x128xf32, #tpu.memory_space<vmem_shared>> -> memref<80x128xf32, #tpu.memory_space<vmem_shared>>
        %dma_start3A_439 = arith.constant 0 : i32
        %dma_start3A_440 = tpu.memref_slice %arg12[%mul3A_435, %dma_start3A_439] : memref<10000x128xf32, #tpu.memory_space<vmem_shared>> -> memref<80x128xf32, #tpu.memory_space<vmem_shared>>
        tpu.enqueue_dma source(%arg8 : memref<80x128xf32, #tpu.memory_space<vmem>>) target(%dma_start3A_440 : memref<80x128xf32, #tpu.memory_space<vmem_shared>>) target_semaphore(%run_scoped3A_436 : memref<!tpu.dma_semaphore, #tpu.memory_space<semaphore_mem>>)
        %dma_wait3A_441 = arith.constant 0 : i32
        %dma_wait3A_442 = tpu.memref_slice %arg12[%mul3A_435, %dma_wait3A_441] : memref<10000x128xf32, #tpu.memory_space<vmem_shared>> -> memref<80x128xf32, #tpu.memory_space<vmem_shared>>
        %dma_wait3A_443 = arith.constant 0 : i32
        %dma_wait3A_444 = tpu.memref_slice %arg12[%mul3A_435, %dma_wait3A_443] : memref<10000x128xf32, #tpu.memory_space<vmem_shared>> -> memref<80x128xf32, #tpu.memory_space<vmem_shared>>
        tpu.wait_dma2 semaphore(%run_scoped3A_436 : memref<!tpu.dma_semaphore, #tpu.memory_space<semaphore_mem>>) src(%arg8 : memref<80x128xf32, #tpu.memory_space<vmem>>) dst(%dma_wait3A_444 : memref<80x128xf32, #tpu.memory_space<vmem_shared>>)
        tpu.yield
      }) : () -> ()
    }
    %barrier3A = arith.constant 0 : index
    tpu.barrier barrier_id(%barrier3A)
    %dma_wait3A = arith.constant 0 : i32
    %dma_wait3A_55 = arith.constant 0 : i32
    %dma_wait3A_56 = arith.constant 0 : i32
    %dma_wait3A_57 = tpu.memref_slice %arg2[%add3A, %dma_wait3A, %dma_wait3A_55, %dma_wait3A_56] : memref<32x5x25x80xi32, #tpu.memory_space<hbm>> -> memref<1x1x25x80xi32, #tpu.memory_space<hbm>>
    %dma_wait3A_58 = tpu.memref_squeeze %dma_wait3A_57 : memref<1x1x25x80xi32, #tpu.memory_space<hbm>> -> memref<25x80xi32, #tpu.memory_space<hbm>>
    %dma_wait3A_59 = arith.constant 0 : i32
    %dma_wait3A_60 = arith.constant 0 : i32
    %dma_wait3A_61 = tpu.memref_slice %arg2[%add3A, %dma_wait3A, %dma_wait3A_59, %dma_wait3A_60] : memref<32x5x25x80xi32, #tpu.memory_space<hbm>> -> memref<1x1x25x80xi32, #tpu.memory_space<hbm>>
    %dma_wait3A_62 = tpu.memref_squeeze %dma_wait3A_61 : memref<1x1x25x80xi32, #tpu.memory_space<hbm>> -> memref<25x80xi32, #tpu.memory_space<hbm>>
    tpu.wait_dma2 semaphore(%arg13 : memref<!tpu.dma_semaphore, #tpu.memory_space<semaphore_mem>>) src(%dma_wait3A_62 : memref<25x80xi32, #tpu.memory_space<hbm>>) dst(%arg6 : memref<25x80xi32, #tpu.memory_space<vmem>>)
    %dma_wait3A_63 = arith.constant 0 : i32
    %dma_wait3A_64 = arith.constant 0 : i32
    %dma_wait3A_65 = arith.constant 0 : i32
    %dma_wait3A_66 = tpu.memref_slice %arg3[%add3A, %dma_wait3A_63, %dma_wait3A_64, %dma_wait3A_65] : memref<32x5x25x80xi32, #tpu.memory_space<hbm>> -> memref<1x1x25x80xi32, #tpu.memory_space<hbm>>
    %dma_wait3A_67 = tpu.memref_squeeze %dma_wait3A_66 : memref<1x1x25x80xi32, #tpu.memory_space<hbm>> -> memref<25x80xi32, #tpu.memory_space<hbm>>
    %dma_wait3A_68 = arith.constant 0 : i32
    %dma_wait3A_69 = arith.constant 0 : i32
    %dma_wait3A_70 = tpu.memref_slice %arg3[%add3A, %dma_wait3A_63, %dma_wait3A_68, %dma_wait3A_69] : memref<32x5x25x80xi32, #tpu.memory_space<hbm>> -> memref<1x1x25x80xi32, #tpu.memory_space<hbm>>
    %dma_wait3A_71 = tpu.memref_squeeze %dma_wait3A_70 : memref<1x1x25x80xi32, #tpu.memory_space<hbm>> -> memref<25x80xi32, #tpu.memory_space<hbm>>
    tpu.wait_dma2 semaphore(%arg13 : memref<!tpu.dma_semaphore, #tpu.memory_space<semaphore_mem>>) src(%dma_wait3A_71 : memref<25x80xi32, #tpu.memory_space<hbm>>) dst(%arg7 : memref<25x80xi32, #tpu.memory_space<vmem>>)
    %dma_start3A_72 = arith.constant 0 : i32
    %dma_start3A_73 = arith.constant 0 : i32
    %dma_start3A_74 = tpu.memref_slice %arg6[%dma_start3A_72, %dma_start3A_73] : memref<25x80xi32, #tpu.memory_space<vmem>> -> memref<1x80xi32, #tpu.memory_space<vmem>>
    %dma_start3A_75 = tpu.memref_squeeze %dma_start3A_74 : memref<1x80xi32, #tpu.memory_space<vmem>> -> memref<80xi32, #tpu.memory_space<vmem>>
    %dma_start3A_76 = arith.constant 0 : i32
    %dma_start3A_77 = arith.constant 0 : i32
    %dma_start3A_78 = tpu.memref_slice %arg4[%dma_start3A_76, %dma_start3A_77] : memref<10000x128xf32, #tpu.memory_space<hbm>> -> memref<10000x128xf32, #tpu.memory_space<hbm>>
    tpu.enqueue_indirect_dma source(%dma_start3A_78 : memref<10000x128xf32, #tpu.memory_space<hbm>>) target(%arg8 : memref<80x128xf32, #tpu.memory_space<vmem>>) offsets(%dma_start3A_75 : memref<80xi32, #tpu.memory_space<vmem>>) semaphore(%arg13 : memref<!tpu.dma_semaphore, #tpu.memory_space<semaphore_mem>>)
    %dma_start3A_79 = arith.constant 1 : i32
    %dma_start3A_80 = arith.constant 0 : i32
    %dma_start3A_81 = tpu.memref_slice %arg6[%dma_start3A_79, %dma_start3A_80] : memref<25x80xi32, #tpu.memory_space<vmem>> -> memref<1x80xi32, #tpu.memory_space<vmem>>
    %dma_start3A_82 = tpu.memref_squeeze %dma_start3A_81 : memref<1x80xi32, #tpu.memory_space<vmem>> -> memref<80xi32, #tpu.memory_space<vmem>>
    %dma_start3A_83 = arith.constant 0 : i32
    %dma_start3A_84 = arith.constant 0 : i32
    %dma_start3A_85 = tpu.memref_slice %arg4[%dma_start3A_83, %dma_start3A_84] : memref<10000x128xf32, #tpu.memory_space<hbm>> -> memref<10000x128xf32, #tpu.memory_space<hbm>>
    tpu.enqueue_indirect_dma source(%dma_start3A_85 : memref<10000x128xf32, #tpu.memory_space<hbm>>) target(%arg9 : memref<80x128xf32, #tpu.memory_space<vmem>>) offsets(%dma_start3A_82 : memref<80xi32, #tpu.memory_space<vmem>>) semaphore(%arg14 : memref<!tpu.dma_semaphore, #tpu.memory_space<semaphore_mem>>)
    %dma_start3A_86 = arith.constant 2 : i32
    %dma_start3A_87 = arith.constant 0 : i32
    %dma_start3A_88 = tpu.memref_slice %arg6[%dma_start3A_86, %dma_start3A_87] : memref<25x80xi32, #tpu.memory_space<vmem>> -> memref<1x80xi32, #tpu.memory_space<vmem>>
    %dma_start3A_89 = tpu.memref_squeeze %dma_start3A_88 : memref<1x80xi32, #tpu.memory_space<vmem>> -> memref<80xi32, #tpu.memory_space<vmem>>
    %dma_start3A_90 = arith.constant 0 : i32
    %dma_start3A_91 = arith.constant 0 : i32
    %dma_start3A_92 = tpu.memref_slice %arg4[%dma_start3A_90, %dma_start3A_91] : memref<10000x128xf32, #tpu.memory_space<hbm>> -> memref<10000x128xf32, #tpu.memory_space<hbm>>
    tpu.enqueue_indirect_dma source(%dma_start3A_92 : memref<10000x128xf32, #tpu.memory_space<hbm>>) target(%arg10 : memref<80x128xf32, #tpu.memory_space<vmem>>) offsets(%dma_start3A_89 : memref<80xi32, #tpu.memory_space<vmem>>) semaphore(%arg15 : memref<!tpu.dma_semaphore, #tpu.memory_space<semaphore_mem>>)
    %dma_start3A_93 = arith.constant 3 : i32
    %dma_start3A_94 = arith.constant 0 : i32
    %dma_start3A_95 = tpu.memref_slice %arg6[%dma_start3A_93, %dma_start3A_94] : memref<25x80xi32, #tpu.memory_space<vmem>> -> memref<1x80xi32, #tpu.memory_space<vmem>>
    %dma_start3A_96 = tpu.memref_squeeze %dma_start3A_95 : memref<1x80xi32, #tpu.memory_space<vmem>> -> memref<80xi32, #tpu.memory_space<vmem>>
    %dma_start3A_97 = arith.constant 0 : i32
    %dma_start3A_98 = arith.constant 0 : i32
    %dma_start3A_99 = tpu.memref_slice %arg4[%dma_start3A_97, %dma_start3A_98] : memref<10000x128xf32, #tpu.memory_space<hbm>> -> memref<10000x128xf32, #tpu.memory_space<hbm>>
    tpu.enqueue_indirect_dma source(%dma_start3A_99 : memref<10000x128xf32, #tpu.memory_space<hbm>>) target(%arg11 : memref<80x128xf32, #tpu.memory_space<vmem>>) offsets(%dma_start3A_96 : memref<80xi32, #tpu.memory_space<vmem>>) semaphore(%arg16 : memref<!tpu.dma_semaphore, #tpu.memory_space<semaphore_mem>>)
    %scan3A_100 = arith.constant 0 : i32
    %scan3A_101 = arith.constant 0 : i32
    %scan3A_102 = arith.constant 7 : i32
    %scan3A_103 = arith.addi %scan3A_101, %scan3A_102 : i32
    %scan3A_104 = arith.constant 1 : i32
    scf.for %scan3A_430 = %scan3A_101 to %scan3A_103 step %scan3A_104  : i32 {
      %mul3A_431 = arith.constant 4 : i32
      %mul3A_432 = arith.muli %scan3A_430, %mul3A_431 : i32
      %add3A_433 = arith.constant 0 : i32
      %add3A_434 = arith.addi %mul3A_432, %add3A_433 : i32
      %lt3A = arith.constant 25 : i32
      %lt3A_435 = arith.cmpi slt, %add3A_434, %lt3A : i32
      %convert_element_type3A = arith.extui %lt3A_435 : i1 to i32
      %cond3A = arith.constant 0 : i32
      %cond3A_436 = arith.cmpi ne, %convert_element_type3A, %cond3A : i32
      scf.if %cond3A_436 {
        %dma_wait3A_494 = arith.constant 0 : i32
        %dma_wait3A_495 = arith.constant 0 : i32
        %dma_wait3A_496 = tpu.memref_slice %arg6[%dma_wait3A_494, %dma_wait3A_495] : memref<25x80xi32, #tpu.memory_space<vmem>> -> memref<1x80xi32, #tpu.memory_space<vmem>>
        %dma_wait3A_497 = tpu.memref_squeeze %dma_wait3A_496 : memref<1x80xi32, #tpu.memory_space<vmem>> -> memref<80xi32, #tpu.memory_space<vmem>>
        %dma_wait3A_498 = arith.constant 0 : i32
        %dma_wait3A_499 = arith.constant 0 : i32
        %dma_wait3A_500 = tpu.memref_slice %arg4[%dma_wait3A_498, %dma_wait3A_499] : memref<10000x128xf32, #tpu.memory_space<hbm>> -> memref<10000x128xf32, #tpu.memory_space<hbm>>
        tpu.wait_indirect_dma semaphore(%arg13 : memref<!tpu.dma_semaphore, #tpu.memory_space<semaphore_mem>>) src(%dma_wait3A_500 : memref<10000x128xf32, #tpu.memory_space<hbm>>) dst(%arg8 : memref<80x128xf32, #tpu.memory_space<vmem>>)
        %add3A_501 = arith.constant 0 : i32
        %add3A_502 = arith.addi %mul3A_432, %add3A_501 : i32
        %dma_start3A_503 = arith.constant 0 : i32
        %dma_start3A_504 = tpu.memref_slice %arg7[%add3A_502, %dma_start3A_503] : memref<25x80xi32, #tpu.memory_space<vmem>> -> memref<1x80xi32, #tpu.memory_space<vmem>>
        %dma_start3A_505 = tpu.memref_squeeze %dma_start3A_504 : memref<1x80xi32, #tpu.memory_space<vmem>> -> memref<80xi32, #tpu.memory_space<vmem>>
        %dma_start3A_506 = arith.constant 0 : i32
        %dma_start3A_507 = arith.constant 0 : i32
        %dma_start3A_508 = tpu.memref_slice %arg12[%dma_start3A_506, %dma_start3A_507] : memref<10000x128xf32, #tpu.memory_space<vmem_shared>> -> memref<10000x128xf32, #tpu.memory_space<vmem_shared>>
        tpu.enqueue_indirect_dma source(%arg8 : memref<80x128xf32, #tpu.memory_space<vmem>>) target(%dma_start3A_508 : memref<10000x128xf32, #tpu.memory_space<vmem_shared>>) offsets(%dma_start3A_505 : memref<80xi32, #tpu.memory_space<vmem>>) semaphore(%arg17 : memref<!tpu.dma_semaphore, #tpu.memory_space<semaphore_mem>>) {add = true}
      } else {
      }
      %add3A_437 = arith.constant 1 : i32
      %add3A_438 = arith.addi %mul3A_432, %add3A_437 : i32
      %lt3A_439 = arith.constant 25 : i32
      %lt3A_440 = arith.cmpi slt, %add3A_438, %lt3A_439 : i32
      %convert_element_type3A_441 = arith.extui %lt3A_440 : i1 to i32
      %cond3A_442 = arith.constant 0 : i32
      %cond3A_443 = arith.cmpi ne, %convert_element_type3A_441, %cond3A_442 : i32
      scf.if %cond3A_443 {
        %dma_wait3A_494 = arith.constant 0 : i32
        %dma_wait3A_495 = arith.constant 0 : i32
        %dma_wait3A_496 = tpu.memref_slice %arg6[%dma_wait3A_494, %dma_wait3A_495] : memref<25x80xi32, #tpu.memory_space<vmem>> -> memref<1x80xi32, #tpu.memory_space<vmem>>
        %dma_wait3A_497 = tpu.memref_squeeze %dma_wait3A_496 : memref<1x80xi32, #tpu.memory_space<vmem>> -> memref<80xi32, #tpu.memory_space<vmem>>
        %dma_wait3A_498 = arith.constant 0 : i32
        %dma_wait3A_499 = arith.constant 0 : i32
        %dma_wait3A_500 = tpu.memref_slice %arg4[%dma_wait3A_498, %dma_wait3A_499] : memref<10000x128xf32, #tpu.memory_space<hbm>> -> memref<10000x128xf32, #tpu.memory_space<hbm>>
        tpu.wait_indirect_dma semaphore(%arg14 : memref<!tpu.dma_semaphore, #tpu.memory_space<semaphore_mem>>) src(%dma_wait3A_500 : memref<10000x128xf32, #tpu.memory_space<hbm>>) dst(%arg9 : memref<80x128xf32, #tpu.memory_space<vmem>>)
        %add3A_501 = arith.constant 1 : i32
        %add3A_502 = arith.addi %mul3A_432, %add3A_501 : i32
        %dma_start3A_503 = arith.constant 0 : i32
        %dma_start3A_504 = tpu.memref_slice %arg7[%add3A_502, %dma_start3A_503] : memref<25x80xi32, #tpu.memory_space<vmem>> -> memref<1x80xi32, #tpu.memory_space<vmem>>
        %dma_start3A_505 = tpu.memref_squeeze %dma_start3A_504 : memref<1x80xi32, #tpu.memory_space<vmem>> -> memref<80xi32, #tpu.memory_space<vmem>>
        %dma_start3A_506 = arith.constant 0 : i32
        %dma_start3A_507 = arith.constant 0 : i32
        %dma_start3A_508 = tpu.memref_slice %arg12[%dma_start3A_506, %dma_start3A_507] : memref<10000x128xf32, #tpu.memory_space<vmem_shared>> -> memref<10000x128xf32, #tpu.memory_space<vmem_shared>>
        tpu.enqueue_indirect_dma source(%arg9 : memref<80x128xf32, #tpu.memory_space<vmem>>) target(%dma_start3A_508 : memref<10000x128xf32, #tpu.memory_space<vmem_shared>>) offsets(%dma_start3A_505 : memref<80xi32, #tpu.memory_space<vmem>>) semaphore(%arg18 : memref<!tpu.dma_semaphore, #tpu.memory_space<semaphore_mem>>) {add = true}
      } else {
      }
      %add3A_444 = arith.constant 2 : i32
      %add3A_445 = arith.addi %mul3A_432, %add3A_444 : i32
      %lt3A_446 = arith.constant 25 : i32
      %lt3A_447 = arith.cmpi slt, %add3A_445, %lt3A_446 : i32
      %convert_element_type3A_448 = arith.extui %lt3A_447 : i1 to i32
      %cond3A_449 = arith.constant 0 : i32
      %cond3A_450 = arith.cmpi ne, %convert_element_type3A_448, %cond3A_449 : i32
      scf.if %cond3A_450 {
        %dma_wait3A_494 = arith.constant 0 : i32
        %dma_wait3A_495 = arith.constant 0 : i32
        %dma_wait3A_496 = tpu.memref_slice %arg6[%dma_wait3A_494, %dma_wait3A_495] : memref<25x80xi32, #tpu.memory_space<vmem>> -> memref<1x80xi32, #tpu.memory_space<vmem>>
        %dma_wait3A_497 = tpu.memref_squeeze %dma_wait3A_496 : memref<1x80xi32, #tpu.memory_space<vmem>> -> memref<80xi32, #tpu.memory_space<vmem>>
        %dma_wait3A_498 = arith.constant 0 : i32
        %dma_wait3A_499 = arith.constant 0 : i32
        %dma_wait3A_500 = tpu.memref_slice %arg4[%dma_wait3A_498, %dma_wait3A_499] : memref<10000x128xf32, #tpu.memory_space<hbm>> -> memref<10000x128xf32, #tpu.memory_space<hbm>>
        tpu.wait_indirect_dma semaphore(%arg15 : memref<!tpu.dma_semaphore, #tpu.memory_space<semaphore_mem>>) src(%dma_wait3A_500 : memref<10000x128xf32, #tpu.memory_space<hbm>>) dst(%arg10 : memref<80x128xf32, #tpu.memory_space<vmem>>)
        %add3A_501 = arith.constant 2 : i32
        %add3A_502 = arith.addi %mul3A_432, %add3A_501 : i32
        %dma_start3A_503 = arith.constant 0 : i32
        %dma_start3A_504 = tpu.memref_slice %arg7[%add3A_502, %dma_start3A_503] : memref<25x80xi32, #tpu.memory_space<vmem>> -> memref<1x80xi32, #tpu.memory_space<vmem>>
        %dma_start3A_505 = tpu.memref_squeeze %dma_start3A_504 : memref<1x80xi32, #tpu.memory_space<vmem>> -> memref<80xi32, #tpu.memory_space<vmem>>
        %dma_start3A_506 = arith.constant 0 : i32
        %dma_start3A_507 = arith.constant 0 : i32
        %dma_start3A_508 = tpu.memref_slice %arg12[%dma_start3A_506, %dma_start3A_507] : memref<10000x128xf32, #tpu.memory_space<vmem_shared>> -> memref<10000x128xf32, #tpu.memory_space<vmem_shared>>
        tpu.enqueue_indirect_dma source(%arg10 : memref<80x128xf32, #tpu.memory_space<vmem>>) target(%dma_start3A_508 : memref<10000x128xf32, #tpu.memory_space<vmem_shared>>) offsets(%dma_start3A_505 : memref<80xi32, #tpu.memory_space<vmem>>) semaphore(%arg19 : memref<!tpu.dma_semaphore, #tpu.memory_space<semaphore_mem>>) {add = true}
      } else {
      }
      %add3A_451 = arith.constant 3 : i32
      %add3A_452 = arith.addi %mul3A_432, %add3A_451 : i32
      %lt3A_453 = arith.constant 25 : i32
      %lt3A_454 = arith.cmpi slt, %add3A_452, %lt3A_453 : i32
      %convert_element_type3A_455 = arith.extui %lt3A_454 : i1 to i32
      %cond3A_456 = arith.constant 0 : i32
      %cond3A_457 = arith.cmpi ne, %convert_element_type3A_455, %cond3A_456 : i32
      scf.if %cond3A_457 {
        %dma_wait3A_494 = arith.constant 0 : i32
        %dma_wait3A_495 = arith.constant 0 : i32
        %dma_wait3A_496 = tpu.memref_slice %arg6[%dma_wait3A_494, %dma_wait3A_495] : memref<25x80xi32, #tpu.memory_space<vmem>> -> memref<1x80xi32, #tpu.memory_space<vmem>>
        %dma_wait3A_497 = tpu.memref_squeeze %dma_wait3A_496 : memref<1x80xi32, #tpu.memory_space<vmem>> -> memref<80xi32, #tpu.memory_space<vmem>>
        %dma_wait3A_498 = arith.constant 0 : i32
        %dma_wait3A_499 = arith.constant 0 : i32
        %dma_wait3A_500 = tpu.memref_slice %arg4[%dma_wait3A_498, %dma_wait3A_499] : memref<10000x128xf32, #tpu.memory_space<hbm>> -> memref<10000x128xf32, #tpu.memory_space<hbm>>
        tpu.wait_indirect_dma semaphore(%arg16 : memref<!tpu.dma_semaphore, #tpu.memory_space<semaphore_mem>>) src(%dma_wait3A_500 : memref<10000x128xf32, #tpu.memory_space<hbm>>) dst(%arg11 : memref<80x128xf32, #tpu.memory_space<vmem>>)
        %add3A_501 = arith.constant 3 : i32
        %add3A_502 = arith.addi %mul3A_432, %add3A_501 : i32
        %dma_start3A_503 = arith.constant 0 : i32
        %dma_start3A_504 = tpu.memref_slice %arg7[%add3A_502, %dma_start3A_503] : memref<25x80xi32, #tpu.memory_space<vmem>> -> memref<1x80xi32, #tpu.memory_space<vmem>>
        %dma_start3A_505 = tpu.memref_squeeze %dma_start3A_504 : memref<1x80xi32, #tpu.memory_space<vmem>> -> memref<80xi32, #tpu.memory_space<vmem>>
        %dma_start3A_506 = arith.constant 0 : i32
        %dma_start3A_507 = arith.constant 0 : i32
        %dma_start3A_508 = tpu.memref_slice %arg12[%dma_start3A_506, %dma_start3A_507] : memref<10000x128xf32, #tpu.memory_space<vmem_shared>> -> memref<10000x128xf32, #tpu.memory_space<vmem_shared>>
        tpu.enqueue_indirect_dma source(%arg11 : memref<80x128xf32, #tpu.memory_space<vmem>>) target(%dma_start3A_508 : memref<10000x128xf32, #tpu.memory_space<vmem_shared>>) offsets(%dma_start3A_505 : memref<80xi32, #tpu.memory_space<vmem>>) semaphore(%arg20 : memref<!tpu.dma_semaphore, #tpu.memory_space<semaphore_mem>>) {add = true}
      } else {
      }
      %add3A_458 = arith.constant 0 : i32
      %add3A_459 = arith.addi %mul3A_432, %add3A_458 : i32
      %add3A_460 = arith.constant 4 : i32
      %add3A_461 = arith.addi %add3A_459, %add3A_460 : i32
      %lt3A_462 = arith.constant 25 : i32
      %lt3A_463 = arith.cmpi slt, %add3A_461, %lt3A_462 : i32
      %convert_element_type3A_464 = arith.extui %lt3A_463 : i1 to i32
      %cond3A_465 = arith.constant 0 : i32
      %cond3A_466 = arith.cmpi ne, %convert_element_type3A_464, %cond3A_465 : i32
      scf.if %cond3A_466 {
        %dma_wait3A_494 = arith.constant 0 : i32
        %dma_wait3A_495 = arith.constant 0 : i32
        %dma_wait3A_496 = tpu.memref_slice %arg7[%dma_wait3A_494, %dma_wait3A_495] : memref<25x80xi32, #tpu.memory_space<vmem>> -> memref<1x80xi32, #tpu.memory_space<vmem>>
        %dma_wait3A_497 = tpu.memref_squeeze %dma_wait3A_496 : memref<1x80xi32, #tpu.memory_space<vmem>> -> memref<80xi32, #tpu.memory_space<vmem>>
        %dma_wait3A_498 = arith.constant 0 : i32
        %dma_wait3A_499 = arith.constant 0 : i32
        %dma_wait3A_500 = tpu.memref_slice %arg12[%dma_wait3A_498, %dma_wait3A_499] : memref<10000x128xf32, #tpu.memory_space<vmem_shared>> -> memref<10000x128xf32, #tpu.memory_space<vmem_shared>>
        tpu.wait_indirect_dma semaphore(%arg17 : memref<!tpu.dma_semaphore, #tpu.memory_space<semaphore_mem>>) src(%arg8 : memref<80x128xf32, #tpu.memory_space<vmem>>) dst(%dma_wait3A_500 : memref<10000x128xf32, #tpu.memory_space<vmem_shared>>)
        %add3A_501 = arith.constant 0 : i32
        %add3A_502 = arith.addi %mul3A_432, %add3A_501 : i32
        %add3A_503 = arith.constant 4 : i32
        %add3A_504 = arith.addi %add3A_502, %add3A_503 : i32
        %dma_start3A_505 = arith.constant 0 : i32
        %dma_start3A_506 = tpu.memref_slice %arg6[%add3A_504, %dma_start3A_505] : memref<25x80xi32, #tpu.memory_space<vmem>> -> memref<1x80xi32, #tpu.memory_space<vmem>>
        %dma_start3A_507 = tpu.memref_squeeze %dma_start3A_506 : memref<1x80xi32, #tpu.memory_space<vmem>> -> memref<80xi32, #tpu.memory_space<vmem>>
        %dma_start3A_508 = arith.constant 0 : i32
        %dma_start3A_509 = arith.constant 0 : i32
        %dma_start3A_510 = tpu.memref_slice %arg4[%dma_start3A_508, %dma_start3A_509] : memref<10000x128xf32, #tpu.memory_space<hbm>> -> memref<10000x128xf32, #tpu.memory_space<hbm>>
        tpu.enqueue_indirect_dma source(%dma_start3A_510 : memref<10000x128xf32, #tpu.memory_space<hbm>>) target(%arg8 : memref<80x128xf32, #tpu.memory_space<vmem>>) offsets(%dma_start3A_507 : memref<80xi32, #tpu.memory_space<vmem>>) semaphore(%arg13 : memref<!tpu.dma_semaphore, #tpu.memory_space<semaphore_mem>>)
      } else {
      }
      %add3A_467 = arith.constant 1 : i32
      %add3A_468 = arith.addi %mul3A_432, %add3A_467 : i32
      %add3A_469 = arith.constant 4 : i32
      %add3A_470 = arith.addi %add3A_468, %add3A_469 : i32
      %lt3A_471 = arith.constant 25 : i32
      %lt3A_472 = arith.cmpi slt, %add3A_470, %lt3A_471 : i32
      %convert_element_type3A_473 = arith.extui %lt3A_472 : i1 to i32
      %cond3A_474 = arith.constant 0 : i32
      %cond3A_475 = arith.cmpi ne, %convert_element_type3A_473, %cond3A_474 : i32
      scf.if %cond3A_475 {
        %dma_wait3A_494 = arith.constant 0 : i32
        %dma_wait3A_495 = arith.constant 0 : i32
        %dma_wait3A_496 = tpu.memref_slice %arg7[%dma_wait3A_494, %dma_wait3A_495] : memref<25x80xi32, #tpu.memory_space<vmem>> -> memref<1x80xi32, #tpu.memory_space<vmem>>
        %dma_wait3A_497 = tpu.memref_squeeze %dma_wait3A_496 : memref<1x80xi32, #tpu.memory_space<vmem>> -> memref<80xi32, #tpu.memory_space<vmem>>
        %dma_wait3A_498 = arith.constant 0 : i32
        %dma_wait3A_499 = arith.constant 0 : i32
        %dma_wait3A_500 = tpu.memref_slice %arg12[%dma_wait3A_498, %dma_wait3A_499] : memref<10000x128xf32, #tpu.memory_space<vmem_shared>> -> memref<10000x128xf32, #tpu.memory_space<vmem_shared>>
        tpu.wait_indirect_dma semaphore(%arg18 : memref<!tpu.dma_semaphore, #tpu.memory_space<semaphore_mem>>) src(%arg9 : memref<80x128xf32, #tpu.memory_space<vmem>>) dst(%dma_wait3A_500 : memref<10000x128xf32, #tpu.memory_space<vmem_shared>>)
        %add3A_501 = arith.constant 1 : i32
        %add3A_502 = arith.addi %mul3A_432, %add3A_501 : i32
        %add3A_503 = arith.constant 4 : i32
        %add3A_504 = arith.addi %add3A_502, %add3A_503 : i32
        %dma_start3A_505 = arith.constant 0 : i32
        %dma_start3A_506 = tpu.memref_slice %arg6[%add3A_504, %dma_start3A_505] : memref<25x80xi32, #tpu.memory_space<vmem>> -> memref<1x80xi32, #tpu.memory_space<vmem>>
        %dma_start3A_507 = tpu.memref_squeeze %dma_start3A_506 : memref<1x80xi32, #tpu.memory_space<vmem>> -> memref<80xi32, #tpu.memory_space<vmem>>
        %dma_start3A_508 = arith.constant 0 : i32
        %dma_start3A_509 = arith.constant 0 : i32
        %dma_start3A_510 = tpu.memref_slice %arg4[%dma_start3A_508, %dma_start3A_509] : memref<10000x128xf32, #tpu.memory_space<hbm>> -> memref<10000x128xf32, #tpu.memory_space<hbm>>
        tpu.enqueue_indirect_dma source(%dma_start3A_510 : memref<10000x128xf32, #tpu.memory_space<hbm>>) target(%arg9 : memref<80x128xf32, #tpu.memory_space<vmem>>) offsets(%dma_start3A_507 : memref<80xi32, #tpu.memory_space<vmem>>) semaphore(%arg14 : memref<!tpu.dma_semaphore, #tpu.memory_space<semaphore_mem>>)
      } else {
      }
      %add3A_476 = arith.constant 2 : i32
      %add3A_477 = arith.addi %mul3A_432, %add3A_476 : i32
      %add3A_478 = arith.constant 4 : i32
      %add3A_479 = arith.addi %add3A_477, %add3A_478 : i32
      %lt3A_480 = arith.constant 25 : i32
      %lt3A_481 = arith.cmpi slt, %add3A_479, %lt3A_480 : i32
      %convert_element_type3A_482 = arith.extui %lt3A_481 : i1 to i32
      %cond3A_483 = arith.constant 0 : i32
      %cond3A_484 = arith.cmpi ne, %convert_element_type3A_482, %cond3A_483 : i32
      scf.if %cond3A_484 {
        %dma_wait3A_494 = arith.constant 0 : i32
        %dma_wait3A_495 = arith.constant 0 : i32
        %dma_wait3A_496 = tpu.memref_slice %arg7[%dma_wait3A_494, %dma_wait3A_495] : memref<25x80xi32, #tpu.memory_space<vmem>> -> memref<1x80xi32, #tpu.memory_space<vmem>>
        %dma_wait3A_497 = tpu.memref_squeeze %dma_wait3A_496 : memref<1x80xi32, #tpu.memory_space<vmem>> -> memref<80xi32, #tpu.memory_space<vmem>>
        %dma_wait3A_498 = arith.constant 0 : i32
        %dma_wait3A_499 = arith.constant 0 : i32
        %dma_wait3A_500 = tpu.memref_slice %arg12[%dma_wait3A_498, %dma_wait3A_499] : memref<10000x128xf32, #tpu.memory_space<vmem_shared>> -> memref<10000x128xf32, #tpu.memory_space<vmem_shared>>
        tpu.wait_indirect_dma semaphore(%arg19 : memref<!tpu.dma_semaphore, #tpu.memory_space<semaphore_mem>>) src(%arg10 : memref<80x128xf32, #tpu.memory_space<vmem>>) dst(%dma_wait3A_500 : memref<10000x128xf32, #tpu.memory_space<vmem_shared>>)
        %add3A_501 = arith.constant 2 : i32
        %add3A_502 = arith.addi %mul3A_432, %add3A_501 : i32
        %add3A_503 = arith.constant 4 : i32
        %add3A_504 = arith.addi %add3A_502, %add3A_503 : i32
        %dma_start3A_505 = arith.constant 0 : i32
        %dma_start3A_506 = tpu.memref_slice %arg6[%add3A_504, %dma_start3A_505] : memref<25x80xi32, #tpu.memory_space<vmem>> -> memref<1x80xi32, #tpu.memory_space<vmem>>
        %dma_start3A_507 = tpu.memref_squeeze %dma_start3A_506 : memref<1x80xi32, #tpu.memory_space<vmem>> -> memref<80xi32, #tpu.memory_space<vmem>>
        %dma_start3A_508 = arith.constant 0 : i32
        %dma_start3A_509 = arith.constant 0 : i32
        %dma_start3A_510 = tpu.memref_slice %arg4[%dma_start3A_508, %dma_start3A_509] : memref<10000x128xf32, #tpu.memory_space<hbm>> -> memref<10000x128xf32, #tpu.memory_space<hbm>>
        tpu.enqueue_indirect_dma source(%dma_start3A_510 : memref<10000x128xf32, #tpu.memory_space<hbm>>) target(%arg10 : memref<80x128xf32, #tpu.memory_space<vmem>>) offsets(%dma_start3A_507 : memref<80xi32, #tpu.memory_space<vmem>>) semaphore(%arg15 : memref<!tpu.dma_semaphore, #tpu.memory_space<semaphore_mem>>)
      } else {
      }
      %add3A_485 = arith.constant 3 : i32
      %add3A_486 = arith.addi %mul3A_432, %add3A_485 : i32
      %add3A_487 = arith.constant 4 : i32
      %add3A_488 = arith.addi %add3A_486, %add3A_487 : i32
      %lt3A_489 = arith.constant 25 : i32
      %lt3A_490 = arith.cmpi slt, %add3A_488, %lt3A_489 : i32
      %convert_element_type3A_491 = arith.extui %lt3A_490 : i1 to i32
      %cond3A_492 = arith.constant 0 : i32
      %cond3A_493 = arith.cmpi ne, %convert_element_type3A_491, %cond3A_492 : i32
      scf.if %cond3A_493 {
        %dma_wait3A_494 = arith.constant 0 : i32
        %dma_wait3A_495 = arith.constant 0 : i32
        %dma_wait3A_496 = tpu.memref_slice %arg7[%dma_wait3A_494, %dma_wait3A_495] : memref<25x80xi32, #tpu.memory_space<vmem>> -> memref<1x80xi32, #tpu.memory_space<vmem>>
        %dma_wait3A_497 = tpu.memref_squeeze %dma_wait3A_496 : memref<1x80xi32, #tpu.memory_space<vmem>> -> memref<80xi32, #tpu.memory_space<vmem>>
        %dma_wait3A_498 = arith.constant 0 : i32
        %dma_wait3A_499 = arith.constant 0 : i32
        %dma_wait3A_500 = tpu.memref_slice %arg12[%dma_wait3A_498, %dma_wait3A_499] : memref<10000x128xf32, #tpu.memory_space<vmem_shared>> -> memref<10000x128xf32, #tpu.memory_space<vmem_shared>>
        tpu.wait_indirect_dma semaphore(%arg20 : memref<!tpu.dma_semaphore, #tpu.memory_space<semaphore_mem>>) src(%arg11 : memref<80x128xf32, #tpu.memory_space<vmem>>) dst(%dma_wait3A_500 : memref<10000x128xf32, #tpu.memory_space<vmem_shared>>)
        %add3A_501 = arith.constant 3 : i32
        %add3A_502 = arith.addi %mul3A_432, %add3A_501 : i32
        %add3A_503 = arith.constant 4 : i32
        %add3A_504 = arith.addi %add3A_502, %add3A_503 : i32
        %dma_start3A_505 = arith.constant 0 : i32
        %dma_start3A_506 = tpu.memref_slice %arg6[%add3A_504, %dma_start3A_505] : memref<25x80xi32, #tpu.memory_space<vmem>> -> memref<1x80xi32, #tpu.memory_space<vmem>>
        %dma_start3A_507 = tpu.memref_squeeze %dma_start3A_506 : memref<1x80xi32, #tpu.memory_space<vmem>> -> memref<80xi32, #tpu.memory_space<vmem>>
        %dma_start3A_508 = arith.constant 0 : i32
        %dma_start3A_509 = arith.constant 0 : i32
        %dma_start3A_510 = tpu.memref_slice %arg4[%dma_start3A_508, %dma_start3A_509] : memref<10000x128xf32, #tpu.memory_space<hbm>> -> memref<10000x128xf32, #tpu.memory_space<hbm>>
        tpu.enqueue_indirect_dma source(%dma_start3A_510 : memref<10000x128xf32, #tpu.memory_space<hbm>>) target(%arg11 : memref<80x128xf32, #tpu.memory_space<vmem>>) offsets(%dma_start3A_507 : memref<80xi32, #tpu.memory_space<vmem>>) semaphore(%arg16 : memref<!tpu.dma_semaphore, #tpu.memory_space<semaphore_mem>>)
      } else {
      }
    }
    %scan3A_105 = arith.constant 7 : i32
    %dma_wait3A_106 = arith.constant 0 : i32
    %dma_wait3A_107 = arith.constant 0 : i32
    %dma_wait3A_108 = tpu.memref_slice %arg7[%dma_wait3A_106, %dma_wait3A_107] : memref<25x80xi32, #tpu.memory_space<vmem>> -> memref<1x80xi32, #tpu.memory_space<vmem>>
    %dma_wait3A_109 = tpu.memref_squeeze %dma_wait3A_108 : memref<1x80xi32, #tpu.memory_space<vmem>> -> memref<80xi32, #tpu.memory_space<vmem>>
    %dma_wait3A_110 = arith.constant 0 : i32
    %dma_wait3A_111 = arith.constant 0 : i32
    %dma_wait3A_112 = tpu.memref_slice %arg12[%dma_wait3A_110, %dma_wait3A_111] : memref<10000x128xf32, #tpu.memory_space<vmem_shared>> -> memref<10000x128xf32, #tpu.memory_space<vmem_shared>>
    tpu.wait_indirect_dma semaphore(%arg17 : memref<!tpu.dma_semaphore, #tpu.memory_space<semaphore_mem>>) src(%arg8 : memref<80x128xf32, #tpu.memory_space<vmem>>) dst(%dma_wait3A_112 : memref<10000x128xf32, #tpu.memory_space<vmem_shared>>)
    %dma_wait3A_113 = arith.constant 0 : i32
    %dma_wait3A_114 = arith.constant 0 : i32
    %dma_wait3A_115 = tpu.memref_slice %arg7[%dma_wait3A_113, %dma_wait3A_114] : memref<25x80xi32, #tpu.memory_space<vmem>> -> memref<1x80xi32, #tpu.memory_space<vmem>>
    %dma_wait3A_116 = tpu.memref_squeeze %dma_wait3A_115 : memref<1x80xi32, #tpu.memory_space<vmem>> -> memref<80xi32, #tpu.memory_space<vmem>>
    %dma_wait3A_117 = arith.constant 0 : i32
    %dma_wait3A_118 = arith.constant 0 : i32
    %dma_wait3A_119 = tpu.memref_slice %arg12[%dma_wait3A_117, %dma_wait3A_118] : memref<10000x128xf32, #tpu.memory_space<vmem_shared>> -> memref<10000x128xf32, #tpu.memory_space<vmem_shared>>
    tpu.wait_indirect_dma semaphore(%arg18 : memref<!tpu.dma_semaphore, #tpu.memory_space<semaphore_mem>>) src(%arg9 : memref<80x128xf32, #tpu.memory_space<vmem>>) dst(%dma_wait3A_119 : memref<10000x128xf32, #tpu.memory_space<vmem_shared>>)
    %dma_wait3A_120 = arith.constant 0 : i32
    %dma_wait3A_121 = arith.constant 0 : i32
    %dma_wait3A_122 = tpu.memref_slice %arg7[%dma_wait3A_120, %dma_wait3A_121] : memref<25x80xi32, #tpu.memory_space<vmem>> -> memref<1x80xi32, #tpu.memory_space<vmem>>
    %dma_wait3A_123 = tpu.memref_squeeze %dma_wait3A_122 : memref<1x80xi32, #tpu.memory_space<vmem>> -> memref<80xi32, #tpu.memory_space<vmem>>
    %dma_wait3A_124 = arith.constant 0 : i32
    %dma_wait3A_125 = arith.constant 0 : i32
    %dma_wait3A_126 = tpu.memref_slice %arg12[%dma_wait3A_124, %dma_wait3A_125] : memref<10000x128xf32, #tpu.memory_space<vmem_shared>> -> memref<10000x128xf32, #tpu.memory_space<vmem_shared>>
    tpu.wait_indirect_dma semaphore(%arg19 : memref<!tpu.dma_semaphore, #tpu.memory_space<semaphore_mem>>) src(%arg10 : memref<80x128xf32, #tpu.memory_space<vmem>>) dst(%dma_wait3A_126 : memref<10000x128xf32, #tpu.memory_space<vmem_shared>>)
    %dma_wait3A_127 = arith.constant 0 : i32
    %dma_wait3A_128 = arith.constant 0 : i32
    %dma_wait3A_129 = tpu.memref_slice %arg7[%dma_wait3A_127, %dma_wait3A_128] : memref<25x80xi32, #tpu.memory_space<vmem>> -> memref<1x80xi32, #tpu.memory_space<vmem>>
    %dma_wait3A_130 = tpu.memref_squeeze %dma_wait3A_129 : memref<1x80xi32, #tpu.memory_space<vmem>> -> memref<80xi32, #tpu.memory_space<vmem>>
    %dma_wait3A_131 = arith.constant 0 : i32
    %dma_wait3A_132 = arith.constant 0 : i32
    %dma_wait3A_133 = tpu.memref_slice %arg12[%dma_wait3A_131, %dma_wait3A_132] : memref<10000x128xf32, #tpu.memory_space<vmem_shared>> -> memref<10000x128xf32, #tpu.memory_space<vmem_shared>>
    tpu.wait_indirect_dma semaphore(%arg20 : memref<!tpu.dma_semaphore, #tpu.memory_space<semaphore_mem>>) src(%arg11 : memref<80x128xf32, #tpu.memory_space<vmem>>) dst(%dma_wait3A_133 : memref<10000x128xf32, #tpu.memory_space<vmem_shared>>)
    %run_scoped3A = arith.constant 1 : i32
    "tpu.region"() ({
      %run_scoped3A_430 = tpu.sem_alloc : memref<!tpu.dma_semaphore, #tpu.memory_space<semaphore_mem>>
      %dma_start3A_431 = arith.constant 0 : i32
      %dma_start3A_432 = arith.constant 0 : i32
      %dma_start3A_433 = tpu.memref_slice %arg2[%add3A, %run_scoped3A, %dma_start3A_431, %dma_start3A_432] : memref<32x5x25x80xi32, #tpu.memory_space<hbm>> -> memref<1x1x25x80xi32, #tpu.memory_space<hbm>>
      %dma_start3A_434 = tpu.memref_squeeze %dma_start3A_433 : memref<1x1x25x80xi32, #tpu.memory_space<hbm>> -> memref<25x80xi32, #tpu.memory_space<hbm>>
      %dma_start3A_435 = arith.constant 0 : i32
      %dma_start3A_436 = arith.constant 0 : i32
      %dma_start3A_437 = tpu.memref_slice %arg2[%add3A, %run_scoped3A, %dma_start3A_435, %dma_start3A_436] : memref<32x5x25x80xi32, #tpu.memory_space<hbm>> -> memref<1x1x25x80xi32, #tpu.memory_space<hbm>>
      %dma_start3A_438 = tpu.memref_squeeze %dma_start3A_437 : memref<1x1x25x80xi32, #tpu.memory_space<hbm>> -> memref<25x80xi32, #tpu.memory_space<hbm>>
      tpu.enqueue_dma source(%dma_start3A_438 : memref<25x80xi32, #tpu.memory_space<hbm>>) target(%arg6 : memref<25x80xi32, #tpu.memory_space<vmem>>) target_semaphore(%run_scoped3A_430 : memref<!tpu.dma_semaphore, #tpu.memory_space<semaphore_mem>>)
      %dma_wait3A_439 = arith.constant 0 : i32
      %dma_wait3A_440 = arith.constant 0 : i32
      %dma_wait3A_441 = tpu.memref_slice %arg2[%add3A, %run_scoped3A, %dma_wait3A_439, %dma_wait3A_440] : memref<32x5x25x80xi32, #tpu.memory_space<hbm>> -> memref<1x1x25x80xi32, #tpu.memory_space<hbm>>
      %dma_wait3A_442 = tpu.memref_squeeze %dma_wait3A_441 : memref<1x1x25x80xi32, #tpu.memory_space<hbm>> -> memref<25x80xi32, #tpu.memory_space<hbm>>
      %dma_wait3A_443 = arith.constant 0 : i32
      %dma_wait3A_444 = arith.constant 0 : i32
      %dma_wait3A_445 = tpu.memref_slice %arg2[%add3A, %run_scoped3A, %dma_wait3A_443, %dma_wait3A_444] : memref<32x5x25x80xi32, #tpu.memory_space<hbm>> -> memref<1x1x25x80xi32, #tpu.memory_space<hbm>>
      %dma_wait3A_446 = tpu.memref_squeeze %dma_wait3A_445 : memref<1x1x25x80xi32, #tpu.memory_space<hbm>> -> memref<25x80xi32, #tpu.memory_space<hbm>>
      tpu.wait_dma2 semaphore(%run_scoped3A_430 : memref<!tpu.dma_semaphore, #tpu.memory_space<semaphore_mem>>) src(%dma_wait3A_446 : memref<25x80xi32, #tpu.memory_space<hbm>>) dst(%arg6 : memref<25x80xi32, #tpu.memory_space<vmem>>)
      tpu.yield
    }) : () -> ()
    %run_scoped3A_134 = arith.constant 1 : i32
    "tpu.region"() ({
      %run_scoped3A_430 = tpu.sem_alloc : memref<!tpu.dma_semaphore, #tpu.memory_space<semaphore_mem>>
      %dma_start3A_431 = arith.constant 0 : i32
      %dma_start3A_432 = arith.constant 0 : i32
      %dma_start3A_433 = tpu.memref_slice %arg3[%add3A, %run_scoped3A_134, %dma_start3A_431, %dma_start3A_432] : memref<32x5x25x80xi32, #tpu.memory_space<hbm>> -> memref<1x1x25x80xi32, #tpu.memory_space<hbm>>
      %dma_start3A_434 = tpu.memref_squeeze %dma_start3A_433 : memref<1x1x25x80xi32, #tpu.memory_space<hbm>> -> memref<25x80xi32, #tpu.memory_space<hbm>>
      %dma_start3A_435 = arith.constant 0 : i32
      %dma_start3A_436 = arith.constant 0 : i32
      %dma_start3A_437 = tpu.memref_slice %arg3[%add3A, %run_scoped3A_134, %dma_start3A_435, %dma_start3A_436] : memref<32x5x25x80xi32, #tpu.memory_space<hbm>> -> memref<1x1x25x80xi32, #tpu.memory_space<hbm>>
      %dma_start3A_438 = tpu.memref_squeeze %dma_start3A_437 : memref<1x1x25x80xi32, #tpu.memory_space<hbm>> -> memref<25x80xi32, #tpu.memory_space<hbm>>
      tpu.enqueue_dma source(%dma_start3A_438 : memref<25x80xi32, #tpu.memory_space<hbm>>) target(%arg7 : memref<25x80xi32, #tpu.memory_space<vmem>>) target_semaphore(%run_scoped3A_430 : memref<!tpu.dma_semaphore, #tpu.memory_space<semaphore_mem>>)
      %dma_wait3A_439 = arith.constant 0 : i32
      %dma_wait3A_440 = arith.constant 0 : i32
      %dma_wait3A_441 = tpu.memref_slice %arg3[%add3A, %run_scoped3A_134, %dma_wait3A_439, %dma_wait3A_440] : memref<32x5x25x80xi32, #tpu.memory_space<hbm>> -> memref<1x1x25x80xi32, #tpu.memory_space<hbm>>
      %dma_wait3A_442 = tpu.memref_squeeze %dma_wait3A_441 : memref<1x1x25x80xi32, #tpu.memory_space<hbm>> -> memref<25x80xi32, #tpu.memory_space<hbm>>
      %dma_wait3A_443 = arith.constant 0 : i32
      %dma_wait3A_444 = arith.constant 0 : i32
      %dma_wait3A_445 = tpu.memref_slice %arg3[%add3A, %run_scoped3A_134, %dma_wait3A_443, %dma_wait3A_444] : memref<32x5x25x80xi32, #tpu.memory_space<hbm>> -> memref<1x1x25x80xi32, #tpu.memory_space<hbm>>
      %dma_wait3A_446 = tpu.memref_squeeze %dma_wait3A_445 : memref<1x1x25x80xi32, #tpu.memory_space<hbm>> -> memref<25x80xi32, #tpu.memory_space<hbm>>
      tpu.wait_dma2 semaphore(%run_scoped3A_430 : memref<!tpu.dma_semaphore, #tpu.memory_space<semaphore_mem>>) src(%dma_wait3A_446 : memref<25x80xi32, #tpu.memory_space<hbm>>) dst(%arg7 : memref<25x80xi32, #tpu.memory_space<vmem>>)
      tpu.yield
    }) : () -> ()
    %dma_start3A_135 = arith.constant 0 : i32
    %dma_start3A_136 = arith.constant 0 : i32
    %dma_start3A_137 = tpu.memref_slice %arg6[%dma_start3A_135, %dma_start3A_136] : memref<25x80xi32, #tpu.memory_space<vmem>> -> memref<1x80xi32, #tpu.memory_space<vmem>>
    %dma_start3A_138 = tpu.memref_squeeze %dma_start3A_137 : memref<1x80xi32, #tpu.memory_space<vmem>> -> memref<80xi32, #tpu.memory_space<vmem>>
    %dma_start3A_139 = arith.constant 0 : i32
    %dma_start3A_140 = arith.constant 0 : i32
    %dma_start3A_141 = tpu.memref_slice %arg4[%dma_start3A_139, %dma_start3A_140] : memref<10000x128xf32, #tpu.memory_space<hbm>> -> memref<10000x128xf32, #tpu.memory_space<hbm>>
    tpu.enqueue_indirect_dma source(%dma_start3A_141 : memref<10000x128xf32, #tpu.memory_space<hbm>>) target(%arg8 : memref<80x128xf32, #tpu.memory_space<vmem>>) offsets(%dma_start3A_138 : memref<80xi32, #tpu.memory_space<vmem>>) semaphore(%arg13 : memref<!tpu.dma_semaphore, #tpu.memory_space<semaphore_mem>>)
    %dma_start3A_142 = arith.constant 1 : i32
    %dma_start3A_143 = arith.constant 0 : i32
    %dma_start3A_144 = tpu.memref_slice %arg6[%dma_start3A_142, %dma_start3A_143] : memref<25x80xi32, #tpu.memory_space<vmem>> -> memref<1x80xi32, #tpu.memory_space<vmem>>
    %dma_start3A_145 = tpu.memref_squeeze %dma_start3A_144 : memref<1x80xi32, #tpu.memory_space<vmem>> -> memref<80xi32, #tpu.memory_space<vmem>>
    %dma_start3A_146 = arith.constant 0 : i32
    %dma_start3A_147 = arith.constant 0 : i32
    %dma_start3A_148 = tpu.memref_slice %arg4[%dma_start3A_146, %dma_start3A_147] : memref<10000x128xf32, #tpu.memory_space<hbm>> -> memref<10000x128xf32, #tpu.memory_space<hbm>>
    tpu.enqueue_indirect_dma source(%dma_start3A_148 : memref<10000x128xf32, #tpu.memory_space<hbm>>) target(%arg9 : memref<80x128xf32, #tpu.memory_space<vmem>>) offsets(%dma_start3A_145 : memref<80xi32, #tpu.memory_space<vmem>>) semaphore(%arg14 : memref<!tpu.dma_semaphore, #tpu.memory_space<semaphore_mem>>)
    %dma_start3A_149 = arith.constant 2 : i32
    %dma_start3A_150 = arith.constant 0 : i32
    %dma_start3A_151 = tpu.memref_slice %arg6[%dma_start3A_149, %dma_start3A_150] : memref<25x80xi32, #tpu.memory_space<vmem>> -> memref<1x80xi32, #tpu.memory_space<vmem>>
    %dma_start3A_152 = tpu.memref_squeeze %dma_start3A_151 : memref<1x80xi32, #tpu.memory_space<vmem>> -> memref<80xi32, #tpu.memory_space<vmem>>
    %dma_start3A_153 = arith.constant 0 : i32
    %dma_start3A_154 = arith.constant 0 : i32
    %dma_start3A_155 = tpu.memref_slice %arg4[%dma_start3A_153, %dma_start3A_154] : memref<10000x128xf32, #tpu.memory_space<hbm>> -> memref<10000x128xf32, #tpu.memory_space<hbm>>
    tpu.enqueue_indirect_dma source(%dma_start3A_155 : memref<10000x128xf32, #tpu.memory_space<hbm>>) target(%arg10 : memref<80x128xf32, #tpu.memory_space<vmem>>) offsets(%dma_start3A_152 : memref<80xi32, #tpu.memory_space<vmem>>) semaphore(%arg15 : memref<!tpu.dma_semaphore, #tpu.memory_space<semaphore_mem>>)
    %dma_start3A_156 = arith.constant 3 : i32
    %dma_start3A_157 = arith.constant 0 : i32
    %dma_start3A_158 = tpu.memref_slice %arg6[%dma_start3A_156, %dma_start3A_157] : memref<25x80xi32, #tpu.memory_space<vmem>> -> memref<1x80xi32, #tpu.memory_space<vmem>>
    %dma_start3A_159 = tpu.memref_squeeze %dma_start3A_158 : memref<1x80xi32, #tpu.memory_space<vmem>> -> memref<80xi32, #tpu.memory_space<vmem>>
    %dma_start3A_160 = arith.constant 0 : i32
    %dma_start3A_161 = arith.constant 0 : i32
    %dma_start3A_162 = tpu.memref_slice %arg4[%dma_start3A_160, %dma_start3A_161] : memref<10000x128xf32, #tpu.memory_space<hbm>> -> memref<10000x128xf32, #tpu.memory_space<hbm>>
    tpu.enqueue_indirect_dma source(%dma_start3A_162 : memref<10000x128xf32, #tpu.memory_space<hbm>>) target(%arg11 : memref<80x128xf32, #tpu.memory_space<vmem>>) offsets(%dma_start3A_159 : memref<80xi32, #tpu.memory_space<vmem>>) semaphore(%arg16 : memref<!tpu.dma_semaphore, #tpu.memory_space<semaphore_mem>>)
    %scan3A_163 = arith.constant 0 : i32
    %scan3A_164 = arith.constant 0 : i32
    %scan3A_165 = arith.constant 7 : i32
    %scan3A_166 = arith.addi %scan3A_164, %scan3A_165 : i32
    %scan3A_167 = arith.constant 1 : i32
    scf.for %scan3A_430 = %scan3A_164 to %scan3A_166 step %scan3A_167  : i32 {
      %mul3A_431 = arith.constant 4 : i32
      %mul3A_432 = arith.muli %scan3A_430, %mul3A_431 : i32
      %add3A_433 = arith.constant 0 : i32
      %add3A_434 = arith.addi %mul3A_432, %add3A_433 : i32
      %lt3A = arith.constant 25 : i32
      %lt3A_435 = arith.cmpi slt, %add3A_434, %lt3A : i32
      %convert_element_type3A = arith.extui %lt3A_435 : i1 to i32
      %cond3A = arith.constant 0 : i32
      %cond3A_436 = arith.cmpi ne, %convert_element_type3A, %cond3A : i32
      scf.if %cond3A_436 {
        %dma_wait3A_494 = arith.constant 0 : i32
        %dma_wait3A_495 = arith.constant 0 : i32
        %dma_wait3A_496 = tpu.memref_slice %arg6[%dma_wait3A_494, %dma_wait3A_495] : memref<25x80xi32, #tpu.memory_space<vmem>> -> memref<1x80xi32, #tpu.memory_space<vmem>>
        %dma_wait3A_497 = tpu.memref_squeeze %dma_wait3A_496 : memref<1x80xi32, #tpu.memory_space<vmem>> -> memref<80xi32, #tpu.memory_space<vmem>>
        %dma_wait3A_498 = arith.constant 0 : i32
        %dma_wait3A_499 = arith.constant 0 : i32
        %dma_wait3A_500 = tpu.memref_slice %arg4[%dma_wait3A_498, %dma_wait3A_499] : memref<10000x128xf32, #tpu.memory_space<hbm>> -> memref<10000x128xf32, #tpu.memory_space<hbm>>
        tpu.wait_indirect_dma semaphore(%arg13 : memref<!tpu.dma_semaphore, #tpu.memory_space<semaphore_mem>>) src(%dma_wait3A_500 : memref<10000x128xf32, #tpu.memory_space<hbm>>) dst(%arg8 : memref<80x128xf32, #tpu.memory_space<vmem>>)
        %add3A_501 = arith.constant 0 : i32
        %add3A_502 = arith.addi %mul3A_432, %add3A_501 : i32
        %dma_start3A_503 = arith.constant 0 : i32
        %dma_start3A_504 = tpu.memref_slice %arg7[%add3A_502, %dma_start3A_503] : memref<25x80xi32, #tpu.memory_space<vmem>> -> memref<1x80xi32, #tpu.memory_space<vmem>>
        %dma_start3A_505 = tpu.memref_squeeze %dma_start3A_504 : memref<1x80xi32, #tpu.memory_space<vmem>> -> memref<80xi32, #tpu.memory_space<vmem>>
        %dma_start3A_506 = arith.constant 0 : i32
        %dma_start3A_507 = arith.constant 0 : i32
        %dma_start3A_508 = tpu.memref_slice %arg12[%dma_start3A_506, %dma_start3A_507] : memref<10000x128xf32, #tpu.memory_space<vmem_shared>> -> memref<10000x128xf32, #tpu.memory_space<vmem_shared>>
        tpu.enqueue_indirect_dma source(%arg8 : memref<80x128xf32, #tpu.memory_space<vmem>>) target(%dma_start3A_508 : memref<10000x128xf32, #tpu.memory_space<vmem_shared>>) offsets(%dma_start3A_505 : memref<80xi32, #tpu.memory_space<vmem>>) semaphore(%arg17 : memref<!tpu.dma_semaphore, #tpu.memory_space<semaphore_mem>>) {add = true}
      } else {
      }
      %add3A_437 = arith.constant 1 : i32
      %add3A_438 = arith.addi %mul3A_432, %add3A_437 : i32
      %lt3A_439 = arith.constant 25 : i32
      %lt3A_440 = arith.cmpi slt, %add3A_438, %lt3A_439 : i32
      %convert_element_type3A_441 = arith.extui %lt3A_440 : i1 to i32
      %cond3A_442 = arith.constant 0 : i32
      %cond3A_443 = arith.cmpi ne, %convert_element_type3A_441, %cond3A_442 : i32
      scf.if %cond3A_443 {
        %dma_wait3A_494 = arith.constant 0 : i32
        %dma_wait3A_495 = arith.constant 0 : i32
        %dma_wait3A_496 = tpu.memref_slice %arg6[%dma_wait3A_494, %dma_wait3A_495] : memref<25x80xi32, #tpu.memory_space<vmem>> -> memref<1x80xi32, #tpu.memory_space<vmem>>
        %dma_wait3A_497 = tpu.memref_squeeze %dma_wait3A_496 : memref<1x80xi32, #tpu.memory_space<vmem>> -> memref<80xi32, #tpu.memory_space<vmem>>
        %dma_wait3A_498 = arith.constant 0 : i32
        %dma_wait3A_499 = arith.constant 0 : i32
        %dma_wait3A_500 = tpu.memref_slice %arg4[%dma_wait3A_498, %dma_wait3A_499] : memref<10000x128xf32, #tpu.memory_space<hbm>> -> memref<10000x128xf32, #tpu.memory_space<hbm>>
        tpu.wait_indirect_dma semaphore(%arg14 : memref<!tpu.dma_semaphore, #tpu.memory_space<semaphore_mem>>) src(%dma_wait3A_500 : memref<10000x128xf32, #tpu.memory_space<hbm>>) dst(%arg9 : memref<80x128xf32, #tpu.memory_space<vmem>>)
        %add3A_501 = arith.constant 1 : i32
        %add3A_502 = arith.addi %mul3A_432, %add3A_501 : i32
        %dma_start3A_503 = arith.constant 0 : i32
        %dma_start3A_504 = tpu.memref_slice %arg7[%add3A_502, %dma_start3A_503] : memref<25x80xi32, #tpu.memory_space<vmem>> -> memref<1x80xi32, #tpu.memory_space<vmem>>
        %dma_start3A_505 = tpu.memref_squeeze %dma_start3A_504 : memref<1x80xi32, #tpu.memory_space<vmem>> -> memref<80xi32, #tpu.memory_space<vmem>>
        %dma_start3A_506 = arith.constant 0 : i32
        %dma_start3A_507 = arith.constant 0 : i32
        %dma_start3A_508 = tpu.memref_slice %arg12[%dma_start3A_506, %dma_start3A_507] : memref<10000x128xf32, #tpu.memory_space<vmem_shared>> -> memref<10000x128xf32, #tpu.memory_space<vmem_shared>>
        tpu.enqueue_indirect_dma source(%arg9 : memref<80x128xf32, #tpu.memory_space<vmem>>) target(%dma_start3A_508 : memref<10000x128xf32, #tpu.memory_space<vmem_shared>>) offsets(%dma_start3A_505 : memref<80xi32, #tpu.memory_space<vmem>>) semaphore(%arg18 : memref<!tpu.dma_semaphore, #tpu.memory_space<semaphore_mem>>) {add = true}
      } else {
      }
      %add3A_444 = arith.constant 2 : i32
      %add3A_445 = arith.addi %mul3A_432, %add3A_444 : i32
      %lt3A_446 = arith.constant 25 : i32
      %lt3A_447 = arith.cmpi slt, %add3A_445, %lt3A_446 : i32
      %convert_element_type3A_448 = arith.extui %lt3A_447 : i1 to i32
      %cond3A_449 = arith.constant 0 : i32
      %cond3A_450 = arith.cmpi ne, %convert_element_type3A_448, %cond3A_449 : i32
      scf.if %cond3A_450 {
        %dma_wait3A_494 = arith.constant 0 : i32
        %dma_wait3A_495 = arith.constant 0 : i32
        %dma_wait3A_496 = tpu.memref_slice %arg6[%dma_wait3A_494, %dma_wait3A_495] : memref<25x80xi32, #tpu.memory_space<vmem>> -> memref<1x80xi32, #tpu.memory_space<vmem>>
        %dma_wait3A_497 = tpu.memref_squeeze %dma_wait3A_496 : memref<1x80xi32, #tpu.memory_space<vmem>> -> memref<80xi32, #tpu.memory_space<vmem>>
        %dma_wait3A_498 = arith.constant 0 : i32
        %dma_wait3A_499 = arith.constant 0 : i32
        %dma_wait3A_500 = tpu.memref_slice %arg4[%dma_wait3A_498, %dma_wait3A_499] : memref<10000x128xf32, #tpu.memory_space<hbm>> -> memref<10000x128xf32, #tpu.memory_space<hbm>>
        tpu.wait_indirect_dma semaphore(%arg15 : memref<!tpu.dma_semaphore, #tpu.memory_space<semaphore_mem>>) src(%dma_wait3A_500 : memref<10000x128xf32, #tpu.memory_space<hbm>>) dst(%arg10 : memref<80x128xf32, #tpu.memory_space<vmem>>)
        %add3A_501 = arith.constant 2 : i32
        %add3A_502 = arith.addi %mul3A_432, %add3A_501 : i32
        %dma_start3A_503 = arith.constant 0 : i32
        %dma_start3A_504 = tpu.memref_slice %arg7[%add3A_502, %dma_start3A_503] : memref<25x80xi32, #tpu.memory_space<vmem>> -> memref<1x80xi32, #tpu.memory_space<vmem>>
        %dma_start3A_505 = tpu.memref_squeeze %dma_start3A_504 : memref<1x80xi32, #tpu.memory_space<vmem>> -> memref<80xi32, #tpu.memory_space<vmem>>
        %dma_start3A_506 = arith.constant 0 : i32
        %dma_start3A_507 = arith.constant 0 : i32
        %dma_start3A_508 = tpu.memref_slice %arg12[%dma_start3A_506, %dma_start3A_507] : memref<10000x128xf32, #tpu.memory_space<vmem_shared>> -> memref<10000x128xf32, #tpu.memory_space<vmem_shared>>
        tpu.enqueue_indirect_dma source(%arg10 : memref<80x128xf32, #tpu.memory_space<vmem>>) target(%dma_start3A_508 : memref<10000x128xf32, #tpu.memory_space<vmem_shared>>) offsets(%dma_start3A_505 : memref<80xi32, #tpu.memory_space<vmem>>) semaphore(%arg19 : memref<!tpu.dma_semaphore, #tpu.memory_space<semaphore_mem>>) {add = true}
      } else {
      }
      %add3A_451 = arith.constant 3 : i32
      %add3A_452 = arith.addi %mul3A_432, %add3A_451 : i32
      %lt3A_453 = arith.constant 25 : i32
      %lt3A_454 = arith.cmpi slt, %add3A_452, %lt3A_453 : i32
      %convert_element_type3A_455 = arith.extui %lt3A_454 : i1 to i32
      %cond3A_456 = arith.constant 0 : i32
      %cond3A_457 = arith.cmpi ne, %convert_element_type3A_455, %cond3A_456 : i32
      scf.if %cond3A_457 {
        %dma_wait3A_494 = arith.constant 0 : i32
        %dma_wait3A_495 = arith.constant 0 : i32
        %dma_wait3A_496 = tpu.memref_slice %arg6[%dma_wait3A_494, %dma_wait3A_495] : memref<25x80xi32, #tpu.memory_space<vmem>> -> memref<1x80xi32, #tpu.memory_space<vmem>>
        %dma_wait3A_497 = tpu.memref_squeeze %dma_wait3A_496 : memref<1x80xi32, #tpu.memory_space<vmem>> -> memref<80xi32, #tpu.memory_space<vmem>>
        %dma_wait3A_498 = arith.constant 0 : i32
        %dma_wait3A_499 = arith.constant 0 : i32
        %dma_wait3A_500 = tpu.memref_slice %arg4[%dma_wait3A_498, %dma_wait3A_499] : memref<10000x128xf32, #tpu.memory_space<hbm>> -> memref<10000x128xf32, #tpu.memory_space<hbm>>
        tpu.wait_indirect_dma semaphore(%arg16 : memref<!tpu.dma_semaphore, #tpu.memory_space<semaphore_mem>>) src(%dma_wait3A_500 : memref<10000x128xf32, #tpu.memory_space<hbm>>) dst(%arg11 : memref<80x128xf32, #tpu.memory_space<vmem>>)
        %add3A_501 = arith.constant 3 : i32
        %add3A_502 = arith.addi %mul3A_432, %add3A_501 : i32
        %dma_start3A_503 = arith.constant 0 : i32
        %dma_start3A_504 = tpu.memref_slice %arg7[%add3A_502, %dma_start3A_503] : memref<25x80xi32, #tpu.memory_space<vmem>> -> memref<1x80xi32, #tpu.memory_space<vmem>>
        %dma_start3A_505 = tpu.memref_squeeze %dma_start3A_504 : memref<1x80xi32, #tpu.memory_space<vmem>> -> memref<80xi32, #tpu.memory_space<vmem>>
        %dma_start3A_506 = arith.constant 0 : i32
        %dma_start3A_507 = arith.constant 0 : i32
        %dma_start3A_508 = tpu.memref_slice %arg12[%dma_start3A_506, %dma_start3A_507] : memref<10000x128xf32, #tpu.memory_space<vmem_shared>> -> memref<10000x128xf32, #tpu.memory_space<vmem_shared>>
        tpu.enqueue_indirect_dma source(%arg11 : memref<80x128xf32, #tpu.memory_space<vmem>>) target(%dma_start3A_508 : memref<10000x128xf32, #tpu.memory_space<vmem_shared>>) offsets(%dma_start3A_505 : memref<80xi32, #tpu.memory_space<vmem>>) semaphore(%arg20 : memref<!tpu.dma_semaphore, #tpu.memory_space<semaphore_mem>>) {add = true}
      } else {
      }
      %add3A_458 = arith.constant 0 : i32
      %add3A_459 = arith.addi %mul3A_432, %add3A_458 : i32
      %add3A_460 = arith.constant 4 : i32
      %add3A_461 = arith.addi %add3A_459, %add3A_460 : i32
      %lt3A_462 = arith.constant 25 : i32
      %lt3A_463 = arith.cmpi slt, %add3A_461, %lt3A_462 : i32
      %convert_element_type3A_464 = arith.extui %lt3A_463 : i1 to i32
      %cond3A_465 = arith.constant 0 : i32
      %cond3A_466 = arith.cmpi ne, %convert_element_type3A_464, %cond3A_465 : i32
      scf.if %cond3A_466 {
        %dma_wait3A_494 = arith.constant 0 : i32
        %dma_wait3A_495 = arith.constant 0 : i32
        %dma_wait3A_496 = tpu.memref_slice %arg7[%dma_wait3A_494, %dma_wait3A_495] : memref<25x80xi32, #tpu.memory_space<vmem>> -> memref<1x80xi32, #tpu.memory_space<vmem>>
        %dma_wait3A_497 = tpu.memref_squeeze %dma_wait3A_496 : memref<1x80xi32, #tpu.memory_space<vmem>> -> memref<80xi32, #tpu.memory_space<vmem>>
        %dma_wait3A_498 = arith.constant 0 : i32
        %dma_wait3A_499 = arith.constant 0 : i32
        %dma_wait3A_500 = tpu.memref_slice %arg12[%dma_wait3A_498, %dma_wait3A_499] : memref<10000x128xf32, #tpu.memory_space<vmem_shared>> -> memref<10000x128xf32, #tpu.memory_space<vmem_shared>>
        tpu.wait_indirect_dma semaphore(%arg17 : memref<!tpu.dma_semaphore, #tpu.memory_space<semaphore_mem>>) src(%arg8 : memref<80x128xf32, #tpu.memory_space<vmem>>) dst(%dma_wait3A_500 : memref<10000x128xf32, #tpu.memory_space<vmem_shared>>)
        %add3A_501 = arith.constant 0 : i32
        %add3A_502 = arith.addi %mul3A_432, %add3A_501 : i32
        %add3A_503 = arith.constant 4 : i32
        %add3A_504 = arith.addi %add3A_502, %add3A_503 : i32
        %dma_start3A_505 = arith.constant 0 : i32
        %dma_start3A_506 = tpu.memref_slice %arg6[%add3A_504, %dma_start3A_505] : memref<25x80xi32, #tpu.memory_space<vmem>> -> memref<1x80xi32, #tpu.memory_space<vmem>>
        %dma_start3A_507 = tpu.memref_squeeze %dma_start3A_506 : memref<1x80xi32, #tpu.memory_space<vmem>> -> memref<80xi32, #tpu.memory_space<vmem>>
        %dma_start3A_508 = arith.constant 0 : i32
        %dma_start3A_509 = arith.constant 0 : i32
        %dma_start3A_510 = tpu.memref_slice %arg4[%dma_start3A_508, %dma_start3A_509] : memref<10000x128xf32, #tpu.memory_space<hbm>> -> memref<10000x128xf32, #tpu.memory_space<hbm>>
        tpu.enqueue_indirect_dma source(%dma_start3A_510 : memref<10000x128xf32, #tpu.memory_space<hbm>>) target(%arg8 : memref<80x128xf32, #tpu.memory_space<vmem>>) offsets(%dma_start3A_507 : memref<80xi32, #tpu.memory_space<vmem>>) semaphore(%arg13 : memref<!tpu.dma_semaphore, #tpu.memory_space<semaphore_mem>>)
      } else {
      }
      %add3A_467 = arith.constant 1 : i32
      %add3A_468 = arith.addi %mul3A_432, %add3A_467 : i32
      %add3A_469 = arith.constant 4 : i32
      %add3A_470 = arith.addi %add3A_468, %add3A_469 : i32
      %lt3A_471 = arith.constant 25 : i32
      %lt3A_472 = arith.cmpi slt, %add3A_470, %lt3A_471 : i32
      %convert_element_type3A_473 = arith.extui %lt3A_472 : i1 to i32
      %cond3A_474 = arith.constant 0 : i32
      %cond3A_475 = arith.cmpi ne, %convert_element_type3A_473, %cond3A_474 : i32
      scf.if %cond3A_475 {
        %dma_wait3A_494 = arith.constant 0 : i32
        %dma_wait3A_495 = arith.constant 0 : i32
        %dma_wait3A_496 = tpu.memref_slice %arg7[%dma_wait3A_494, %dma_wait3A_495] : memref<25x80xi32, #tpu.memory_space<vmem>> -> memref<1x80xi32, #tpu.memory_space<vmem>>
        %dma_wait3A_497 = tpu.memref_squeeze %dma_wait3A_496 : memref<1x80xi32, #tpu.memory_space<vmem>> -> memref<80xi32, #tpu.memory_space<vmem>>
        %dma_wait3A_498 = arith.constant 0 : i32
        %dma_wait3A_499 = arith.constant 0 : i32
        %dma_wait3A_500 = tpu.memref_slice %arg12[%dma_wait3A_498, %dma_wait3A_499] : memref<10000x128xf32, #tpu.memory_space<vmem_shared>> -> memref<10000x128xf32, #tpu.memory_space<vmem_shared>>
        tpu.wait_indirect_dma semaphore(%arg18 : memref<!tpu.dma_semaphore, #tpu.memory_space<semaphore_mem>>) src(%arg9 : memref<80x128xf32, #tpu.memory_space<vmem>>) dst(%dma_wait3A_500 : memref<10000x128xf32, #tpu.memory_space<vmem_shared>>)
        %add3A_501 = arith.constant 1 : i32
        %add3A_502 = arith.addi %mul3A_432, %add3A_501 : i32
        %add3A_503 = arith.constant 4 : i32
        %add3A_504 = arith.addi %add3A_502, %add3A_503 : i32
        %dma_start3A_505 = arith.constant 0 : i32
        %dma_start3A_506 = tpu.memref_slice %arg6[%add3A_504, %dma_start3A_505] : memref<25x80xi32, #tpu.memory_space<vmem>> -> memref<1x80xi32, #tpu.memory_space<vmem>>
        %dma_start3A_507 = tpu.memref_squeeze %dma_start3A_506 : memref<1x80xi32, #tpu.memory_space<vmem>> -> memref<80xi32, #tpu.memory_space<vmem>>
        %dma_start3A_508 = arith.constant 0 : i32
        %dma_start3A_509 = arith.constant 0 : i32
        %dma_start3A_510 = tpu.memref_slice %arg4[%dma_start3A_508, %dma_start3A_509] : memref<10000x128xf32, #tpu.memory_space<hbm>> -> memref<10000x128xf32, #tpu.memory_space<hbm>>
        tpu.enqueue_indirect_dma source(%dma_start3A_510 : memref<10000x128xf32, #tpu.memory_space<hbm>>) target(%arg9 : memref<80x128xf32, #tpu.memory_space<vmem>>) offsets(%dma_start3A_507 : memref<80xi32, #tpu.memory_space<vmem>>) semaphore(%arg14 : memref<!tpu.dma_semaphore, #tpu.memory_space<semaphore_mem>>)
      } else {
      }
      %add3A_476 = arith.constant 2 : i32
      %add3A_477 = arith.addi %mul3A_432, %add3A_476 : i32
      %add3A_478 = arith.constant 4 : i32
      %add3A_479 = arith.addi %add3A_477, %add3A_478 : i32
      %lt3A_480 = arith.constant 25 : i32
      %lt3A_481 = arith.cmpi slt, %add3A_479, %lt3A_480 : i32
      %convert_element_type3A_482 = arith.extui %lt3A_481 : i1 to i32
      %cond3A_483 = arith.constant 0 : i32
      %cond3A_484 = arith.cmpi ne, %convert_element_type3A_482, %cond3A_483 : i32
      scf.if %cond3A_484 {
        %dma_wait3A_494 = arith.constant 0 : i32
        %dma_wait3A_495 = arith.constant 0 : i32
        %dma_wait3A_496 = tpu.memref_slice %arg7[%dma_wait3A_494, %dma_wait3A_495] : memref<25x80xi32, #tpu.memory_space<vmem>> -> memref<1x80xi32, #tpu.memory_space<vmem>>
        %dma_wait3A_497 = tpu.memref_squeeze %dma_wait3A_496 : memref<1x80xi32, #tpu.memory_space<vmem>> -> memref<80xi32, #tpu.memory_space<vmem>>
        %dma_wait3A_498 = arith.constant 0 : i32
        %dma_wait3A_499 = arith.constant 0 : i32
        %dma_wait3A_500 = tpu.memref_slice %arg12[%dma_wait3A_498, %dma_wait3A_499] : memref<10000x128xf32, #tpu.memory_space<vmem_shared>> -> memref<10000x128xf32, #tpu.memory_space<vmem_shared>>
        tpu.wait_indirect_dma semaphore(%arg19 : memref<!tpu.dma_semaphore, #tpu.memory_space<semaphore_mem>>) src(%arg10 : memref<80x128xf32, #tpu.memory_space<vmem>>) dst(%dma_wait3A_500 : memref<10000x128xf32, #tpu.memory_space<vmem_shared>>)
        %add3A_501 = arith.constant 2 : i32
        %add3A_502 = arith.addi %mul3A_432, %add3A_501 : i32
        %add3A_503 = arith.constant 4 : i32
        %add3A_504 = arith.addi %add3A_502, %add3A_503 : i32
        %dma_start3A_505 = arith.constant 0 : i32
        %dma_start3A_506 = tpu.memref_slice %arg6[%add3A_504, %dma_start3A_505] : memref<25x80xi32, #tpu.memory_space<vmem>> -> memref<1x80xi32, #tpu.memory_space<vmem>>
        %dma_start3A_507 = tpu.memref_squeeze %dma_start3A_506 : memref<1x80xi32, #tpu.memory_space<vmem>> -> memref<80xi32, #tpu.memory_space<vmem>>
        %dma_start3A_508 = arith.constant 0 : i32
        %dma_start3A_509 = arith.constant 0 : i32
        %dma_start3A_510 = tpu.memref_slice %arg4[%dma_start3A_508, %dma_start3A_509] : memref<10000x128xf32, #tpu.memory_space<hbm>> -> memref<10000x128xf32, #tpu.memory_space<hbm>>
        tpu.enqueue_indirect_dma source(%dma_start3A_510 : memref<10000x128xf32, #tpu.memory_space<hbm>>) target(%arg10 : memref<80x128xf32, #tpu.memory_space<vmem>>) offsets(%dma_start3A_507 : memref<80xi32, #tpu.memory_space<vmem>>) semaphore(%arg15 : memref<!tpu.dma_semaphore, #tpu.memory_space<semaphore_mem>>)
      } else {
      }
      %add3A_485 = arith.constant 3 : i32
      %add3A_486 = arith.addi %mul3A_432, %add3A_485 : i32
      %add3A_487 = arith.constant 4 : i32
      %add3A_488 = arith.addi %add3A_486, %add3A_487 : i32
      %lt3A_489 = arith.constant 25 : i32
      %lt3A_490 = arith.cmpi slt, %add3A_488, %lt3A_489 : i32
      %convert_element_type3A_491 = arith.extui %lt3A_490 : i1 to i32
      %cond3A_492 = arith.constant 0 : i32
      %cond3A_493 = arith.cmpi ne, %convert_element_type3A_491, %cond3A_492 : i32
      scf.if %cond3A_493 {
        %dma_wait3A_494 = arith.constant 0 : i32
        %dma_wait3A_495 = arith.constant 0 : i32
        %dma_wait3A_496 = tpu.memref_slice %arg7[%dma_wait3A_494, %dma_wait3A_495] : memref<25x80xi32, #tpu.memory_space<vmem>> -> memref<1x80xi32, #tpu.memory_space<vmem>>
        %dma_wait3A_497 = tpu.memref_squeeze %dma_wait3A_496 : memref<1x80xi32, #tpu.memory_space<vmem>> -> memref<80xi32, #tpu.memory_space<vmem>>
        %dma_wait3A_498 = arith.constant 0 : i32
        %dma_wait3A_499 = arith.constant 0 : i32
        %dma_wait3A_500 = tpu.memref_slice %arg12[%dma_wait3A_498, %dma_wait3A_499] : memref<10000x128xf32, #tpu.memory_space<vmem_shared>> -> memref<10000x128xf32, #tpu.memory_space<vmem_shared>>
        tpu.wait_indirect_dma semaphore(%arg20 : memref<!tpu.dma_semaphore, #tpu.memory_space<semaphore_mem>>) src(%arg11 : memref<80x128xf32, #tpu.memory_space<vmem>>) dst(%dma_wait3A_500 : memref<10000x128xf32, #tpu.memory_space<vmem_shared>>)
        %add3A_501 = arith.constant 3 : i32
        %add3A_502 = arith.addi %mul3A_432, %add3A_501 : i32
        %add3A_503 = arith.constant 4 : i32
        %add3A_504 = arith.addi %add3A_502, %add3A_503 : i32
        %dma_start3A_505 = arith.constant 0 : i32
        %dma_start3A_506 = tpu.memref_slice %arg6[%add3A_504, %dma_start3A_505] : memref<25x80xi32, #tpu.memory_space<vmem>> -> memref<1x80xi32, #tpu.memory_space<vmem>>
        %dma_start3A_507 = tpu.memref_squeeze %dma_start3A_506 : memref<1x80xi32, #tpu.memory_space<vmem>> -> memref<80xi32, #tpu.memory_space<vmem>>
        %dma_start3A_508 = arith.constant 0 : i32
        %dma_start3A_509 = arith.constant 0 : i32
        %dma_start3A_510 = tpu.memref_slice %arg4[%dma_start3A_508, %dma_start3A_509] : memref<10000x128xf32, #tpu.memory_space<hbm>> -> memref<10000x128xf32, #tpu.memory_space<hbm>>
        tpu.enqueue_indirect_dma source(%dma_start3A_510 : memref<10000x128xf32, #tpu.memory_space<hbm>>) target(%arg11 : memref<80x128xf32, #tpu.memory_space<vmem>>) offsets(%dma_start3A_507 : memref<80xi32, #tpu.memory_space<vmem>>) semaphore(%arg16 : memref<!tpu.dma_semaphore, #tpu.memory_space<semaphore_mem>>)
      } else {
      }
    }
    %scan3A_168 = arith.constant 7 : i32
    %dma_wait3A_169 = arith.constant 0 : i32
    %dma_wait3A_170 = arith.constant 0 : i32
    %dma_wait3A_171 = tpu.memref_slice %arg7[%dma_wait3A_169, %dma_wait3A_170] : memref<25x80xi32, #tpu.memory_space<vmem>> -> memref<1x80xi32, #tpu.memory_space<vmem>>
    %dma_wait3A_172 = tpu.memref_squeeze %dma_wait3A_171 : memref<1x80xi32, #tpu.memory_space<vmem>> -> memref<80xi32, #tpu.memory_space<vmem>>
    %dma_wait3A_173 = arith.constant 0 : i32
    %dma_wait3A_174 = arith.constant 0 : i32
    %dma_wait3A_175 = tpu.memref_slice %arg12[%dma_wait3A_173, %dma_wait3A_174] : memref<10000x128xf32, #tpu.memory_space<vmem_shared>> -> memref<10000x128xf32, #tpu.memory_space<vmem_shared>>
    tpu.wait_indirect_dma semaphore(%arg17 : memref<!tpu.dma_semaphore, #tpu.memory_space<semaphore_mem>>) src(%arg8 : memref<80x128xf32, #tpu.memory_space<vmem>>) dst(%dma_wait3A_175 : memref<10000x128xf32, #tpu.memory_space<vmem_shared>>)
    %dma_wait3A_176 = arith.constant 0 : i32
    %dma_wait3A_177 = arith.constant 0 : i32
    %dma_wait3A_178 = tpu.memref_slice %arg7[%dma_wait3A_176, %dma_wait3A_177] : memref<25x80xi32, #tpu.memory_space<vmem>> -> memref<1x80xi32, #tpu.memory_space<vmem>>
    %dma_wait3A_179 = tpu.memref_squeeze %dma_wait3A_178 : memref<1x80xi32, #tpu.memory_space<vmem>> -> memref<80xi32, #tpu.memory_space<vmem>>
    %dma_wait3A_180 = arith.constant 0 : i32
    %dma_wait3A_181 = arith.constant 0 : i32
    %dma_wait3A_182 = tpu.memref_slice %arg12[%dma_wait3A_180, %dma_wait3A_181] : memref<10000x128xf32, #tpu.memory_space<vmem_shared>> -> memref<10000x128xf32, #tpu.memory_space<vmem_shared>>
    tpu.wait_indirect_dma semaphore(%arg18 : memref<!tpu.dma_semaphore, #tpu.memory_space<semaphore_mem>>) src(%arg9 : memref<80x128xf32, #tpu.memory_space<vmem>>) dst(%dma_wait3A_182 : memref<10000x128xf32, #tpu.memory_space<vmem_shared>>)
    %dma_wait3A_183 = arith.constant 0 : i32
    %dma_wait3A_184 = arith.constant 0 : i32
    %dma_wait3A_185 = tpu.memref_slice %arg7[%dma_wait3A_183, %dma_wait3A_184] : memref<25x80xi32, #tpu.memory_space<vmem>> -> memref<1x80xi32, #tpu.memory_space<vmem>>
    %dma_wait3A_186 = tpu.memref_squeeze %dma_wait3A_185 : memref<1x80xi32, #tpu.memory_space<vmem>> -> memref<80xi32, #tpu.memory_space<vmem>>
    %dma_wait3A_187 = arith.constant 0 : i32
    %dma_wait3A_188 = arith.constant 0 : i32
    %dma_wait3A_189 = tpu.memref_slice %arg12[%dma_wait3A_187, %dma_wait3A_188] : memref<10000x128xf32, #tpu.memory_space<vmem_shared>> -> memref<10000x128xf32, #tpu.memory_space<vmem_shared>>
    tpu.wait_indirect_dma semaphore(%arg19 : memref<!tpu.dma_semaphore, #tpu.memory_space<semaphore_mem>>) src(%arg10 : memref<80x128xf32, #tpu.memory_space<vmem>>) dst(%dma_wait3A_189 : memref<10000x128xf32, #tpu.memory_space<vmem_shared>>)
    %dma_wait3A_190 = arith.constant 0 : i32
    %dma_wait3A_191 = arith.constant 0 : i32
    %dma_wait3A_192 = tpu.memref_slice %arg7[%dma_wait3A_190, %dma_wait3A_191] : memref<25x80xi32, #tpu.memory_space<vmem>> -> memref<1x80xi32, #tpu.memory_space<vmem>>
    %dma_wait3A_193 = tpu.memref_squeeze %dma_wait3A_192 : memref<1x80xi32, #tpu.memory_space<vmem>> -> memref<80xi32, #tpu.memory_space<vmem>>
    %dma_wait3A_194 = arith.constant 0 : i32
    %dma_wait3A_195 = arith.constant 0 : i32
    %dma_wait3A_196 = tpu.memref_slice %arg12[%dma_wait3A_194, %dma_wait3A_195] : memref<10000x128xf32, #tpu.memory_space<vmem_shared>> -> memref<10000x128xf32, #tpu.memory_space<vmem_shared>>
    tpu.wait_indirect_dma semaphore(%arg20 : memref<!tpu.dma_semaphore, #tpu.memory_space<semaphore_mem>>) src(%arg11 : memref<80x128xf32, #tpu.memory_space<vmem>>) dst(%dma_wait3A_196 : memref<10000x128xf32, #tpu.memory_space<vmem_shared>>)
    %run_scoped3A_197 = arith.constant 2 : i32
    "tpu.region"() ({
      %run_scoped3A_430 = tpu.sem_alloc : memref<!tpu.dma_semaphore, #tpu.memory_space<semaphore_mem>>
      %dma_start3A_431 = arith.constant 0 : i32
      %dma_start3A_432 = arith.constant 0 : i32
      %dma_start3A_433 = tpu.memref_slice %arg2[%add3A, %run_scoped3A_197, %dma_start3A_431, %dma_start3A_432] : memref<32x5x25x80xi32, #tpu.memory_space<hbm>> -> memref<1x1x25x80xi32, #tpu.memory_space<hbm>>
      %dma_start3A_434 = tpu.memref_squeeze %dma_start3A_433 : memref<1x1x25x80xi32, #tpu.memory_space<hbm>> -> memref<25x80xi32, #tpu.memory_space<hbm>>
      %dma_start3A_435 = arith.constant 0 : i32
      %dma_start3A_436 = arith.constant 0 : i32
      %dma_start3A_437 = tpu.memref_slice %arg2[%add3A, %run_scoped3A_197, %dma_start3A_435, %dma_start3A_436] : memref<32x5x25x80xi32, #tpu.memory_space<hbm>> -> memref<1x1x25x80xi32, #tpu.memory_space<hbm>>
      %dma_start3A_438 = tpu.memref_squeeze %dma_start3A_437 : memref<1x1x25x80xi32, #tpu.memory_space<hbm>> -> memref<25x80xi32, #tpu.memory_space<hbm>>
      tpu.enqueue_dma source(%dma_start3A_438 : memref<25x80xi32, #tpu.memory_space<hbm>>) target(%arg6 : memref<25x80xi32, #tpu.memory_space<vmem>>) target_semaphore(%run_scoped3A_430 : memref<!tpu.dma_semaphore, #tpu.memory_space<semaphore_mem>>)
      %dma_wait3A_439 = arith.constant 0 : i32
      %dma_wait3A_440 = arith.constant 0 : i32
      %dma_wait3A_441 = tpu.memref_slice %arg2[%add3A, %run_scoped3A_197, %dma_wait3A_439, %dma_wait3A_440] : memref<32x5x25x80xi32, #tpu.memory_space<hbm>> -> memref<1x1x25x80xi32, #tpu.memory_space<hbm>>
      %dma_wait3A_442 = tpu.memref_squeeze %dma_wait3A_441 : memref<1x1x25x80xi32, #tpu.memory_space<hbm>> -> memref<25x80xi32, #tpu.memory_space<hbm>>
      %dma_wait3A_443 = arith.constant 0 : i32
      %dma_wait3A_444 = arith.constant 0 : i32
      %dma_wait3A_445 = tpu.memref_slice %arg2[%add3A, %run_scoped3A_197, %dma_wait3A_443, %dma_wait3A_444] : memref<32x5x25x80xi32, #tpu.memory_space<hbm>> -> memref<1x1x25x80xi32, #tpu.memory_space<hbm>>
      %dma_wait3A_446 = tpu.memref_squeeze %dma_wait3A_445 : memref<1x1x25x80xi32, #tpu.memory_space<hbm>> -> memref<25x80xi32, #tpu.memory_space<hbm>>
      tpu.wait_dma2 semaphore(%run_scoped3A_430 : memref<!tpu.dma_semaphore, #tpu.memory_space<semaphore_mem>>) src(%dma_wait3A_446 : memref<25x80xi32, #tpu.memory_space<hbm>>) dst(%arg6 : memref<25x80xi32, #tpu.memory_space<vmem>>)
      tpu.yield
    }) : () -> ()
    %run_scoped3A_198 = arith.constant 2 : i32
    "tpu.region"() ({
      %run_scoped3A_430 = tpu.sem_alloc : memref<!tpu.dma_semaphore, #tpu.memory_space<semaphore_mem>>
      %dma_start3A_431 = arith.constant 0 : i32
      %dma_start3A_432 = arith.constant 0 : i32
      %dma_start3A_433 = tpu.memref_slice %arg3[%add3A, %run_scoped3A_198, %dma_start3A_431, %dma_start3A_432] : memref<32x5x25x80xi32, #tpu.memory_space<hbm>> -> memref<1x1x25x80xi32, #tpu.memory_space<hbm>>
      %dma_start3A_434 = tpu.memref_squeeze %dma_start3A_433 : memref<1x1x25x80xi32, #tpu.memory_space<hbm>> -> memref<25x80xi32, #tpu.memory_space<hbm>>
      %dma_start3A_435 = arith.constant 0 : i32
      %dma_start3A_436 = arith.constant 0 : i32
      %dma_start3A_437 = tpu.memref_slice %arg3[%add3A, %run_scoped3A_198, %dma_start3A_435, %dma_start3A_436] : memref<32x5x25x80xi32, #tpu.memory_space<hbm>> -> memref<1x1x25x80xi32, #tpu.memory_space<hbm>>
      %dma_start3A_438 = tpu.memref_squeeze %dma_start3A_437 : memref<1x1x25x80xi32, #tpu.memory_space<hbm>> -> memref<25x80xi32, #tpu.memory_space<hbm>>
      tpu.enqueue_dma source(%dma_start3A_438 : memref<25x80xi32, #tpu.memory_space<hbm>>) target(%arg7 : memref<25x80xi32, #tpu.memory_space<vmem>>) target_semaphore(%run_scoped3A_430 : memref<!tpu.dma_semaphore, #tpu.memory_space<semaphore_mem>>)
      %dma_wait3A_439 = arith.constant 0 : i32
      %dma_wait3A_440 = arith.constant 0 : i32
      %dma_wait3A_441 = tpu.memref_slice %arg3[%add3A, %run_scoped3A_198, %dma_wait3A_439, %dma_wait3A_440] : memref<32x5x25x80xi32, #tpu.memory_space<hbm>> -> memref<1x1x25x80xi32, #tpu.memory_space<hbm>>
      %dma_wait3A_442 = tpu.memref_squeeze %dma_wait3A_441 : memref<1x1x25x80xi32, #tpu.memory_space<hbm>> -> memref<25x80xi32, #tpu.memory_space<hbm>>
      %dma_wait3A_443 = arith.constant 0 : i32
      %dma_wait3A_444 = arith.constant 0 : i32
      %dma_wait3A_445 = tpu.memref_slice %arg3[%add3A, %run_scoped3A_198, %dma_wait3A_443, %dma_wait3A_444] : memref<32x5x25x80xi32, #tpu.memory_space<hbm>> -> memref<1x1x25x80xi32, #tpu.memory_space<hbm>>
      %dma_wait3A_446 = tpu.memref_squeeze %dma_wait3A_445 : memref<1x1x25x80xi32, #tpu.memory_space<hbm>> -> memref<25x80xi32, #tpu.memory_space<hbm>>
      tpu.wait_dma2 semaphore(%run_scoped3A_430 : memref<!tpu.dma_semaphore, #tpu.memory_space<semaphore_mem>>) src(%dma_wait3A_446 : memref<25x80xi32, #tpu.memory_space<hbm>>) dst(%arg7 : memref<25x80xi32, #tpu.memory_space<vmem>>)
      tpu.yield
    }) : () -> ()
    %dma_start3A_199 = arith.constant 0 : i32
    %dma_start3A_200 = arith.constant 0 : i32
    %dma_start3A_201 = tpu.memref_slice %arg6[%dma_start3A_199, %dma_start3A_200] : memref<25x80xi32, #tpu.memory_space<vmem>> -> memref<1x80xi32, #tpu.memory_space<vmem>>
    %dma_start3A_202 = tpu.memref_squeeze %dma_start3A_201 : memref<1x80xi32, #tpu.memory_space<vmem>> -> memref<80xi32, #tpu.memory_space<vmem>>
    %dma_start3A_203 = arith.constant 0 : i32
    %dma_start3A_204 = arith.constant 0 : i32
    %dma_start3A_205 = tpu.memref_slice %arg4[%dma_start3A_203, %dma_start3A_204] : memref<10000x128xf32, #tpu.memory_space<hbm>> -> memref<10000x128xf32, #tpu.memory_space<hbm>>
    tpu.enqueue_indirect_dma source(%dma_start3A_205 : memref<10000x128xf32, #tpu.memory_space<hbm>>) target(%arg8 : memref<80x128xf32, #tpu.memory_space<vmem>>) offsets(%dma_start3A_202 : memref<80xi32, #tpu.memory_space<vmem>>) semaphore(%arg13 : memref<!tpu.dma_semaphore, #tpu.memory_space<semaphore_mem>>)
    %dma_start3A_206 = arith.constant 1 : i32
    %dma_start3A_207 = arith.constant 0 : i32
    %dma_start3A_208 = tpu.memref_slice %arg6[%dma_start3A_206, %dma_start3A_207] : memref<25x80xi32, #tpu.memory_space<vmem>> -> memref<1x80xi32, #tpu.memory_space<vmem>>
    %dma_start3A_209 = tpu.memref_squeeze %dma_start3A_208 : memref<1x80xi32, #tpu.memory_space<vmem>> -> memref<80xi32, #tpu.memory_space<vmem>>
    %dma_start3A_210 = arith.constant 0 : i32
    %dma_start3A_211 = arith.constant 0 : i32
    %dma_start3A_212 = tpu.memref_slice %arg4[%dma_start3A_210, %dma_start3A_211] : memref<10000x128xf32, #tpu.memory_space<hbm>> -> memref<10000x128xf32, #tpu.memory_space<hbm>>
    tpu.enqueue_indirect_dma source(%dma_start3A_212 : memref<10000x128xf32, #tpu.memory_space<hbm>>) target(%arg9 : memref<80x128xf32, #tpu.memory_space<vmem>>) offsets(%dma_start3A_209 : memref<80xi32, #tpu.memory_space<vmem>>) semaphore(%arg14 : memref<!tpu.dma_semaphore, #tpu.memory_space<semaphore_mem>>)
    %dma_start3A_213 = arith.constant 2 : i32
    %dma_start3A_214 = arith.constant 0 : i32
    %dma_start3A_215 = tpu.memref_slice %arg6[%dma_start3A_213, %dma_start3A_214] : memref<25x80xi32, #tpu.memory_space<vmem>> -> memref<1x80xi32, #tpu.memory_space<vmem>>
    %dma_start3A_216 = tpu.memref_squeeze %dma_start3A_215 : memref<1x80xi32, #tpu.memory_space<vmem>> -> memref<80xi32, #tpu.memory_space<vmem>>
    %dma_start3A_217 = arith.constant 0 : i32
    %dma_start3A_218 = arith.constant 0 : i32
    %dma_start3A_219 = tpu.memref_slice %arg4[%dma_start3A_217, %dma_start3A_218] : memref<10000x128xf32, #tpu.memory_space<hbm>> -> memref<10000x128xf32, #tpu.memory_space<hbm>>
    tpu.enqueue_indirect_dma source(%dma_start3A_219 : memref<10000x128xf32, #tpu.memory_space<hbm>>) target(%arg10 : memref<80x128xf32, #tpu.memory_space<vmem>>) offsets(%dma_start3A_216 : memref<80xi32, #tpu.memory_space<vmem>>) semaphore(%arg15 : memref<!tpu.dma_semaphore, #tpu.memory_space<semaphore_mem>>)
    %dma_start3A_220 = arith.constant 3 : i32
    %dma_start3A_221 = arith.constant 0 : i32
    %dma_start3A_222 = tpu.memref_slice %arg6[%dma_start3A_220, %dma_start3A_221] : memref<25x80xi32, #tpu.memory_space<vmem>> -> memref<1x80xi32, #tpu.memory_space<vmem>>
    %dma_start3A_223 = tpu.memref_squeeze %dma_start3A_222 : memref<1x80xi32, #tpu.memory_space<vmem>> -> memref<80xi32, #tpu.memory_space<vmem>>
    %dma_start3A_224 = arith.constant 0 : i32
    %dma_start3A_225 = arith.constant 0 : i32
    %dma_start3A_226 = tpu.memref_slice %arg4[%dma_start3A_224, %dma_start3A_225] : memref<10000x128xf32, #tpu.memory_space<hbm>> -> memref<10000x128xf32, #tpu.memory_space<hbm>>
    tpu.enqueue_indirect_dma source(%dma_start3A_226 : memref<10000x128xf32, #tpu.memory_space<hbm>>) target(%arg11 : memref<80x128xf32, #tpu.memory_space<vmem>>) offsets(%dma_start3A_223 : memref<80xi32, #tpu.memory_space<vmem>>) semaphore(%arg16 : memref<!tpu.dma_semaphore, #tpu.memory_space<semaphore_mem>>)
    %scan3A_227 = arith.constant 0 : i32
    %scan3A_228 = arith.constant 0 : i32
    %scan3A_229 = arith.constant 7 : i32
    %scan3A_230 = arith.addi %scan3A_228, %scan3A_229 : i32
    %scan3A_231 = arith.constant 1 : i32
    scf.for %scan3A_430 = %scan3A_228 to %scan3A_230 step %scan3A_231  : i32 {
      %mul3A_431 = arith.constant 4 : i32
      %mul3A_432 = arith.muli %scan3A_430, %mul3A_431 : i32
      %add3A_433 = arith.constant 0 : i32
      %add3A_434 = arith.addi %mul3A_432, %add3A_433 : i32
      %lt3A = arith.constant 25 : i32
      %lt3A_435 = arith.cmpi slt, %add3A_434, %lt3A : i32
      %convert_element_type3A = arith.extui %lt3A_435 : i1 to i32
      %cond3A = arith.constant 0 : i32
      %cond3A_436 = arith.cmpi ne, %convert_element_type3A, %cond3A : i32
      scf.if %cond3A_436 {
        %dma_wait3A_494 = arith.constant 0 : i32
        %dma_wait3A_495 = arith.constant 0 : i32
        %dma_wait3A_496 = tpu.memref_slice %arg6[%dma_wait3A_494, %dma_wait3A_495] : memref<25x80xi32, #tpu.memory_space<vmem>> -> memref<1x80xi32, #tpu.memory_space<vmem>>
        %dma_wait3A_497 = tpu.memref_squeeze %dma_wait3A_496 : memref<1x80xi32, #tpu.memory_space<vmem>> -> memref<80xi32, #tpu.memory_space<vmem>>
        %dma_wait3A_498 = arith.constant 0 : i32
        %dma_wait3A_499 = arith.constant 0 : i32
        %dma_wait3A_500 = tpu.memref_slice %arg4[%dma_wait3A_498, %dma_wait3A_499] : memref<10000x128xf32, #tpu.memory_space<hbm>> -> memref<10000x128xf32, #tpu.memory_space<hbm>>
        tpu.wait_indirect_dma semaphore(%arg13 : memref<!tpu.dma_semaphore, #tpu.memory_space<semaphore_mem>>) src(%dma_wait3A_500 : memref<10000x128xf32, #tpu.memory_space<hbm>>) dst(%arg8 : memref<80x128xf32, #tpu.memory_space<vmem>>)
        %add3A_501 = arith.constant 0 : i32
        %add3A_502 = arith.addi %mul3A_432, %add3A_501 : i32
        %dma_start3A_503 = arith.constant 0 : i32
        %dma_start3A_504 = tpu.memref_slice %arg7[%add3A_502, %dma_start3A_503] : memref<25x80xi32, #tpu.memory_space<vmem>> -> memref<1x80xi32, #tpu.memory_space<vmem>>
        %dma_start3A_505 = tpu.memref_squeeze %dma_start3A_504 : memref<1x80xi32, #tpu.memory_space<vmem>> -> memref<80xi32, #tpu.memory_space<vmem>>
        %dma_start3A_506 = arith.constant 0 : i32
        %dma_start3A_507 = arith.constant 0 : i32
        %dma_start3A_508 = tpu.memref_slice %arg12[%dma_start3A_506, %dma_start3A_507] : memref<10000x128xf32, #tpu.memory_space<vmem_shared>> -> memref<10000x128xf32, #tpu.memory_space<vmem_shared>>
        tpu.enqueue_indirect_dma source(%arg8 : memref<80x128xf32, #tpu.memory_space<vmem>>) target(%dma_start3A_508 : memref<10000x128xf32, #tpu.memory_space<vmem_shared>>) offsets(%dma_start3A_505 : memref<80xi32, #tpu.memory_space<vmem>>) semaphore(%arg17 : memref<!tpu.dma_semaphore, #tpu.memory_space<semaphore_mem>>) {add = true}
      } else {
      }
      %add3A_437 = arith.constant 1 : i32
      %add3A_438 = arith.addi %mul3A_432, %add3A_437 : i32
      %lt3A_439 = arith.constant 25 : i32
      %lt3A_440 = arith.cmpi slt, %add3A_438, %lt3A_439 : i32
      %convert_element_type3A_441 = arith.extui %lt3A_440 : i1 to i32
      %cond3A_442 = arith.constant 0 : i32
      %cond3A_443 = arith.cmpi ne, %convert_element_type3A_441, %cond3A_442 : i32
      scf.if %cond3A_443 {
        %dma_wait3A_494 = arith.constant 0 : i32
        %dma_wait3A_495 = arith.constant 0 : i32
        %dma_wait3A_496 = tpu.memref_slice %arg6[%dma_wait3A_494, %dma_wait3A_495] : memref<25x80xi32, #tpu.memory_space<vmem>> -> memref<1x80xi32, #tpu.memory_space<vmem>>
        %dma_wait3A_497 = tpu.memref_squeeze %dma_wait3A_496 : memref<1x80xi32, #tpu.memory_space<vmem>> -> memref<80xi32, #tpu.memory_space<vmem>>
        %dma_wait3A_498 = arith.constant 0 : i32
        %dma_wait3A_499 = arith.constant 0 : i32
        %dma_wait3A_500 = tpu.memref_slice %arg4[%dma_wait3A_498, %dma_wait3A_499] : memref<10000x128xf32, #tpu.memory_space<hbm>> -> memref<10000x128xf32, #tpu.memory_space<hbm>>
        tpu.wait_indirect_dma semaphore(%arg14 : memref<!tpu.dma_semaphore, #tpu.memory_space<semaphore_mem>>) src(%dma_wait3A_500 : memref<10000x128xf32, #tpu.memory_space<hbm>>) dst(%arg9 : memref<80x128xf32, #tpu.memory_space<vmem>>)
        %add3A_501 = arith.constant 1 : i32
        %add3A_502 = arith.addi %mul3A_432, %add3A_501 : i32
        %dma_start3A_503 = arith.constant 0 : i32
        %dma_start3A_504 = tpu.memref_slice %arg7[%add3A_502, %dma_start3A_503] : memref<25x80xi32, #tpu.memory_space<vmem>> -> memref<1x80xi32, #tpu.memory_space<vmem>>
        %dma_start3A_505 = tpu.memref_squeeze %dma_start3A_504 : memref<1x80xi32, #tpu.memory_space<vmem>> -> memref<80xi32, #tpu.memory_space<vmem>>
        %dma_start3A_506 = arith.constant 0 : i32
        %dma_start3A_507 = arith.constant 0 : i32
        %dma_start3A_508 = tpu.memref_slice %arg12[%dma_start3A_506, %dma_start3A_507] : memref<10000x128xf32, #tpu.memory_space<vmem_shared>> -> memref<10000x128xf32, #tpu.memory_space<vmem_shared>>
        tpu.enqueue_indirect_dma source(%arg9 : memref<80x128xf32, #tpu.memory_space<vmem>>) target(%dma_start3A_508 : memref<10000x128xf32, #tpu.memory_space<vmem_shared>>) offsets(%dma_start3A_505 : memref<80xi32, #tpu.memory_space<vmem>>) semaphore(%arg18 : memref<!tpu.dma_semaphore, #tpu.memory_space<semaphore_mem>>) {add = true}
      } else {
      }
      %add3A_444 = arith.constant 2 : i32
      %add3A_445 = arith.addi %mul3A_432, %add3A_444 : i32
      %lt3A_446 = arith.constant 25 : i32
      %lt3A_447 = arith.cmpi slt, %add3A_445, %lt3A_446 : i32
      %convert_element_type3A_448 = arith.extui %lt3A_447 : i1 to i32
      %cond3A_449 = arith.constant 0 : i32
      %cond3A_450 = arith.cmpi ne, %convert_element_type3A_448, %cond3A_449 : i32
      scf.if %cond3A_450 {
        %dma_wait3A_494 = arith.constant 0 : i32
        %dma_wait3A_495 = arith.constant 0 : i32
        %dma_wait3A_496 = tpu.memref_slice %arg6[%dma_wait3A_494, %dma_wait3A_495] : memref<25x80xi32, #tpu.memory_space<vmem>> -> memref<1x80xi32, #tpu.memory_space<vmem>>
        %dma_wait3A_497 = tpu.memref_squeeze %dma_wait3A_496 : memref<1x80xi32, #tpu.memory_space<vmem>> -> memref<80xi32, #tpu.memory_space<vmem>>
        %dma_wait3A_498 = arith.constant 0 : i32
        %dma_wait3A_499 = arith.constant 0 : i32
        %dma_wait3A_500 = tpu.memref_slice %arg4[%dma_wait3A_498, %dma_wait3A_499] : memref<10000x128xf32, #tpu.memory_space<hbm>> -> memref<10000x128xf32, #tpu.memory_space<hbm>>
        tpu.wait_indirect_dma semaphore(%arg15 : memref<!tpu.dma_semaphore, #tpu.memory_space<semaphore_mem>>) src(%dma_wait3A_500 : memref<10000x128xf32, #tpu.memory_space<hbm>>) dst(%arg10 : memref<80x128xf32, #tpu.memory_space<vmem>>)
        %add3A_501 = arith.constant 2 : i32
        %add3A_502 = arith.addi %mul3A_432, %add3A_501 : i32
        %dma_start3A_503 = arith.constant 0 : i32
        %dma_start3A_504 = tpu.memref_slice %arg7[%add3A_502, %dma_start3A_503] : memref<25x80xi32, #tpu.memory_space<vmem>> -> memref<1x80xi32, #tpu.memory_space<vmem>>
        %dma_start3A_505 = tpu.memref_squeeze %dma_start3A_504 : memref<1x80xi32, #tpu.memory_space<vmem>> -> memref<80xi32, #tpu.memory_space<vmem>>
        %dma_start3A_506 = arith.constant 0 : i32
        %dma_start3A_507 = arith.constant 0 : i32
        %dma_start3A_508 = tpu.memref_slice %arg12[%dma_start3A_506, %dma_start3A_507] : memref<10000x128xf32, #tpu.memory_space<vmem_shared>> -> memref<10000x128xf32, #tpu.memory_space<vmem_shared>>
        tpu.enqueue_indirect_dma source(%arg10 : memref<80x128xf32, #tpu.memory_space<vmem>>) target(%dma_start3A_508 : memref<10000x128xf32, #tpu.memory_space<vmem_shared>>) offsets(%dma_start3A_505 : memref<80xi32, #tpu.memory_space<vmem>>) semaphore(%arg19 : memref<!tpu.dma_semaphore, #tpu.memory_space<semaphore_mem>>) {add = true}
      } else {
      }
      %add3A_451 = arith.constant 3 : i32
      %add3A_452 = arith.addi %mul3A_432, %add3A_451 : i32
      %lt3A_453 = arith.constant 25 : i32
      %lt3A_454 = arith.cmpi slt, %add3A_452, %lt3A_453 : i32
      %convert_element_type3A_455 = arith.extui %lt3A_454 : i1 to i32
      %cond3A_456 = arith.constant 0 : i32
      %cond3A_457 = arith.cmpi ne, %convert_element_type3A_455, %cond3A_456 : i32
      scf.if %cond3A_457 {
        %dma_wait3A_494 = arith.constant 0 : i32
        %dma_wait3A_495 = arith.constant 0 : i32
        %dma_wait3A_496 = tpu.memref_slice %arg6[%dma_wait3A_494, %dma_wait3A_495] : memref<25x80xi32, #tpu.memory_space<vmem>> -> memref<1x80xi32, #tpu.memory_space<vmem>>
        %dma_wait3A_497 = tpu.memref_squeeze %dma_wait3A_496 : memref<1x80xi32, #tpu.memory_space<vmem>> -> memref<80xi32, #tpu.memory_space<vmem>>
        %dma_wait3A_498 = arith.constant 0 : i32
        %dma_wait3A_499 = arith.constant 0 : i32
        %dma_wait3A_500 = tpu.memref_slice %arg4[%dma_wait3A_498, %dma_wait3A_499] : memref<10000x128xf32, #tpu.memory_space<hbm>> -> memref<10000x128xf32, #tpu.memory_space<hbm>>
        tpu.wait_indirect_dma semaphore(%arg16 : memref<!tpu.dma_semaphore, #tpu.memory_space<semaphore_mem>>) src(%dma_wait3A_500 : memref<10000x128xf32, #tpu.memory_space<hbm>>) dst(%arg11 : memref<80x128xf32, #tpu.memory_space<vmem>>)
        %add3A_501 = arith.constant 3 : i32
        %add3A_502 = arith.addi %mul3A_432, %add3A_501 : i32
        %dma_start3A_503 = arith.constant 0 : i32
        %dma_start3A_504 = tpu.memref_slice %arg7[%add3A_502, %dma_start3A_503] : memref<25x80xi32, #tpu.memory_space<vmem>> -> memref<1x80xi32, #tpu.memory_space<vmem>>
        %dma_start3A_505 = tpu.memref_squeeze %dma_start3A_504 : memref<1x80xi32, #tpu.memory_space<vmem>> -> memref<80xi32, #tpu.memory_space<vmem>>
        %dma_start3A_506 = arith.constant 0 : i32
        %dma_start3A_507 = arith.constant 0 : i32
        %dma_start3A_508 = tpu.memref_slice %arg12[%dma_start3A_506, %dma_start3A_507] : memref<10000x128xf32, #tpu.memory_space<vmem_shared>> -> memref<10000x128xf32, #tpu.memory_space<vmem_shared>>
        tpu.enqueue_indirect_dma source(%arg11 : memref<80x128xf32, #tpu.memory_space<vmem>>) target(%dma_start3A_508 : memref<10000x128xf32, #tpu.memory_space<vmem_shared>>) offsets(%dma_start3A_505 : memref<80xi32, #tpu.memory_space<vmem>>) semaphore(%arg20 : memref<!tpu.dma_semaphore, #tpu.memory_space<semaphore_mem>>) {add = true}
      } else {
      }
      %add3A_458 = arith.constant 0 : i32
      %add3A_459 = arith.addi %mul3A_432, %add3A_458 : i32
      %add3A_460 = arith.constant 4 : i32
      %add3A_461 = arith.addi %add3A_459, %add3A_460 : i32
      %lt3A_462 = arith.constant 25 : i32
      %lt3A_463 = arith.cmpi slt, %add3A_461, %lt3A_462 : i32
      %convert_element_type3A_464 = arith.extui %lt3A_463 : i1 to i32
      %cond3A_465 = arith.constant 0 : i32
      %cond3A_466 = arith.cmpi ne, %convert_element_type3A_464, %cond3A_465 : i32
      scf.if %cond3A_466 {
        %dma_wait3A_494 = arith.constant 0 : i32
        %dma_wait3A_495 = arith.constant 0 : i32
        %dma_wait3A_496 = tpu.memref_slice %arg7[%dma_wait3A_494, %dma_wait3A_495] : memref<25x80xi32, #tpu.memory_space<vmem>> -> memref<1x80xi32, #tpu.memory_space<vmem>>
        %dma_wait3A_497 = tpu.memref_squeeze %dma_wait3A_496 : memref<1x80xi32, #tpu.memory_space<vmem>> -> memref<80xi32, #tpu.memory_space<vmem>>
        %dma_wait3A_498 = arith.constant 0 : i32
        %dma_wait3A_499 = arith.constant 0 : i32
        %dma_wait3A_500 = tpu.memref_slice %arg12[%dma_wait3A_498, %dma_wait3A_499] : memref<10000x128xf32, #tpu.memory_space<vmem_shared>> -> memref<10000x128xf32, #tpu.memory_space<vmem_shared>>
        tpu.wait_indirect_dma semaphore(%arg17 : memref<!tpu.dma_semaphore, #tpu.memory_space<semaphore_mem>>) src(%arg8 : memref<80x128xf32, #tpu.memory_space<vmem>>) dst(%dma_wait3A_500 : memref<10000x128xf32, #tpu.memory_space<vmem_shared>>)
        %add3A_501 = arith.constant 0 : i32
        %add3A_502 = arith.addi %mul3A_432, %add3A_501 : i32
        %add3A_503 = arith.constant 4 : i32
        %add3A_504 = arith.addi %add3A_502, %add3A_503 : i32
        %dma_start3A_505 = arith.constant 0 : i32
        %dma_start3A_506 = tpu.memref_slice %arg6[%add3A_504, %dma_start3A_505] : memref<25x80xi32, #tpu.memory_space<vmem>> -> memref<1x80xi32, #tpu.memory_space<vmem>>
        %dma_start3A_507 = tpu.memref_squeeze %dma_start3A_506 : memref<1x80xi32, #tpu.memory_space<vmem>> -> memref<80xi32, #tpu.memory_space<vmem>>
        %dma_start3A_508 = arith.constant 0 : i32
        %dma_start3A_509 = arith.constant 0 : i32
        %dma_start3A_510 = tpu.memref_slice %arg4[%dma_start3A_508, %dma_start3A_509] : memref<10000x128xf32, #tpu.memory_space<hbm>> -> memref<10000x128xf32, #tpu.memory_space<hbm>>
        tpu.enqueue_indirect_dma source(%dma_start3A_510 : memref<10000x128xf32, #tpu.memory_space<hbm>>) target(%arg8 : memref<80x128xf32, #tpu.memory_space<vmem>>) offsets(%dma_start3A_507 : memref<80xi32, #tpu.memory_space<vmem>>) semaphore(%arg13 : memref<!tpu.dma_semaphore, #tpu.memory_space<semaphore_mem>>)
      } else {
      }
      %add3A_467 = arith.constant 1 : i32
      %add3A_468 = arith.addi %mul3A_432, %add3A_467 : i32
      %add3A_469 = arith.constant 4 : i32
      %add3A_470 = arith.addi %add3A_468, %add3A_469 : i32
      %lt3A_471 = arith.constant 25 : i32
      %lt3A_472 = arith.cmpi slt, %add3A_470, %lt3A_471 : i32
      %convert_element_type3A_473 = arith.extui %lt3A_472 : i1 to i32
      %cond3A_474 = arith.constant 0 : i32
      %cond3A_475 = arith.cmpi ne, %convert_element_type3A_473, %cond3A_474 : i32
      scf.if %cond3A_475 {
        %dma_wait3A_494 = arith.constant 0 : i32
        %dma_wait3A_495 = arith.constant 0 : i32
        %dma_wait3A_496 = tpu.memref_slice %arg7[%dma_wait3A_494, %dma_wait3A_495] : memref<25x80xi32, #tpu.memory_space<vmem>> -> memref<1x80xi32, #tpu.memory_space<vmem>>
        %dma_wait3A_497 = tpu.memref_squeeze %dma_wait3A_496 : memref<1x80xi32, #tpu.memory_space<vmem>> -> memref<80xi32, #tpu.memory_space<vmem>>
        %dma_wait3A_498 = arith.constant 0 : i32
        %dma_wait3A_499 = arith.constant 0 : i32
        %dma_wait3A_500 = tpu.memref_slice %arg12[%dma_wait3A_498, %dma_wait3A_499] : memref<10000x128xf32, #tpu.memory_space<vmem_shared>> -> memref<10000x128xf32, #tpu.memory_space<vmem_shared>>
        tpu.wait_indirect_dma semaphore(%arg18 : memref<!tpu.dma_semaphore, #tpu.memory_space<semaphore_mem>>) src(%arg9 : memref<80x128xf32, #tpu.memory_space<vmem>>) dst(%dma_wait3A_500 : memref<10000x128xf32, #tpu.memory_space<vmem_shared>>)
        %add3A_501 = arith.constant 1 : i32
        %add3A_502 = arith.addi %mul3A_432, %add3A_501 : i32
        %add3A_503 = arith.constant 4 : i32
        %add3A_504 = arith.addi %add3A_502, %add3A_503 : i32
        %dma_start3A_505 = arith.constant 0 : i32
        %dma_start3A_506 = tpu.memref_slice %arg6[%add3A_504, %dma_start3A_505] : memref<25x80xi32, #tpu.memory_space<vmem>> -> memref<1x80xi32, #tpu.memory_space<vmem>>
        %dma_start3A_507 = tpu.memref_squeeze %dma_start3A_506 : memref<1x80xi32, #tpu.memory_space<vmem>> -> memref<80xi32, #tpu.memory_space<vmem>>
        %dma_start3A_508 = arith.constant 0 : i32
        %dma_start3A_509 = arith.constant 0 : i32
        %dma_start3A_510 = tpu.memref_slice %arg4[%dma_start3A_508, %dma_start3A_509] : memref<10000x128xf32, #tpu.memory_space<hbm>> -> memref<10000x128xf32, #tpu.memory_space<hbm>>
        tpu.enqueue_indirect_dma source(%dma_start3A_510 : memref<10000x128xf32, #tpu.memory_space<hbm>>) target(%arg9 : memref<80x128xf32, #tpu.memory_space<vmem>>) offsets(%dma_start3A_507 : memref<80xi32, #tpu.memory_space<vmem>>) semaphore(%arg14 : memref<!tpu.dma_semaphore, #tpu.memory_space<semaphore_mem>>)
      } else {
      }
      %add3A_476 = arith.constant 2 : i32
      %add3A_477 = arith.addi %mul3A_432, %add3A_476 : i32
      %add3A_478 = arith.constant 4 : i32
      %add3A_479 = arith.addi %add3A_477, %add3A_478 : i32
      %lt3A_480 = arith.constant 25 : i32
      %lt3A_481 = arith.cmpi slt, %add3A_479, %lt3A_480 : i32
      %convert_element_type3A_482 = arith.extui %lt3A_481 : i1 to i32
      %cond3A_483 = arith.constant 0 : i32
      %cond3A_484 = arith.cmpi ne, %convert_element_type3A_482, %cond3A_483 : i32
      scf.if %cond3A_484 {
        %dma_wait3A_494 = arith.constant 0 : i32
        %dma_wait3A_495 = arith.constant 0 : i32
        %dma_wait3A_496 = tpu.memref_slice %arg7[%dma_wait3A_494, %dma_wait3A_495] : memref<25x80xi32, #tpu.memory_space<vmem>> -> memref<1x80xi32, #tpu.memory_space<vmem>>
        %dma_wait3A_497 = tpu.memref_squeeze %dma_wait3A_496 : memref<1x80xi32, #tpu.memory_space<vmem>> -> memref<80xi32, #tpu.memory_space<vmem>>
        %dma_wait3A_498 = arith.constant 0 : i32
        %dma_wait3A_499 = arith.constant 0 : i32
        %dma_wait3A_500 = tpu.memref_slice %arg12[%dma_wait3A_498, %dma_wait3A_499] : memref<10000x128xf32, #tpu.memory_space<vmem_shared>> -> memref<10000x128xf32, #tpu.memory_space<vmem_shared>>
        tpu.wait_indirect_dma semaphore(%arg19 : memref<!tpu.dma_semaphore, #tpu.memory_space<semaphore_mem>>) src(%arg10 : memref<80x128xf32, #tpu.memory_space<vmem>>) dst(%dma_wait3A_500 : memref<10000x128xf32, #tpu.memory_space<vmem_shared>>)
        %add3A_501 = arith.constant 2 : i32
        %add3A_502 = arith.addi %mul3A_432, %add3A_501 : i32
        %add3A_503 = arith.constant 4 : i32
        %add3A_504 = arith.addi %add3A_502, %add3A_503 : i32
        %dma_start3A_505 = arith.constant 0 : i32
        %dma_start3A_506 = tpu.memref_slice %arg6[%add3A_504, %dma_start3A_505] : memref<25x80xi32, #tpu.memory_space<vmem>> -> memref<1x80xi32, #tpu.memory_space<vmem>>
        %dma_start3A_507 = tpu.memref_squeeze %dma_start3A_506 : memref<1x80xi32, #tpu.memory_space<vmem>> -> memref<80xi32, #tpu.memory_space<vmem>>
        %dma_start3A_508 = arith.constant 0 : i32
        %dma_start3A_509 = arith.constant 0 : i32
        %dma_start3A_510 = tpu.memref_slice %arg4[%dma_start3A_508, %dma_start3A_509] : memref<10000x128xf32, #tpu.memory_space<hbm>> -> memref<10000x128xf32, #tpu.memory_space<hbm>>
        tpu.enqueue_indirect_dma source(%dma_start3A_510 : memref<10000x128xf32, #tpu.memory_space<hbm>>) target(%arg10 : memref<80x128xf32, #tpu.memory_space<vmem>>) offsets(%dma_start3A_507 : memref<80xi32, #tpu.memory_space<vmem>>) semaphore(%arg15 : memref<!tpu.dma_semaphore, #tpu.memory_space<semaphore_mem>>)
      } else {
      }
      %add3A_485 = arith.constant 3 : i32
      %add3A_486 = arith.addi %mul3A_432, %add3A_485 : i32
      %add3A_487 = arith.constant 4 : i32
      %add3A_488 = arith.addi %add3A_486, %add3A_487 : i32
      %lt3A_489 = arith.constant 25 : i32
      %lt3A_490 = arith.cmpi slt, %add3A_488, %lt3A_489 : i32
      %convert_element_type3A_491 = arith.extui %lt3A_490 : i1 to i32
      %cond3A_492 = arith.constant 0 : i32
      %cond3A_493 = arith.cmpi ne, %convert_element_type3A_491, %cond3A_492 : i32
      scf.if %cond3A_493 {
        %dma_wait3A_494 = arith.constant 0 : i32
        %dma_wait3A_495 = arith.constant 0 : i32
        %dma_wait3A_496 = tpu.memref_slice %arg7[%dma_wait3A_494, %dma_wait3A_495] : memref<25x80xi32, #tpu.memory_space<vmem>> -> memref<1x80xi32, #tpu.memory_space<vmem>>
        %dma_wait3A_497 = tpu.memref_squeeze %dma_wait3A_496 : memref<1x80xi32, #tpu.memory_space<vmem>> -> memref<80xi32, #tpu.memory_space<vmem>>
        %dma_wait3A_498 = arith.constant 0 : i32
        %dma_wait3A_499 = arith.constant 0 : i32
        %dma_wait3A_500 = tpu.memref_slice %arg12[%dma_wait3A_498, %dma_wait3A_499] : memref<10000x128xf32, #tpu.memory_space<vmem_shared>> -> memref<10000x128xf32, #tpu.memory_space<vmem_shared>>
        tpu.wait_indirect_dma semaphore(%arg20 : memref<!tpu.dma_semaphore, #tpu.memory_space<semaphore_mem>>) src(%arg11 : memref<80x128xf32, #tpu.memory_space<vmem>>) dst(%dma_wait3A_500 : memref<10000x128xf32, #tpu.memory_space<vmem_shared>>)
        %add3A_501 = arith.constant 3 : i32
        %add3A_502 = arith.addi %mul3A_432, %add3A_501 : i32
        %add3A_503 = arith.constant 4 : i32
        %add3A_504 = arith.addi %add3A_502, %add3A_503 : i32
        %dma_start3A_505 = arith.constant 0 : i32
        %dma_start3A_506 = tpu.memref_slice %arg6[%add3A_504, %dma_start3A_505] : memref<25x80xi32, #tpu.memory_space<vmem>> -> memref<1x80xi32, #tpu.memory_space<vmem>>
        %dma_start3A_507 = tpu.memref_squeeze %dma_start3A_506 : memref<1x80xi32, #tpu.memory_space<vmem>> -> memref<80xi32, #tpu.memory_space<vmem>>
        %dma_start3A_508 = arith.constant 0 : i32
        %dma_start3A_509 = arith.constant 0 : i32
        %dma_start3A_510 = tpu.memref_slice %arg4[%dma_start3A_508, %dma_start3A_509] : memref<10000x128xf32, #tpu.memory_space<hbm>> -> memref<10000x128xf32, #tpu.memory_space<hbm>>
        tpu.enqueue_indirect_dma source(%dma_start3A_510 : memref<10000x128xf32, #tpu.memory_space<hbm>>) target(%arg11 : memref<80x128xf32, #tpu.memory_space<vmem>>) offsets(%dma_start3A_507 : memref<80xi32, #tpu.memory_space<vmem>>) semaphore(%arg16 : memref<!tpu.dma_semaphore, #tpu.memory_space<semaphore_mem>>)
      } else {
      }
    }
    %scan3A_232 = arith.constant 7 : i32
    %dma_wait3A_233 = arith.constant 0 : i32
    %dma_wait3A_234 = arith.constant 0 : i32
    %dma_wait3A_235 = tpu.memref_slice %arg7[%dma_wait3A_233, %dma_wait3A_234] : memref<25x80xi32, #tpu.memory_space<vmem>> -> memref<1x80xi32, #tpu.memory_space<vmem>>
    %dma_wait3A_236 = tpu.memref_squeeze %dma_wait3A_235 : memref<1x80xi32, #tpu.memory_space<vmem>> -> memref<80xi32, #tpu.memory_space<vmem>>
    %dma_wait3A_237 = arith.constant 0 : i32
    %dma_wait3A_238 = arith.constant 0 : i32
    %dma_wait3A_239 = tpu.memref_slice %arg12[%dma_wait3A_237, %dma_wait3A_238] : memref<10000x128xf32, #tpu.memory_space<vmem_shared>> -> memref<10000x128xf32, #tpu.memory_space<vmem_shared>>
    tpu.wait_indirect_dma semaphore(%arg17 : memref<!tpu.dma_semaphore, #tpu.memory_space<semaphore_mem>>) src(%arg8 : memref<80x128xf32, #tpu.memory_space<vmem>>) dst(%dma_wait3A_239 : memref<10000x128xf32, #tpu.memory_space<vmem_shared>>)
    %dma_wait3A_240 = arith.constant 0 : i32
    %dma_wait3A_241 = arith.constant 0 : i32
    %dma_wait3A_242 = tpu.memref_slice %arg7[%dma_wait3A_240, %dma_wait3A_241] : memref<25x80xi32, #tpu.memory_space<vmem>> -> memref<1x80xi32, #tpu.memory_space<vmem>>
    %dma_wait3A_243 = tpu.memref_squeeze %dma_wait3A_242 : memref<1x80xi32, #tpu.memory_space<vmem>> -> memref<80xi32, #tpu.memory_space<vmem>>
    %dma_wait3A_244 = arith.constant 0 : i32
    %dma_wait3A_245 = arith.constant 0 : i32
    %dma_wait3A_246 = tpu.memref_slice %arg12[%dma_wait3A_244, %dma_wait3A_245] : memref<10000x128xf32, #tpu.memory_space<vmem_shared>> -> memref<10000x128xf32, #tpu.memory_space<vmem_shared>>
    tpu.wait_indirect_dma semaphore(%arg18 : memref<!tpu.dma_semaphore, #tpu.memory_space<semaphore_mem>>) src(%arg9 : memref<80x128xf32, #tpu.memory_space<vmem>>) dst(%dma_wait3A_246 : memref<10000x128xf32, #tpu.memory_space<vmem_shared>>)
    %dma_wait3A_247 = arith.constant 0 : i32
    %dma_wait3A_248 = arith.constant 0 : i32
    %dma_wait3A_249 = tpu.memref_slice %arg7[%dma_wait3A_247, %dma_wait3A_248] : memref<25x80xi32, #tpu.memory_space<vmem>> -> memref<1x80xi32, #tpu.memory_space<vmem>>
    %dma_wait3A_250 = tpu.memref_squeeze %dma_wait3A_249 : memref<1x80xi32, #tpu.memory_space<vmem>> -> memref<80xi32, #tpu.memory_space<vmem>>
    %dma_wait3A_251 = arith.constant 0 : i32
    %dma_wait3A_252 = arith.constant 0 : i32
    %dma_wait3A_253 = tpu.memref_slice %arg12[%dma_wait3A_251, %dma_wait3A_252] : memref<10000x128xf32, #tpu.memory_space<vmem_shared>> -> memref<10000x128xf32, #tpu.memory_space<vmem_shared>>
    tpu.wait_indirect_dma semaphore(%arg19 : memref<!tpu.dma_semaphore, #tpu.memory_space<semaphore_mem>>) src(%arg10 : memref<80x128xf32, #tpu.memory_space<vmem>>) dst(%dma_wait3A_253 : memref<10000x128xf32, #tpu.memory_space<vmem_shared>>)
    %dma_wait3A_254 = arith.constant 0 : i32
    %dma_wait3A_255 = arith.constant 0 : i32
    %dma_wait3A_256 = tpu.memref_slice %arg7[%dma_wait3A_254, %dma_wait3A_255] : memref<25x80xi32, #tpu.memory_space<vmem>> -> memref<1x80xi32, #tpu.memory_space<vmem>>
    %dma_wait3A_257 = tpu.memref_squeeze %dma_wait3A_256 : memref<1x80xi32, #tpu.memory_space<vmem>> -> memref<80xi32, #tpu.memory_space<vmem>>
    %dma_wait3A_258 = arith.constant 0 : i32
    %dma_wait3A_259 = arith.constant 0 : i32
    %dma_wait3A_260 = tpu.memref_slice %arg12[%dma_wait3A_258, %dma_wait3A_259] : memref<10000x128xf32, #tpu.memory_space<vmem_shared>> -> memref<10000x128xf32, #tpu.memory_space<vmem_shared>>
    tpu.wait_indirect_dma semaphore(%arg20 : memref<!tpu.dma_semaphore, #tpu.memory_space<semaphore_mem>>) src(%arg11 : memref<80x128xf32, #tpu.memory_space<vmem>>) dst(%dma_wait3A_260 : memref<10000x128xf32, #tpu.memory_space<vmem_shared>>)
    %run_scoped3A_261 = arith.constant 3 : i32
    "tpu.region"() ({
      %run_scoped3A_430 = tpu.sem_alloc : memref<!tpu.dma_semaphore, #tpu.memory_space<semaphore_mem>>
      %dma_start3A_431 = arith.constant 0 : i32
      %dma_start3A_432 = arith.constant 0 : i32
      %dma_start3A_433 = tpu.memref_slice %arg2[%add3A, %run_scoped3A_261, %dma_start3A_431, %dma_start3A_432] : memref<32x5x25x80xi32, #tpu.memory_space<hbm>> -> memref<1x1x25x80xi32, #tpu.memory_space<hbm>>
      %dma_start3A_434 = tpu.memref_squeeze %dma_start3A_433 : memref<1x1x25x80xi32, #tpu.memory_space<hbm>> -> memref<25x80xi32, #tpu.memory_space<hbm>>
      %dma_start3A_435 = arith.constant 0 : i32
      %dma_start3A_436 = arith.constant 0 : i32
      %dma_start3A_437 = tpu.memref_slice %arg2[%add3A, %run_scoped3A_261, %dma_start3A_435, %dma_start3A_436] : memref<32x5x25x80xi32, #tpu.memory_space<hbm>> -> memref<1x1x25x80xi32, #tpu.memory_space<hbm>>
      %dma_start3A_438 = tpu.memref_squeeze %dma_start3A_437 : memref<1x1x25x80xi32, #tpu.memory_space<hbm>> -> memref<25x80xi32, #tpu.memory_space<hbm>>
      tpu.enqueue_dma source(%dma_start3A_438 : memref<25x80xi32, #tpu.memory_space<hbm>>) target(%arg6 : memref<25x80xi32, #tpu.memory_space<vmem>>) target_semaphore(%run_scoped3A_430 : memref<!tpu.dma_semaphore, #tpu.memory_space<semaphore_mem>>)
      %dma_wait3A_439 = arith.constant 0 : i32
      %dma_wait3A_440 = arith.constant 0 : i32
      %dma_wait3A_441 = tpu.memref_slice %arg2[%add3A, %run_scoped3A_261, %dma_wait3A_439, %dma_wait3A_440] : memref<32x5x25x80xi32, #tpu.memory_space<hbm>> -> memref<1x1x25x80xi32, #tpu.memory_space<hbm>>
      %dma_wait3A_442 = tpu.memref_squeeze %dma_wait3A_441 : memref<1x1x25x80xi32, #tpu.memory_space<hbm>> -> memref<25x80xi32, #tpu.memory_space<hbm>>
      %dma_wait3A_443 = arith.constant 0 : i32
      %dma_wait3A_444 = arith.constant 0 : i32
      %dma_wait3A_445 = tpu.memref_slice %arg2[%add3A, %run_scoped3A_261, %dma_wait3A_443, %dma_wait3A_444] : memref<32x5x25x80xi32, #tpu.memory_space<hbm>> -> memref<1x1x25x80xi32, #tpu.memory_space<hbm>>
      %dma_wait3A_446 = tpu.memref_squeeze %dma_wait3A_445 : memref<1x1x25x80xi32, #tpu.memory_space<hbm>> -> memref<25x80xi32, #tpu.memory_space<hbm>>
      tpu.wait_dma2 semaphore(%run_scoped3A_430 : memref<!tpu.dma_semaphore, #tpu.memory_space<semaphore_mem>>) src(%dma_wait3A_446 : memref<25x80xi32, #tpu.memory_space<hbm>>) dst(%arg6 : memref<25x80xi32, #tpu.memory_space<vmem>>)
      tpu.yield
    }) : () -> ()
    %run_scoped3A_262 = arith.constant 3 : i32
    "tpu.region"() ({
      %run_scoped3A_430 = tpu.sem_alloc : memref<!tpu.dma_semaphore, #tpu.memory_space<semaphore_mem>>
      %dma_start3A_431 = arith.constant 0 : i32
      %dma_start3A_432 = arith.constant 0 : i32
      %dma_start3A_433 = tpu.memref_slice %arg3[%add3A, %run_scoped3A_262, %dma_start3A_431, %dma_start3A_432] : memref<32x5x25x80xi32, #tpu.memory_space<hbm>> -> memref<1x1x25x80xi32, #tpu.memory_space<hbm>>
      %dma_start3A_434 = tpu.memref_squeeze %dma_start3A_433 : memref<1x1x25x80xi32, #tpu.memory_space<hbm>> -> memref<25x80xi32, #tpu.memory_space<hbm>>
      %dma_start3A_435 = arith.constant 0 : i32
      %dma_start3A_436 = arith.constant 0 : i32
      %dma_start3A_437 = tpu.memref_slice %arg3[%add3A, %run_scoped3A_262, %dma_start3A_435, %dma_start3A_436] : memref<32x5x25x80xi32, #tpu.memory_space<hbm>> -> memref<1x1x25x80xi32, #tpu.memory_space<hbm>>
      %dma_start3A_438 = tpu.memref_squeeze %dma_start3A_437 : memref<1x1x25x80xi32, #tpu.memory_space<hbm>> -> memref<25x80xi32, #tpu.memory_space<hbm>>
      tpu.enqueue_dma source(%dma_start3A_438 : memref<25x80xi32, #tpu.memory_space<hbm>>) target(%arg7 : memref<25x80xi32, #tpu.memory_space<vmem>>) target_semaphore(%run_scoped3A_430 : memref<!tpu.dma_semaphore, #tpu.memory_space<semaphore_mem>>)
      %dma_wait3A_439 = arith.constant 0 : i32
      %dma_wait3A_440 = arith.constant 0 : i32
      %dma_wait3A_441 = tpu.memref_slice %arg3[%add3A, %run_scoped3A_262, %dma_wait3A_439, %dma_wait3A_440] : memref<32x5x25x80xi32, #tpu.memory_space<hbm>> -> memref<1x1x25x80xi32, #tpu.memory_space<hbm>>
      %dma_wait3A_442 = tpu.memref_squeeze %dma_wait3A_441 : memref<1x1x25x80xi32, #tpu.memory_space<hbm>> -> memref<25x80xi32, #tpu.memory_space<hbm>>
      %dma_wait3A_443 = arith.constant 0 : i32
      %dma_wait3A_444 = arith.constant 0 : i32
      %dma_wait3A_445 = tpu.memref_slice %arg3[%add3A, %run_scoped3A_262, %dma_wait3A_443, %dma_wait3A_444] : memref<32x5x25x80xi32, #tpu.memory_space<hbm>> -> memref<1x1x25x80xi32, #tpu.memory_space<hbm>>
      %dma_wait3A_446 = tpu.memref_squeeze %dma_wait3A_445 : memref<1x1x25x80xi32, #tpu.memory_space<hbm>> -> memref<25x80xi32, #tpu.memory_space<hbm>>
      tpu.wait_dma2 semaphore(%run_scoped3A_430 : memref<!tpu.dma_semaphore, #tpu.memory_space<semaphore_mem>>) src(%dma_wait3A_446 : memref<25x80xi32, #tpu.memory_space<hbm>>) dst(%arg7 : memref<25x80xi32, #tpu.memory_space<vmem>>)
      tpu.yield
    }) : () -> ()
    %dma_start3A_263 = arith.constant 0 : i32
    %dma_start3A_264 = arith.constant 0 : i32
    %dma_start3A_265 = tpu.memref_slice %arg6[%dma_start3A_263, %dma_start3A_264] : memref<25x80xi32, #tpu.memory_space<vmem>> -> memref<1x80xi32, #tpu.memory_space<vmem>>
    %dma_start3A_266 = tpu.memref_squeeze %dma_start3A_265 : memref<1x80xi32, #tpu.memory_space<vmem>> -> memref<80xi32, #tpu.memory_space<vmem>>
    %dma_start3A_267 = arith.constant 0 : i32
    %dma_start3A_268 = arith.constant 0 : i32
    %dma_start3A_269 = tpu.memref_slice %arg4[%dma_start3A_267, %dma_start3A_268] : memref<10000x128xf32, #tpu.memory_space<hbm>> -> memref<10000x128xf32, #tpu.memory_space<hbm>>
    tpu.enqueue_indirect_dma source(%dma_start3A_269 : memref<10000x128xf32, #tpu.memory_space<hbm>>) target(%arg8 : memref<80x128xf32, #tpu.memory_space<vmem>>) offsets(%dma_start3A_266 : memref<80xi32, #tpu.memory_space<vmem>>) semaphore(%arg13 : memref<!tpu.dma_semaphore, #tpu.memory_space<semaphore_mem>>)
    %dma_start3A_270 = arith.constant 1 : i32
    %dma_start3A_271 = arith.constant 0 : i32
    %dma_start3A_272 = tpu.memref_slice %arg6[%dma_start3A_270, %dma_start3A_271] : memref<25x80xi32, #tpu.memory_space<vmem>> -> memref<1x80xi32, #tpu.memory_space<vmem>>
    %dma_start3A_273 = tpu.memref_squeeze %dma_start3A_272 : memref<1x80xi32, #tpu.memory_space<vmem>> -> memref<80xi32, #tpu.memory_space<vmem>>
    %dma_start3A_274 = arith.constant 0 : i32
    %dma_start3A_275 = arith.constant 0 : i32
    %dma_start3A_276 = tpu.memref_slice %arg4[%dma_start3A_274, %dma_start3A_275] : memref<10000x128xf32, #tpu.memory_space<hbm>> -> memref<10000x128xf32, #tpu.memory_space<hbm>>
    tpu.enqueue_indirect_dma source(%dma_start3A_276 : memref<10000x128xf32, #tpu.memory_space<hbm>>) target(%arg9 : memref<80x128xf32, #tpu.memory_space<vmem>>) offsets(%dma_start3A_273 : memref<80xi32, #tpu.memory_space<vmem>>) semaphore(%arg14 : memref<!tpu.dma_semaphore, #tpu.memory_space<semaphore_mem>>)
    %dma_start3A_277 = arith.constant 2 : i32
    %dma_start3A_278 = arith.constant 0 : i32
    %dma_start3A_279 = tpu.memref_slice %arg6[%dma_start3A_277, %dma_start3A_278] : memref<25x80xi32, #tpu.memory_space<vmem>> -> memref<1x80xi32, #tpu.memory_space<vmem>>
    %dma_start3A_280 = tpu.memref_squeeze %dma_start3A_279 : memref<1x80xi32, #tpu.memory_space<vmem>> -> memref<80xi32, #tpu.memory_space<vmem>>
    %dma_start3A_281 = arith.constant 0 : i32
    %dma_start3A_282 = arith.constant 0 : i32
    %dma_start3A_283 = tpu.memref_slice %arg4[%dma_start3A_281, %dma_start3A_282] : memref<10000x128xf32, #tpu.memory_space<hbm>> -> memref<10000x128xf32, #tpu.memory_space<hbm>>
    tpu.enqueue_indirect_dma source(%dma_start3A_283 : memref<10000x128xf32, #tpu.memory_space<hbm>>) target(%arg10 : memref<80x128xf32, #tpu.memory_space<vmem>>) offsets(%dma_start3A_280 : memref<80xi32, #tpu.memory_space<vmem>>) semaphore(%arg15 : memref<!tpu.dma_semaphore, #tpu.memory_space<semaphore_mem>>)
    %dma_start3A_284 = arith.constant 3 : i32
    %dma_start3A_285 = arith.constant 0 : i32
    %dma_start3A_286 = tpu.memref_slice %arg6[%dma_start3A_284, %dma_start3A_285] : memref<25x80xi32, #tpu.memory_space<vmem>> -> memref<1x80xi32, #tpu.memory_space<vmem>>
    %dma_start3A_287 = tpu.memref_squeeze %dma_start3A_286 : memref<1x80xi32, #tpu.memory_space<vmem>> -> memref<80xi32, #tpu.memory_space<vmem>>
    %dma_start3A_288 = arith.constant 0 : i32
    %dma_start3A_289 = arith.constant 0 : i32
    %dma_start3A_290 = tpu.memref_slice %arg4[%dma_start3A_288, %dma_start3A_289] : memref<10000x128xf32, #tpu.memory_space<hbm>> -> memref<10000x128xf32, #tpu.memory_space<hbm>>
    tpu.enqueue_indirect_dma source(%dma_start3A_290 : memref<10000x128xf32, #tpu.memory_space<hbm>>) target(%arg11 : memref<80x128xf32, #tpu.memory_space<vmem>>) offsets(%dma_start3A_287 : memref<80xi32, #tpu.memory_space<vmem>>) semaphore(%arg16 : memref<!tpu.dma_semaphore, #tpu.memory_space<semaphore_mem>>)
    %scan3A_291 = arith.constant 0 : i32
    %scan3A_292 = arith.constant 0 : i32
    %scan3A_293 = arith.constant 7 : i32
    %scan3A_294 = arith.addi %scan3A_292, %scan3A_293 : i32
    %scan3A_295 = arith.constant 1 : i32
    scf.for %scan3A_430 = %scan3A_292 to %scan3A_294 step %scan3A_295  : i32 {
      %mul3A_431 = arith.constant 4 : i32
      %mul3A_432 = arith.muli %scan3A_430, %mul3A_431 : i32
      %add3A_433 = arith.constant 0 : i32
      %add3A_434 = arith.addi %mul3A_432, %add3A_433 : i32
      %lt3A = arith.constant 25 : i32
      %lt3A_435 = arith.cmpi slt, %add3A_434, %lt3A : i32
      %convert_element_type3A = arith.extui %lt3A_435 : i1 to i32
      %cond3A = arith.constant 0 : i32
      %cond3A_436 = arith.cmpi ne, %convert_element_type3A, %cond3A : i32
      scf.if %cond3A_436 {
        %dma_wait3A_494 = arith.constant 0 : i32
        %dma_wait3A_495 = arith.constant 0 : i32
        %dma_wait3A_496 = tpu.memref_slice %arg6[%dma_wait3A_494, %dma_wait3A_495] : memref<25x80xi32, #tpu.memory_space<vmem>> -> memref<1x80xi32, #tpu.memory_space<vmem>>
        %dma_wait3A_497 = tpu.memref_squeeze %dma_wait3A_496 : memref<1x80xi32, #tpu.memory_space<vmem>> -> memref<80xi32, #tpu.memory_space<vmem>>
        %dma_wait3A_498 = arith.constant 0 : i32
        %dma_wait3A_499 = arith.constant 0 : i32
        %dma_wait3A_500 = tpu.memref_slice %arg4[%dma_wait3A_498, %dma_wait3A_499] : memref<10000x128xf32, #tpu.memory_space<hbm>> -> memref<10000x128xf32, #tpu.memory_space<hbm>>
        tpu.wait_indirect_dma semaphore(%arg13 : memref<!tpu.dma_semaphore, #tpu.memory_space<semaphore_mem>>) src(%dma_wait3A_500 : memref<10000x128xf32, #tpu.memory_space<hbm>>) dst(%arg8 : memref<80x128xf32, #tpu.memory_space<vmem>>)
        %add3A_501 = arith.constant 0 : i32
        %add3A_502 = arith.addi %mul3A_432, %add3A_501 : i32
        %dma_start3A_503 = arith.constant 0 : i32
        %dma_start3A_504 = tpu.memref_slice %arg7[%add3A_502, %dma_start3A_503] : memref<25x80xi32, #tpu.memory_space<vmem>> -> memref<1x80xi32, #tpu.memory_space<vmem>>
        %dma_start3A_505 = tpu.memref_squeeze %dma_start3A_504 : memref<1x80xi32, #tpu.memory_space<vmem>> -> memref<80xi32, #tpu.memory_space<vmem>>
        %dma_start3A_506 = arith.constant 0 : i32
        %dma_start3A_507 = arith.constant 0 : i32
        %dma_start3A_508 = tpu.memref_slice %arg12[%dma_start3A_506, %dma_start3A_507] : memref<10000x128xf32, #tpu.memory_space<vmem_shared>> -> memref<10000x128xf32, #tpu.memory_space<vmem_shared>>
        tpu.enqueue_indirect_dma source(%arg8 : memref<80x128xf32, #tpu.memory_space<vmem>>) target(%dma_start3A_508 : memref<10000x128xf32, #tpu.memory_space<vmem_shared>>) offsets(%dma_start3A_505 : memref<80xi32, #tpu.memory_space<vmem>>) semaphore(%arg17 : memref<!tpu.dma_semaphore, #tpu.memory_space<semaphore_mem>>) {add = true}
      } else {
      }
      %add3A_437 = arith.constant 1 : i32
      %add3A_438 = arith.addi %mul3A_432, %add3A_437 : i32
      %lt3A_439 = arith.constant 25 : i32
      %lt3A_440 = arith.cmpi slt, %add3A_438, %lt3A_439 : i32
      %convert_element_type3A_441 = arith.extui %lt3A_440 : i1 to i32
      %cond3A_442 = arith.constant 0 : i32
      %cond3A_443 = arith.cmpi ne, %convert_element_type3A_441, %cond3A_442 : i32
      scf.if %cond3A_443 {
        %dma_wait3A_494 = arith.constant 0 : i32
        %dma_wait3A_495 = arith.constant 0 : i32
        %dma_wait3A_496 = tpu.memref_slice %arg6[%dma_wait3A_494, %dma_wait3A_495] : memref<25x80xi32, #tpu.memory_space<vmem>> -> memref<1x80xi32, #tpu.memory_space<vmem>>
        %dma_wait3A_497 = tpu.memref_squeeze %dma_wait3A_496 : memref<1x80xi32, #tpu.memory_space<vmem>> -> memref<80xi32, #tpu.memory_space<vmem>>
        %dma_wait3A_498 = arith.constant 0 : i32
        %dma_wait3A_499 = arith.constant 0 : i32
        %dma_wait3A_500 = tpu.memref_slice %arg4[%dma_wait3A_498, %dma_wait3A_499] : memref<10000x128xf32, #tpu.memory_space<hbm>> -> memref<10000x128xf32, #tpu.memory_space<hbm>>
        tpu.wait_indirect_dma semaphore(%arg14 : memref<!tpu.dma_semaphore, #tpu.memory_space<semaphore_mem>>) src(%dma_wait3A_500 : memref<10000x128xf32, #tpu.memory_space<hbm>>) dst(%arg9 : memref<80x128xf32, #tpu.memory_space<vmem>>)
        %add3A_501 = arith.constant 1 : i32
        %add3A_502 = arith.addi %mul3A_432, %add3A_501 : i32
        %dma_start3A_503 = arith.constant 0 : i32
        %dma_start3A_504 = tpu.memref_slice %arg7[%add3A_502, %dma_start3A_503] : memref<25x80xi32, #tpu.memory_space<vmem>> -> memref<1x80xi32, #tpu.memory_space<vmem>>
        %dma_start3A_505 = tpu.memref_squeeze %dma_start3A_504 : memref<1x80xi32, #tpu.memory_space<vmem>> -> memref<80xi32, #tpu.memory_space<vmem>>
        %dma_start3A_506 = arith.constant 0 : i32
        %dma_start3A_507 = arith.constant 0 : i32
        %dma_start3A_508 = tpu.memref_slice %arg12[%dma_start3A_506, %dma_start3A_507] : memref<10000x128xf32, #tpu.memory_space<vmem_shared>> -> memref<10000x128xf32, #tpu.memory_space<vmem_shared>>
        tpu.enqueue_indirect_dma source(%arg9 : memref<80x128xf32, #tpu.memory_space<vmem>>) target(%dma_start3A_508 : memref<10000x128xf32, #tpu.memory_space<vmem_shared>>) offsets(%dma_start3A_505 : memref<80xi32, #tpu.memory_space<vmem>>) semaphore(%arg18 : memref<!tpu.dma_semaphore, #tpu.memory_space<semaphore_mem>>) {add = true}
      } else {
      }
      %add3A_444 = arith.constant 2 : i32
      %add3A_445 = arith.addi %mul3A_432, %add3A_444 : i32
      %lt3A_446 = arith.constant 25 : i32
      %lt3A_447 = arith.cmpi slt, %add3A_445, %lt3A_446 : i32
      %convert_element_type3A_448 = arith.extui %lt3A_447 : i1 to i32
      %cond3A_449 = arith.constant 0 : i32
      %cond3A_450 = arith.cmpi ne, %convert_element_type3A_448, %cond3A_449 : i32
      scf.if %cond3A_450 {
        %dma_wait3A_494 = arith.constant 0 : i32
        %dma_wait3A_495 = arith.constant 0 : i32
        %dma_wait3A_496 = tpu.memref_slice %arg6[%dma_wait3A_494, %dma_wait3A_495] : memref<25x80xi32, #tpu.memory_space<vmem>> -> memref<1x80xi32, #tpu.memory_space<vmem>>
        %dma_wait3A_497 = tpu.memref_squeeze %dma_wait3A_496 : memref<1x80xi32, #tpu.memory_space<vmem>> -> memref<80xi32, #tpu.memory_space<vmem>>
        %dma_wait3A_498 = arith.constant 0 : i32
        %dma_wait3A_499 = arith.constant 0 : i32
        %dma_wait3A_500 = tpu.memref_slice %arg4[%dma_wait3A_498, %dma_wait3A_499] : memref<10000x128xf32, #tpu.memory_space<hbm>> -> memref<10000x128xf32, #tpu.memory_space<hbm>>
        tpu.wait_indirect_dma semaphore(%arg15 : memref<!tpu.dma_semaphore, #tpu.memory_space<semaphore_mem>>) src(%dma_wait3A_500 : memref<10000x128xf32, #tpu.memory_space<hbm>>) dst(%arg10 : memref<80x128xf32, #tpu.memory_space<vmem>>)
        %add3A_501 = arith.constant 2 : i32
        %add3A_502 = arith.addi %mul3A_432, %add3A_501 : i32
        %dma_start3A_503 = arith.constant 0 : i32
        %dma_start3A_504 = tpu.memref_slice %arg7[%add3A_502, %dma_start3A_503] : memref<25x80xi32, #tpu.memory_space<vmem>> -> memref<1x80xi32, #tpu.memory_space<vmem>>
        %dma_start3A_505 = tpu.memref_squeeze %dma_start3A_504 : memref<1x80xi32, #tpu.memory_space<vmem>> -> memref<80xi32, #tpu.memory_space<vmem>>
        %dma_start3A_506 = arith.constant 0 : i32
        %dma_start3A_507 = arith.constant 0 : i32
        %dma_start3A_508 = tpu.memref_slice %arg12[%dma_start3A_506, %dma_start3A_507] : memref<10000x128xf32, #tpu.memory_space<vmem_shared>> -> memref<10000x128xf32, #tpu.memory_space<vmem_shared>>
        tpu.enqueue_indirect_dma source(%arg10 : memref<80x128xf32, #tpu.memory_space<vmem>>) target(%dma_start3A_508 : memref<10000x128xf32, #tpu.memory_space<vmem_shared>>) offsets(%dma_start3A_505 : memref<80xi32, #tpu.memory_space<vmem>>) semaphore(%arg19 : memref<!tpu.dma_semaphore, #tpu.memory_space<semaphore_mem>>) {add = true}
      } else {
      }
      %add3A_451 = arith.constant 3 : i32
      %add3A_452 = arith.addi %mul3A_432, %add3A_451 : i32
      %lt3A_453 = arith.constant 25 : i32
      %lt3A_454 = arith.cmpi slt, %add3A_452, %lt3A_453 : i32
      %convert_element_type3A_455 = arith.extui %lt3A_454 : i1 to i32
      %cond3A_456 = arith.constant 0 : i32
      %cond3A_457 = arith.cmpi ne, %convert_element_type3A_455, %cond3A_456 : i32
      scf.if %cond3A_457 {
        %dma_wait3A_494 = arith.constant 0 : i32
        %dma_wait3A_495 = arith.constant 0 : i32
        %dma_wait3A_496 = tpu.memref_slice %arg6[%dma_wait3A_494, %dma_wait3A_495] : memref<25x80xi32, #tpu.memory_space<vmem>> -> memref<1x80xi32, #tpu.memory_space<vmem>>
        %dma_wait3A_497 = tpu.memref_squeeze %dma_wait3A_496 : memref<1x80xi32, #tpu.memory_space<vmem>> -> memref<80xi32, #tpu.memory_space<vmem>>
        %dma_wait3A_498 = arith.constant 0 : i32
        %dma_wait3A_499 = arith.constant 0 : i32
        %dma_wait3A_500 = tpu.memref_slice %arg4[%dma_wait3A_498, %dma_wait3A_499] : memref<10000x128xf32, #tpu.memory_space<hbm>> -> memref<10000x128xf32, #tpu.memory_space<hbm>>
        tpu.wait_indirect_dma semaphore(%arg16 : memref<!tpu.dma_semaphore, #tpu.memory_space<semaphore_mem>>) src(%dma_wait3A_500 : memref<10000x128xf32, #tpu.memory_space<hbm>>) dst(%arg11 : memref<80x128xf32, #tpu.memory_space<vmem>>)
        %add3A_501 = arith.constant 3 : i32
        %add3A_502 = arith.addi %mul3A_432, %add3A_501 : i32
        %dma_start3A_503 = arith.constant 0 : i32
        %dma_start3A_504 = tpu.memref_slice %arg7[%add3A_502, %dma_start3A_503] : memref<25x80xi32, #tpu.memory_space<vmem>> -> memref<1x80xi32, #tpu.memory_space<vmem>>
        %dma_start3A_505 = tpu.memref_squeeze %dma_start3A_504 : memref<1x80xi32, #tpu.memory_space<vmem>> -> memref<80xi32, #tpu.memory_space<vmem>>
        %dma_start3A_506 = arith.constant 0 : i32
        %dma_start3A_507 = arith.constant 0 : i32
        %dma_start3A_508 = tpu.memref_slice %arg12[%dma_start3A_506, %dma_start3A_507] : memref<10000x128xf32, #tpu.memory_space<vmem_shared>> -> memref<10000x128xf32, #tpu.memory_space<vmem_shared>>
        tpu.enqueue_indirect_dma source(%arg11 : memref<80x128xf32, #tpu.memory_space<vmem>>) target(%dma_start3A_508 : memref<10000x128xf32, #tpu.memory_space<vmem_shared>>) offsets(%dma_start3A_505 : memref<80xi32, #tpu.memory_space<vmem>>) semaphore(%arg20 : memref<!tpu.dma_semaphore, #tpu.memory_space<semaphore_mem>>) {add = true}
      } else {
      }
      %add3A_458 = arith.constant 0 : i32
      %add3A_459 = arith.addi %mul3A_432, %add3A_458 : i32
      %add3A_460 = arith.constant 4 : i32
      %add3A_461 = arith.addi %add3A_459, %add3A_460 : i32
      %lt3A_462 = arith.constant 25 : i32
      %lt3A_463 = arith.cmpi slt, %add3A_461, %lt3A_462 : i32
      %convert_element_type3A_464 = arith.extui %lt3A_463 : i1 to i32
      %cond3A_465 = arith.constant 0 : i32
      %cond3A_466 = arith.cmpi ne, %convert_element_type3A_464, %cond3A_465 : i32
      scf.if %cond3A_466 {
        %dma_wait3A_494 = arith.constant 0 : i32
        %dma_wait3A_495 = arith.constant 0 : i32
        %dma_wait3A_496 = tpu.memref_slice %arg7[%dma_wait3A_494, %dma_wait3A_495] : memref<25x80xi32, #tpu.memory_space<vmem>> -> memref<1x80xi32, #tpu.memory_space<vmem>>
        %dma_wait3A_497 = tpu.memref_squeeze %dma_wait3A_496 : memref<1x80xi32, #tpu.memory_space<vmem>> -> memref<80xi32, #tpu.memory_space<vmem>>
        %dma_wait3A_498 = arith.constant 0 : i32
        %dma_wait3A_499 = arith.constant 0 : i32
        %dma_wait3A_500 = tpu.memref_slice %arg12[%dma_wait3A_498, %dma_wait3A_499] : memref<10000x128xf32, #tpu.memory_space<vmem_shared>> -> memref<10000x128xf32, #tpu.memory_space<vmem_shared>>
        tpu.wait_indirect_dma semaphore(%arg17 : memref<!tpu.dma_semaphore, #tpu.memory_space<semaphore_mem>>) src(%arg8 : memref<80x128xf32, #tpu.memory_space<vmem>>) dst(%dma_wait3A_500 : memref<10000x128xf32, #tpu.memory_space<vmem_shared>>)
        %add3A_501 = arith.constant 0 : i32
        %add3A_502 = arith.addi %mul3A_432, %add3A_501 : i32
        %add3A_503 = arith.constant 4 : i32
        %add3A_504 = arith.addi %add3A_502, %add3A_503 : i32
        %dma_start3A_505 = arith.constant 0 : i32
        %dma_start3A_506 = tpu.memref_slice %arg6[%add3A_504, %dma_start3A_505] : memref<25x80xi32, #tpu.memory_space<vmem>> -> memref<1x80xi32, #tpu.memory_space<vmem>>
        %dma_start3A_507 = tpu.memref_squeeze %dma_start3A_506 : memref<1x80xi32, #tpu.memory_space<vmem>> -> memref<80xi32, #tpu.memory_space<vmem>>
        %dma_start3A_508 = arith.constant 0 : i32
        %dma_start3A_509 = arith.constant 0 : i32
        %dma_start3A_510 = tpu.memref_slice %arg4[%dma_start3A_508, %dma_start3A_509] : memref<10000x128xf32, #tpu.memory_space<hbm>> -> memref<10000x128xf32, #tpu.memory_space<hbm>>
        tpu.enqueue_indirect_dma source(%dma_start3A_510 : memref<10000x128xf32, #tpu.memory_space<hbm>>) target(%arg8 : memref<80x128xf32, #tpu.memory_space<vmem>>) offsets(%dma_start3A_507 : memref<80xi32, #tpu.memory_space<vmem>>) semaphore(%arg13 : memref<!tpu.dma_semaphore, #tpu.memory_space<semaphore_mem>>)
      } else {
      }
      %add3A_467 = arith.constant 1 : i32
      %add3A_468 = arith.addi %mul3A_432, %add3A_467 : i32
      %add3A_469 = arith.constant 4 : i32
      %add3A_470 = arith.addi %add3A_468, %add3A_469 : i32
      %lt3A_471 = arith.constant 25 : i32
      %lt3A_472 = arith.cmpi slt, %add3A_470, %lt3A_471 : i32
      %convert_element_type3A_473 = arith.extui %lt3A_472 : i1 to i32
      %cond3A_474 = arith.constant 0 : i32
      %cond3A_475 = arith.cmpi ne, %convert_element_type3A_473, %cond3A_474 : i32
      scf.if %cond3A_475 {
        %dma_wait3A_494 = arith.constant 0 : i32
        %dma_wait3A_495 = arith.constant 0 : i32
        %dma_wait3A_496 = tpu.memref_slice %arg7[%dma_wait3A_494, %dma_wait3A_495] : memref<25x80xi32, #tpu.memory_space<vmem>> -> memref<1x80xi32, #tpu.memory_space<vmem>>
        %dma_wait3A_497 = tpu.memref_squeeze %dma_wait3A_496 : memref<1x80xi32, #tpu.memory_space<vmem>> -> memref<80xi32, #tpu.memory_space<vmem>>
        %dma_wait3A_498 = arith.constant 0 : i32
        %dma_wait3A_499 = arith.constant 0 : i32
        %dma_wait3A_500 = tpu.memref_slice %arg12[%dma_wait3A_498, %dma_wait3A_499] : memref<10000x128xf32, #tpu.memory_space<vmem_shared>> -> memref<10000x128xf32, #tpu.memory_space<vmem_shared>>
        tpu.wait_indirect_dma semaphore(%arg18 : memref<!tpu.dma_semaphore, #tpu.memory_space<semaphore_mem>>) src(%arg9 : memref<80x128xf32, #tpu.memory_space<vmem>>) dst(%dma_wait3A_500 : memref<10000x128xf32, #tpu.memory_space<vmem_shared>>)
        %add3A_501 = arith.constant 1 : i32
        %add3A_502 = arith.addi %mul3A_432, %add3A_501 : i32
        %add3A_503 = arith.constant 4 : i32
        %add3A_504 = arith.addi %add3A_502, %add3A_503 : i32
        %dma_start3A_505 = arith.constant 0 : i32
        %dma_start3A_506 = tpu.memref_slice %arg6[%add3A_504, %dma_start3A_505] : memref<25x80xi32, #tpu.memory_space<vmem>> -> memref<1x80xi32, #tpu.memory_space<vmem>>
        %dma_start3A_507 = tpu.memref_squeeze %dma_start3A_506 : memref<1x80xi32, #tpu.memory_space<vmem>> -> memref<80xi32, #tpu.memory_space<vmem>>
        %dma_start3A_508 = arith.constant 0 : i32
        %dma_start3A_509 = arith.constant 0 : i32
        %dma_start3A_510 = tpu.memref_slice %arg4[%dma_start3A_508, %dma_start3A_509] : memref<10000x128xf32, #tpu.memory_space<hbm>> -> memref<10000x128xf32, #tpu.memory_space<hbm>>
        tpu.enqueue_indirect_dma source(%dma_start3A_510 : memref<10000x128xf32, #tpu.memory_space<hbm>>) target(%arg9 : memref<80x128xf32, #tpu.memory_space<vmem>>) offsets(%dma_start3A_507 : memref<80xi32, #tpu.memory_space<vmem>>) semaphore(%arg14 : memref<!tpu.dma_semaphore, #tpu.memory_space<semaphore_mem>>)
      } else {
      }
      %add3A_476 = arith.constant 2 : i32
      %add3A_477 = arith.addi %mul3A_432, %add3A_476 : i32
      %add3A_478 = arith.constant 4 : i32
      %add3A_479 = arith.addi %add3A_477, %add3A_478 : i32
      %lt3A_480 = arith.constant 25 : i32
      %lt3A_481 = arith.cmpi slt, %add3A_479, %lt3A_480 : i32
      %convert_element_type3A_482 = arith.extui %lt3A_481 : i1 to i32
      %cond3A_483 = arith.constant 0 : i32
      %cond3A_484 = arith.cmpi ne, %convert_element_type3A_482, %cond3A_483 : i32
      scf.if %cond3A_484 {
        %dma_wait3A_494 = arith.constant 0 : i32
        %dma_wait3A_495 = arith.constant 0 : i32
        %dma_wait3A_496 = tpu.memref_slice %arg7[%dma_wait3A_494, %dma_wait3A_495] : memref<25x80xi32, #tpu.memory_space<vmem>> -> memref<1x80xi32, #tpu.memory_space<vmem>>
        %dma_wait3A_497 = tpu.memref_squeeze %dma_wait3A_496 : memref<1x80xi32, #tpu.memory_space<vmem>> -> memref<80xi32, #tpu.memory_space<vmem>>
        %dma_wait3A_498 = arith.constant 0 : i32
        %dma_wait3A_499 = arith.constant 0 : i32
        %dma_wait3A_500 = tpu.memref_slice %arg12[%dma_wait3A_498, %dma_wait3A_499] : memref<10000x128xf32, #tpu.memory_space<vmem_shared>> -> memref<10000x128xf32, #tpu.memory_space<vmem_shared>>
        tpu.wait_indirect_dma semaphore(%arg19 : memref<!tpu.dma_semaphore, #tpu.memory_space<semaphore_mem>>) src(%arg10 : memref<80x128xf32, #tpu.memory_space<vmem>>) dst(%dma_wait3A_500 : memref<10000x128xf32, #tpu.memory_space<vmem_shared>>)
        %add3A_501 = arith.constant 2 : i32
        %add3A_502 = arith.addi %mul3A_432, %add3A_501 : i32
        %add3A_503 = arith.constant 4 : i32
        %add3A_504 = arith.addi %add3A_502, %add3A_503 : i32
        %dma_start3A_505 = arith.constant 0 : i32
        %dma_start3A_506 = tpu.memref_slice %arg6[%add3A_504, %dma_start3A_505] : memref<25x80xi32, #tpu.memory_space<vmem>> -> memref<1x80xi32, #tpu.memory_space<vmem>>
        %dma_start3A_507 = tpu.memref_squeeze %dma_start3A_506 : memref<1x80xi32, #tpu.memory_space<vmem>> -> memref<80xi32, #tpu.memory_space<vmem>>
        %dma_start3A_508 = arith.constant 0 : i32
        %dma_start3A_509 = arith.constant 0 : i32
        %dma_start3A_510 = tpu.memref_slice %arg4[%dma_start3A_508, %dma_start3A_509] : memref<10000x128xf32, #tpu.memory_space<hbm>> -> memref<10000x128xf32, #tpu.memory_space<hbm>>
        tpu.enqueue_indirect_dma source(%dma_start3A_510 : memref<10000x128xf32, #tpu.memory_space<hbm>>) target(%arg10 : memref<80x128xf32, #tpu.memory_space<vmem>>) offsets(%dma_start3A_507 : memref<80xi32, #tpu.memory_space<vmem>>) semaphore(%arg15 : memref<!tpu.dma_semaphore, #tpu.memory_space<semaphore_mem>>)
      } else {
      }
      %add3A_485 = arith.constant 3 : i32
      %add3A_486 = arith.addi %mul3A_432, %add3A_485 : i32
      %add3A_487 = arith.constant 4 : i32
      %add3A_488 = arith.addi %add3A_486, %add3A_487 : i32
      %lt3A_489 = arith.constant 25 : i32
      %lt3A_490 = arith.cmpi slt, %add3A_488, %lt3A_489 : i32
      %convert_element_type3A_491 = arith.extui %lt3A_490 : i1 to i32
      %cond3A_492 = arith.constant 0 : i32
      %cond3A_493 = arith.cmpi ne, %convert_element_type3A_491, %cond3A_492 : i32
      scf.if %cond3A_493 {
        %dma_wait3A_494 = arith.constant 0 : i32
        %dma_wait3A_495 = arith.constant 0 : i32
        %dma_wait3A_496 = tpu.memref_slice %arg7[%dma_wait3A_494, %dma_wait3A_495] : memref<25x80xi32, #tpu.memory_space<vmem>> -> memref<1x80xi32, #tpu.memory_space<vmem>>
        %dma_wait3A_497 = tpu.memref_squeeze %dma_wait3A_496 : memref<1x80xi32, #tpu.memory_space<vmem>> -> memref<80xi32, #tpu.memory_space<vmem>>
        %dma_wait3A_498 = arith.constant 0 : i32
        %dma_wait3A_499 = arith.constant 0 : i32
        %dma_wait3A_500 = tpu.memref_slice %arg12[%dma_wait3A_498, %dma_wait3A_499] : memref<10000x128xf32, #tpu.memory_space<vmem_shared>> -> memref<10000x128xf32, #tpu.memory_space<vmem_shared>>
        tpu.wait_indirect_dma semaphore(%arg20 : memref<!tpu.dma_semaphore, #tpu.memory_space<semaphore_mem>>) src(%arg11 : memref<80x128xf32, #tpu.memory_space<vmem>>) dst(%dma_wait3A_500 : memref<10000x128xf32, #tpu.memory_space<vmem_shared>>)
        %add3A_501 = arith.constant 3 : i32
        %add3A_502 = arith.addi %mul3A_432, %add3A_501 : i32
        %add3A_503 = arith.constant 4 : i32
        %add3A_504 = arith.addi %add3A_502, %add3A_503 : i32
        %dma_start3A_505 = arith.constant 0 : i32
        %dma_start3A_506 = tpu.memref_slice %arg6[%add3A_504, %dma_start3A_505] : memref<25x80xi32, #tpu.memory_space<vmem>> -> memref<1x80xi32, #tpu.memory_space<vmem>>
        %dma_start3A_507 = tpu.memref_squeeze %dma_start3A_506 : memref<1x80xi32, #tpu.memory_space<vmem>> -> memref<80xi32, #tpu.memory_space<vmem>>
        %dma_start3A_508 = arith.constant 0 : i32
        %dma_start3A_509 = arith.constant 0 : i32
        %dma_start3A_510 = tpu.memref_slice %arg4[%dma_start3A_508, %dma_start3A_509] : memref<10000x128xf32, #tpu.memory_space<hbm>> -> memref<10000x128xf32, #tpu.memory_space<hbm>>
        tpu.enqueue_indirect_dma source(%dma_start3A_510 : memref<10000x128xf32, #tpu.memory_space<hbm>>) target(%arg11 : memref<80x128xf32, #tpu.memory_space<vmem>>) offsets(%dma_start3A_507 : memref<80xi32, #tpu.memory_space<vmem>>) semaphore(%arg16 : memref<!tpu.dma_semaphore, #tpu.memory_space<semaphore_mem>>)
      } else {
      }
    }
    %scan3A_296 = arith.constant 7 : i32
    %dma_wait3A_297 = arith.constant 0 : i32
    %dma_wait3A_298 = arith.constant 0 : i32
    %dma_wait3A_299 = tpu.memref_slice %arg7[%dma_wait3A_297, %dma_wait3A_298] : memref<25x80xi32, #tpu.memory_space<vmem>> -> memref<1x80xi32, #tpu.memory_space<vmem>>
    %dma_wait3A_300 = tpu.memref_squeeze %dma_wait3A_299 : memref<1x80xi32, #tpu.memory_space<vmem>> -> memref<80xi32, #tpu.memory_space<vmem>>
    %dma_wait3A_301 = arith.constant 0 : i32
    %dma_wait3A_302 = arith.constant 0 : i32
    %dma_wait3A_303 = tpu.memref_slice %arg12[%dma_wait3A_301, %dma_wait3A_302] : memref<10000x128xf32, #tpu.memory_space<vmem_shared>> -> memref<10000x128xf32, #tpu.memory_space<vmem_shared>>
    tpu.wait_indirect_dma semaphore(%arg17 : memref<!tpu.dma_semaphore, #tpu.memory_space<semaphore_mem>>) src(%arg8 : memref<80x128xf32, #tpu.memory_space<vmem>>) dst(%dma_wait3A_303 : memref<10000x128xf32, #tpu.memory_space<vmem_shared>>)
    %dma_wait3A_304 = arith.constant 0 : i32
    %dma_wait3A_305 = arith.constant 0 : i32
    %dma_wait3A_306 = tpu.memref_slice %arg7[%dma_wait3A_304, %dma_wait3A_305] : memref<25x80xi32, #tpu.memory_space<vmem>> -> memref<1x80xi32, #tpu.memory_space<vmem>>
    %dma_wait3A_307 = tpu.memref_squeeze %dma_wait3A_306 : memref<1x80xi32, #tpu.memory_space<vmem>> -> memref<80xi32, #tpu.memory_space<vmem>>
    %dma_wait3A_308 = arith.constant 0 : i32
    %dma_wait3A_309 = arith.constant 0 : i32
    %dma_wait3A_310 = tpu.memref_slice %arg12[%dma_wait3A_308, %dma_wait3A_309] : memref<10000x128xf32, #tpu.memory_space<vmem_shared>> -> memref<10000x128xf32, #tpu.memory_space<vmem_shared>>
    tpu.wait_indirect_dma semaphore(%arg18 : memref<!tpu.dma_semaphore, #tpu.memory_space<semaphore_mem>>) src(%arg9 : memref<80x128xf32, #tpu.memory_space<vmem>>) dst(%dma_wait3A_310 : memref<10000x128xf32, #tpu.memory_space<vmem_shared>>)
    %dma_wait3A_311 = arith.constant 0 : i32
    %dma_wait3A_312 = arith.constant 0 : i32
    %dma_wait3A_313 = tpu.memref_slice %arg7[%dma_wait3A_311, %dma_wait3A_312] : memref<25x80xi32, #tpu.memory_space<vmem>> -> memref<1x80xi32, #tpu.memory_space<vmem>>
    %dma_wait3A_314 = tpu.memref_squeeze %dma_wait3A_313 : memref<1x80xi32, #tpu.memory_space<vmem>> -> memref<80xi32, #tpu.memory_space<vmem>>
    %dma_wait3A_315 = arith.constant 0 : i32
    %dma_wait3A_316 = arith.constant 0 : i32
    %dma_wait3A_317 = tpu.memref_slice %arg12[%dma_wait3A_315, %dma_wait3A_316] : memref<10000x128xf32, #tpu.memory_space<vmem_shared>> -> memref<10000x128xf32, #tpu.memory_space<vmem_shared>>
    tpu.wait_indirect_dma semaphore(%arg19 : memref<!tpu.dma_semaphore, #tpu.memory_space<semaphore_mem>>) src(%arg10 : memref<80x128xf32, #tpu.memory_space<vmem>>) dst(%dma_wait3A_317 : memref<10000x128xf32, #tpu.memory_space<vmem_shared>>)
    %dma_wait3A_318 = arith.constant 0 : i32
    %dma_wait3A_319 = arith.constant 0 : i32
    %dma_wait3A_320 = tpu.memref_slice %arg7[%dma_wait3A_318, %dma_wait3A_319] : memref<25x80xi32, #tpu.memory_space<vmem>> -> memref<1x80xi32, #tpu.memory_space<vmem>>
    %dma_wait3A_321 = tpu.memref_squeeze %dma_wait3A_320 : memref<1x80xi32, #tpu.memory_space<vmem>> -> memref<80xi32, #tpu.memory_space<vmem>>
    %dma_wait3A_322 = arith.constant 0 : i32
    %dma_wait3A_323 = arith.constant 0 : i32
    %dma_wait3A_324 = tpu.memref_slice %arg12[%dma_wait3A_322, %dma_wait3A_323] : memref<10000x128xf32, #tpu.memory_space<vmem_shared>> -> memref<10000x128xf32, #tpu.memory_space<vmem_shared>>
    tpu.wait_indirect_dma semaphore(%arg20 : memref<!tpu.dma_semaphore, #tpu.memory_space<semaphore_mem>>) src(%arg11 : memref<80x128xf32, #tpu.memory_space<vmem>>) dst(%dma_wait3A_324 : memref<10000x128xf32, #tpu.memory_space<vmem_shared>>)
    %run_scoped3A_325 = arith.constant 4 : i32
    "tpu.region"() ({
      %run_scoped3A_430 = tpu.sem_alloc : memref<!tpu.dma_semaphore, #tpu.memory_space<semaphore_mem>>
      %dma_start3A_431 = arith.constant 0 : i32
      %dma_start3A_432 = arith.constant 0 : i32
      %dma_start3A_433 = tpu.memref_slice %arg2[%add3A, %run_scoped3A_325, %dma_start3A_431, %dma_start3A_432] : memref<32x5x25x80xi32, #tpu.memory_space<hbm>> -> memref<1x1x25x80xi32, #tpu.memory_space<hbm>>
      %dma_start3A_434 = tpu.memref_squeeze %dma_start3A_433 : memref<1x1x25x80xi32, #tpu.memory_space<hbm>> -> memref<25x80xi32, #tpu.memory_space<hbm>>
      %dma_start3A_435 = arith.constant 0 : i32
      %dma_start3A_436 = arith.constant 0 : i32
      %dma_start3A_437 = tpu.memref_slice %arg2[%add3A, %run_scoped3A_325, %dma_start3A_435, %dma_start3A_436] : memref<32x5x25x80xi32, #tpu.memory_space<hbm>> -> memref<1x1x25x80xi32, #tpu.memory_space<hbm>>
      %dma_start3A_438 = tpu.memref_squeeze %dma_start3A_437 : memref<1x1x25x80xi32, #tpu.memory_space<hbm>> -> memref<25x80xi32, #tpu.memory_space<hbm>>
      tpu.enqueue_dma source(%dma_start3A_438 : memref<25x80xi32, #tpu.memory_space<hbm>>) target(%arg6 : memref<25x80xi32, #tpu.memory_space<vmem>>) target_semaphore(%run_scoped3A_430 : memref<!tpu.dma_semaphore, #tpu.memory_space<semaphore_mem>>)
      %dma_wait3A_439 = arith.constant 0 : i32
      %dma_wait3A_440 = arith.constant 0 : i32
      %dma_wait3A_441 = tpu.memref_slice %arg2[%add3A, %run_scoped3A_325, %dma_wait3A_439, %dma_wait3A_440] : memref<32x5x25x80xi32, #tpu.memory_space<hbm>> -> memref<1x1x25x80xi32, #tpu.memory_space<hbm>>
      %dma_wait3A_442 = tpu.memref_squeeze %dma_wait3A_441 : memref<1x1x25x80xi32, #tpu.memory_space<hbm>> -> memref<25x80xi32, #tpu.memory_space<hbm>>
      %dma_wait3A_443 = arith.constant 0 : i32
      %dma_wait3A_444 = arith.constant 0 : i32
      %dma_wait3A_445 = tpu.memref_slice %arg2[%add3A, %run_scoped3A_325, %dma_wait3A_443, %dma_wait3A_444] : memref<32x5x25x80xi32, #tpu.memory_space<hbm>> -> memref<1x1x25x80xi32, #tpu.memory_space<hbm>>
      %dma_wait3A_446 = tpu.memref_squeeze %dma_wait3A_445 : memref<1x1x25x80xi32, #tpu.memory_space<hbm>> -> memref<25x80xi32, #tpu.memory_space<hbm>>
      tpu.wait_dma2 semaphore(%run_scoped3A_430 : memref<!tpu.dma_semaphore, #tpu.memory_space<semaphore_mem>>) src(%dma_wait3A_446 : memref<25x80xi32, #tpu.memory_space<hbm>>) dst(%arg6 : memref<25x80xi32, #tpu.memory_space<vmem>>)
      tpu.yield
    }) : () -> ()
    %run_scoped3A_326 = arith.constant 4 : i32
    "tpu.region"() ({
      %run_scoped3A_430 = tpu.sem_alloc : memref<!tpu.dma_semaphore, #tpu.memory_space<semaphore_mem>>
      %dma_start3A_431 = arith.constant 0 : i32
      %dma_start3A_432 = arith.constant 0 : i32
      %dma_start3A_433 = tpu.memref_slice %arg3[%add3A, %run_scoped3A_326, %dma_start3A_431, %dma_start3A_432] : memref<32x5x25x80xi32, #tpu.memory_space<hbm>> -> memref<1x1x25x80xi32, #tpu.memory_space<hbm>>
      %dma_start3A_434 = tpu.memref_squeeze %dma_start3A_433 : memref<1x1x25x80xi32, #tpu.memory_space<hbm>> -> memref<25x80xi32, #tpu.memory_space<hbm>>
      %dma_start3A_435 = arith.constant 0 : i32
      %dma_start3A_436 = arith.constant 0 : i32
      %dma_start3A_437 = tpu.memref_slice %arg3[%add3A, %run_scoped3A_326, %dma_start3A_435, %dma_start3A_436] : memref<32x5x25x80xi32, #tpu.memory_space<hbm>> -> memref<1x1x25x80xi32, #tpu.memory_space<hbm>>
      %dma_start3A_438 = tpu.memref_squeeze %dma_start3A_437 : memref<1x1x25x80xi32, #tpu.memory_space<hbm>> -> memref<25x80xi32, #tpu.memory_space<hbm>>
      tpu.enqueue_dma source(%dma_start3A_438 : memref<25x80xi32, #tpu.memory_space<hbm>>) target(%arg7 : memref<25x80xi32, #tpu.memory_space<vmem>>) target_semaphore(%run_scoped3A_430 : memref<!tpu.dma_semaphore, #tpu.memory_space<semaphore_mem>>)
      %dma_wait3A_439 = arith.constant 0 : i32
      %dma_wait3A_440 = arith.constant 0 : i32
      %dma_wait3A_441 = tpu.memref_slice %arg3[%add3A, %run_scoped3A_326, %dma_wait3A_439, %dma_wait3A_440] : memref<32x5x25x80xi32, #tpu.memory_space<hbm>> -> memref<1x1x25x80xi32, #tpu.memory_space<hbm>>
      %dma_wait3A_442 = tpu.memref_squeeze %dma_wait3A_441 : memref<1x1x25x80xi32, #tpu.memory_space<hbm>> -> memref<25x80xi32, #tpu.memory_space<hbm>>
      %dma_wait3A_443 = arith.constant 0 : i32
      %dma_wait3A_444 = arith.constant 0 : i32
      %dma_wait3A_445 = tpu.memref_slice %arg3[%add3A, %run_scoped3A_326, %dma_wait3A_443, %dma_wait3A_444] : memref<32x5x25x80xi32, #tpu.memory_space<hbm>> -> memref<1x1x25x80xi32, #tpu.memory_space<hbm>>
      %dma_wait3A_446 = tpu.memref_squeeze %dma_wait3A_445 : memref<1x1x25x80xi32, #tpu.memory_space<hbm>> -> memref<25x80xi32, #tpu.memory_space<hbm>>
      tpu.wait_dma2 semaphore(%run_scoped3A_430 : memref<!tpu.dma_semaphore, #tpu.memory_space<semaphore_mem>>) src(%dma_wait3A_446 : memref<25x80xi32, #tpu.memory_space<hbm>>) dst(%arg7 : memref<25x80xi32, #tpu.memory_space<vmem>>)
      tpu.yield
    }) : () -> ()
    %dma_start3A_327 = arith.constant 0 : i32
    %dma_start3A_328 = arith.constant 0 : i32
    %dma_start3A_329 = tpu.memref_slice %arg6[%dma_start3A_327, %dma_start3A_328] : memref<25x80xi32, #tpu.memory_space<vmem>> -> memref<1x80xi32, #tpu.memory_space<vmem>>
    %dma_start3A_330 = tpu.memref_squeeze %dma_start3A_329 : memref<1x80xi32, #tpu.memory_space<vmem>> -> memref<80xi32, #tpu.memory_space<vmem>>
    %dma_start3A_331 = arith.constant 0 : i32
    %dma_start3A_332 = arith.constant 0 : i32
    %dma_start3A_333 = tpu.memref_slice %arg4[%dma_start3A_331, %dma_start3A_332] : memref<10000x128xf32, #tpu.memory_space<hbm>> -> memref<10000x128xf32, #tpu.memory_space<hbm>>
    tpu.enqueue_indirect_dma source(%dma_start3A_333 : memref<10000x128xf32, #tpu.memory_space<hbm>>) target(%arg8 : memref<80x128xf32, #tpu.memory_space<vmem>>) offsets(%dma_start3A_330 : memref<80xi32, #tpu.memory_space<vmem>>) semaphore(%arg13 : memref<!tpu.dma_semaphore, #tpu.memory_space<semaphore_mem>>)
    %dma_start3A_334 = arith.constant 1 : i32
    %dma_start3A_335 = arith.constant 0 : i32
    %dma_start3A_336 = tpu.memref_slice %arg6[%dma_start3A_334, %dma_start3A_335] : memref<25x80xi32, #tpu.memory_space<vmem>> -> memref<1x80xi32, #tpu.memory_space<vmem>>
    %dma_start3A_337 = tpu.memref_squeeze %dma_start3A_336 : memref<1x80xi32, #tpu.memory_space<vmem>> -> memref<80xi32, #tpu.memory_space<vmem>>
    %dma_start3A_338 = arith.constant 0 : i32
    %dma_start3A_339 = arith.constant 0 : i32
    %dma_start3A_340 = tpu.memref_slice %arg4[%dma_start3A_338, %dma_start3A_339] : memref<10000x128xf32, #tpu.memory_space<hbm>> -> memref<10000x128xf32, #tpu.memory_space<hbm>>
    tpu.enqueue_indirect_dma source(%dma_start3A_340 : memref<10000x128xf32, #tpu.memory_space<hbm>>) target(%arg9 : memref<80x128xf32, #tpu.memory_space<vmem>>) offsets(%dma_start3A_337 : memref<80xi32, #tpu.memory_space<vmem>>) semaphore(%arg14 : memref<!tpu.dma_semaphore, #tpu.memory_space<semaphore_mem>>)
    %dma_start3A_341 = arith.constant 2 : i32
    %dma_start3A_342 = arith.constant 0 : i32
    %dma_start3A_343 = tpu.memref_slice %arg6[%dma_start3A_341, %dma_start3A_342] : memref<25x80xi32, #tpu.memory_space<vmem>> -> memref<1x80xi32, #tpu.memory_space<vmem>>
    %dma_start3A_344 = tpu.memref_squeeze %dma_start3A_343 : memref<1x80xi32, #tpu.memory_space<vmem>> -> memref<80xi32, #tpu.memory_space<vmem>>
    %dma_start3A_345 = arith.constant 0 : i32
    %dma_start3A_346 = arith.constant 0 : i32
    %dma_start3A_347 = tpu.memref_slice %arg4[%dma_start3A_345, %dma_start3A_346] : memref<10000x128xf32, #tpu.memory_space<hbm>> -> memref<10000x128xf32, #tpu.memory_space<hbm>>
    tpu.enqueue_indirect_dma source(%dma_start3A_347 : memref<10000x128xf32, #tpu.memory_space<hbm>>) target(%arg10 : memref<80x128xf32, #tpu.memory_space<vmem>>) offsets(%dma_start3A_344 : memref<80xi32, #tpu.memory_space<vmem>>) semaphore(%arg15 : memref<!tpu.dma_semaphore, #tpu.memory_space<semaphore_mem>>)
    %dma_start3A_348 = arith.constant 3 : i32
    %dma_start3A_349 = arith.constant 0 : i32
    %dma_start3A_350 = tpu.memref_slice %arg6[%dma_start3A_348, %dma_start3A_349] : memref<25x80xi32, #tpu.memory_space<vmem>> -> memref<1x80xi32, #tpu.memory_space<vmem>>
    %dma_start3A_351 = tpu.memref_squeeze %dma_start3A_350 : memref<1x80xi32, #tpu.memory_space<vmem>> -> memref<80xi32, #tpu.memory_space<vmem>>
    %dma_start3A_352 = arith.constant 0 : i32
    %dma_start3A_353 = arith.constant 0 : i32
    %dma_start3A_354 = tpu.memref_slice %arg4[%dma_start3A_352, %dma_start3A_353] : memref<10000x128xf32, #tpu.memory_space<hbm>> -> memref<10000x128xf32, #tpu.memory_space<hbm>>
    tpu.enqueue_indirect_dma source(%dma_start3A_354 : memref<10000x128xf32, #tpu.memory_space<hbm>>) target(%arg11 : memref<80x128xf32, #tpu.memory_space<vmem>>) offsets(%dma_start3A_351 : memref<80xi32, #tpu.memory_space<vmem>>) semaphore(%arg16 : memref<!tpu.dma_semaphore, #tpu.memory_space<semaphore_mem>>)
    %scan3A_355 = arith.constant 0 : i32
    %scan3A_356 = arith.constant 0 : i32
    %scan3A_357 = arith.constant 7 : i32
    %scan3A_358 = arith.addi %scan3A_356, %scan3A_357 : i32
    %scan3A_359 = arith.constant 1 : i32
    scf.for %scan3A_430 = %scan3A_356 to %scan3A_358 step %scan3A_359  : i32 {
      %mul3A_431 = arith.constant 4 : i32
      %mul3A_432 = arith.muli %scan3A_430, %mul3A_431 : i32
      %add3A_433 = arith.constant 0 : i32
      %add3A_434 = arith.addi %mul3A_432, %add3A_433 : i32
      %lt3A = arith.constant 25 : i32
      %lt3A_435 = arith.cmpi slt, %add3A_434, %lt3A : i32
      %convert_element_type3A = arith.extui %lt3A_435 : i1 to i32
      %cond3A = arith.constant 0 : i32
      %cond3A_436 = arith.cmpi ne, %convert_element_type3A, %cond3A : i32
      scf.if %cond3A_436 {
        %dma_wait3A_494 = arith.constant 0 : i32
        %dma_wait3A_495 = arith.constant 0 : i32
        %dma_wait3A_496 = tpu.memref_slice %arg6[%dma_wait3A_494, %dma_wait3A_495] : memref<25x80xi32, #tpu.memory_space<vmem>> -> memref<1x80xi32, #tpu.memory_space<vmem>>
        %dma_wait3A_497 = tpu.memref_squeeze %dma_wait3A_496 : memref<1x80xi32, #tpu.memory_space<vmem>> -> memref<80xi32, #tpu.memory_space<vmem>>
        %dma_wait3A_498 = arith.constant 0 : i32
        %dma_wait3A_499 = arith.constant 0 : i32
        %dma_wait3A_500 = tpu.memref_slice %arg4[%dma_wait3A_498, %dma_wait3A_499] : memref<10000x128xf32, #tpu.memory_space<hbm>> -> memref<10000x128xf32, #tpu.memory_space<hbm>>
        tpu.wait_indirect_dma semaphore(%arg13 : memref<!tpu.dma_semaphore, #tpu.memory_space<semaphore_mem>>) src(%dma_wait3A_500 : memref<10000x128xf32, #tpu.memory_space<hbm>>) dst(%arg8 : memref<80x128xf32, #tpu.memory_space<vmem>>)
        %add3A_501 = arith.constant 0 : i32
        %add3A_502 = arith.addi %mul3A_432, %add3A_501 : i32
        %dma_start3A_503 = arith.constant 0 : i32
        %dma_start3A_504 = tpu.memref_slice %arg7[%add3A_502, %dma_start3A_503] : memref<25x80xi32, #tpu.memory_space<vmem>> -> memref<1x80xi32, #tpu.memory_space<vmem>>
        %dma_start3A_505 = tpu.memref_squeeze %dma_start3A_504 : memref<1x80xi32, #tpu.memory_space<vmem>> -> memref<80xi32, #tpu.memory_space<vmem>>
        %dma_start3A_506 = arith.constant 0 : i32
        %dma_start3A_507 = arith.constant 0 : i32
        %dma_start3A_508 = tpu.memref_slice %arg12[%dma_start3A_506, %dma_start3A_507] : memref<10000x128xf32, #tpu.memory_space<vmem_shared>> -> memref<10000x128xf32, #tpu.memory_space<vmem_shared>>
        tpu.enqueue_indirect_dma source(%arg8 : memref<80x128xf32, #tpu.memory_space<vmem>>) target(%dma_start3A_508 : memref<10000x128xf32, #tpu.memory_space<vmem_shared>>) offsets(%dma_start3A_505 : memref<80xi32, #tpu.memory_space<vmem>>) semaphore(%arg17 : memref<!tpu.dma_semaphore, #tpu.memory_space<semaphore_mem>>) {add = true}
      } else {
      }
      %add3A_437 = arith.constant 1 : i32
      %add3A_438 = arith.addi %mul3A_432, %add3A_437 : i32
      %lt3A_439 = arith.constant 25 : i32
      %lt3A_440 = arith.cmpi slt, %add3A_438, %lt3A_439 : i32
      %convert_element_type3A_441 = arith.extui %lt3A_440 : i1 to i32
      %cond3A_442 = arith.constant 0 : i32
      %cond3A_443 = arith.cmpi ne, %convert_element_type3A_441, %cond3A_442 : i32
      scf.if %cond3A_443 {
        %dma_wait3A_494 = arith.constant 0 : i32
        %dma_wait3A_495 = arith.constant 0 : i32
        %dma_wait3A_496 = tpu.memref_slice %arg6[%dma_wait3A_494, %dma_wait3A_495] : memref<25x80xi32, #tpu.memory_space<vmem>> -> memref<1x80xi32, #tpu.memory_space<vmem>>
        %dma_wait3A_497 = tpu.memref_squeeze %dma_wait3A_496 : memref<1x80xi32, #tpu.memory_space<vmem>> -> memref<80xi32, #tpu.memory_space<vmem>>
        %dma_wait3A_498 = arith.constant 0 : i32
        %dma_wait3A_499 = arith.constant 0 : i32
        %dma_wait3A_500 = tpu.memref_slice %arg4[%dma_wait3A_498, %dma_wait3A_499] : memref<10000x128xf32, #tpu.memory_space<hbm>> -> memref<10000x128xf32, #tpu.memory_space<hbm>>
        tpu.wait_indirect_dma semaphore(%arg14 : memref<!tpu.dma_semaphore, #tpu.memory_space<semaphore_mem>>) src(%dma_wait3A_500 : memref<10000x128xf32, #tpu.memory_space<hbm>>) dst(%arg9 : memref<80x128xf32, #tpu.memory_space<vmem>>)
        %add3A_501 = arith.constant 1 : i32
        %add3A_502 = arith.addi %mul3A_432, %add3A_501 : i32
        %dma_start3A_503 = arith.constant 0 : i32
        %dma_start3A_504 = tpu.memref_slice %arg7[%add3A_502, %dma_start3A_503] : memref<25x80xi32, #tpu.memory_space<vmem>> -> memref<1x80xi32, #tpu.memory_space<vmem>>
        %dma_start3A_505 = tpu.memref_squeeze %dma_start3A_504 : memref<1x80xi32, #tpu.memory_space<vmem>> -> memref<80xi32, #tpu.memory_space<vmem>>
        %dma_start3A_506 = arith.constant 0 : i32
        %dma_start3A_507 = arith.constant 0 : i32
        %dma_start3A_508 = tpu.memref_slice %arg12[%dma_start3A_506, %dma_start3A_507] : memref<10000x128xf32, #tpu.memory_space<vmem_shared>> -> memref<10000x128xf32, #tpu.memory_space<vmem_shared>>
        tpu.enqueue_indirect_dma source(%arg9 : memref<80x128xf32, #tpu.memory_space<vmem>>) target(%dma_start3A_508 : memref<10000x128xf32, #tpu.memory_space<vmem_shared>>) offsets(%dma_start3A_505 : memref<80xi32, #tpu.memory_space<vmem>>) semaphore(%arg18 : memref<!tpu.dma_semaphore, #tpu.memory_space<semaphore_mem>>) {add = true}
      } else {
      }
      %add3A_444 = arith.constant 2 : i32
      %add3A_445 = arith.addi %mul3A_432, %add3A_444 : i32
      %lt3A_446 = arith.constant 25 : i32
      %lt3A_447 = arith.cmpi slt, %add3A_445, %lt3A_446 : i32
      %convert_element_type3A_448 = arith.extui %lt3A_447 : i1 to i32
      %cond3A_449 = arith.constant 0 : i32
      %cond3A_450 = arith.cmpi ne, %convert_element_type3A_448, %cond3A_449 : i32
      scf.if %cond3A_450 {
        %dma_wait3A_494 = arith.constant 0 : i32
        %dma_wait3A_495 = arith.constant 0 : i32
        %dma_wait3A_496 = tpu.memref_slice %arg6[%dma_wait3A_494, %dma_wait3A_495] : memref<25x80xi32, #tpu.memory_space<vmem>> -> memref<1x80xi32, #tpu.memory_space<vmem>>
        %dma_wait3A_497 = tpu.memref_squeeze %dma_wait3A_496 : memref<1x80xi32, #tpu.memory_space<vmem>> -> memref<80xi32, #tpu.memory_space<vmem>>
        %dma_wait3A_498 = arith.constant 0 : i32
        %dma_wait3A_499 = arith.constant 0 : i32
        %dma_wait3A_500 = tpu.memref_slice %arg4[%dma_wait3A_498, %dma_wait3A_499] : memref<10000x128xf32, #tpu.memory_space<hbm>> -> memref<10000x128xf32, #tpu.memory_space<hbm>>
        tpu.wait_indirect_dma semaphore(%arg15 : memref<!tpu.dma_semaphore, #tpu.memory_space<semaphore_mem>>) src(%dma_wait3A_500 : memref<10000x128xf32, #tpu.memory_space<hbm>>) dst(%arg10 : memref<80x128xf32, #tpu.memory_space<vmem>>)
        %add3A_501 = arith.constant 2 : i32
        %add3A_502 = arith.addi %mul3A_432, %add3A_501 : i32
        %dma_start3A_503 = arith.constant 0 : i32
        %dma_start3A_504 = tpu.memref_slice %arg7[%add3A_502, %dma_start3A_503] : memref<25x80xi32, #tpu.memory_space<vmem>> -> memref<1x80xi32, #tpu.memory_space<vmem>>
        %dma_start3A_505 = tpu.memref_squeeze %dma_start3A_504 : memref<1x80xi32, #tpu.memory_space<vmem>> -> memref<80xi32, #tpu.memory_space<vmem>>
        %dma_start3A_506 = arith.constant 0 : i32
        %dma_start3A_507 = arith.constant 0 : i32
        %dma_start3A_508 = tpu.memref_slice %arg12[%dma_start3A_506, %dma_start3A_507] : memref<10000x128xf32, #tpu.memory_space<vmem_shared>> -> memref<10000x128xf32, #tpu.memory_space<vmem_shared>>
        tpu.enqueue_indirect_dma source(%arg10 : memref<80x128xf32, #tpu.memory_space<vmem>>) target(%dma_start3A_508 : memref<10000x128xf32, #tpu.memory_space<vmem_shared>>) offsets(%dma_start3A_505 : memref<80xi32, #tpu.memory_space<vmem>>) semaphore(%arg19 : memref<!tpu.dma_semaphore, #tpu.memory_space<semaphore_mem>>) {add = true}
      } else {
      }
      %add3A_451 = arith.constant 3 : i32
      %add3A_452 = arith.addi %mul3A_432, %add3A_451 : i32
      %lt3A_453 = arith.constant 25 : i32
      %lt3A_454 = arith.cmpi slt, %add3A_452, %lt3A_453 : i32
      %convert_element_type3A_455 = arith.extui %lt3A_454 : i1 to i32
      %cond3A_456 = arith.constant 0 : i32
      %cond3A_457 = arith.cmpi ne, %convert_element_type3A_455, %cond3A_456 : i32
      scf.if %cond3A_457 {
        %dma_wait3A_494 = arith.constant 0 : i32
        %dma_wait3A_495 = arith.constant 0 : i32
        %dma_wait3A_496 = tpu.memref_slice %arg6[%dma_wait3A_494, %dma_wait3A_495] : memref<25x80xi32, #tpu.memory_space<vmem>> -> memref<1x80xi32, #tpu.memory_space<vmem>>
        %dma_wait3A_497 = tpu.memref_squeeze %dma_wait3A_496 : memref<1x80xi32, #tpu.memory_space<vmem>> -> memref<80xi32, #tpu.memory_space<vmem>>
        %dma_wait3A_498 = arith.constant 0 : i32
        %dma_wait3A_499 = arith.constant 0 : i32
        %dma_wait3A_500 = tpu.memref_slice %arg4[%dma_wait3A_498, %dma_wait3A_499] : memref<10000x128xf32, #tpu.memory_space<hbm>> -> memref<10000x128xf32, #tpu.memory_space<hbm>>
        tpu.wait_indirect_dma semaphore(%arg16 : memref<!tpu.dma_semaphore, #tpu.memory_space<semaphore_mem>>) src(%dma_wait3A_500 : memref<10000x128xf32, #tpu.memory_space<hbm>>) dst(%arg11 : memref<80x128xf32, #tpu.memory_space<vmem>>)
        %add3A_501 = arith.constant 3 : i32
        %add3A_502 = arith.addi %mul3A_432, %add3A_501 : i32
        %dma_start3A_503 = arith.constant 0 : i32
        %dma_start3A_504 = tpu.memref_slice %arg7[%add3A_502, %dma_start3A_503] : memref<25x80xi32, #tpu.memory_space<vmem>> -> memref<1x80xi32, #tpu.memory_space<vmem>>
        %dma_start3A_505 = tpu.memref_squeeze %dma_start3A_504 : memref<1x80xi32, #tpu.memory_space<vmem>> -> memref<80xi32, #tpu.memory_space<vmem>>
        %dma_start3A_506 = arith.constant 0 : i32
        %dma_start3A_507 = arith.constant 0 : i32
        %dma_start3A_508 = tpu.memref_slice %arg12[%dma_start3A_506, %dma_start3A_507] : memref<10000x128xf32, #tpu.memory_space<vmem_shared>> -> memref<10000x128xf32, #tpu.memory_space<vmem_shared>>
        tpu.enqueue_indirect_dma source(%arg11 : memref<80x128xf32, #tpu.memory_space<vmem>>) target(%dma_start3A_508 : memref<10000x128xf32, #tpu.memory_space<vmem_shared>>) offsets(%dma_start3A_505 : memref<80xi32, #tpu.memory_space<vmem>>) semaphore(%arg20 : memref<!tpu.dma_semaphore, #tpu.memory_space<semaphore_mem>>) {add = true}
      } else {
      }
      %add3A_458 = arith.constant 0 : i32
      %add3A_459 = arith.addi %mul3A_432, %add3A_458 : i32
      %add3A_460 = arith.constant 4 : i32
      %add3A_461 = arith.addi %add3A_459, %add3A_460 : i32
      %lt3A_462 = arith.constant 25 : i32
      %lt3A_463 = arith.cmpi slt, %add3A_461, %lt3A_462 : i32
      %convert_element_type3A_464 = arith.extui %lt3A_463 : i1 to i32
      %cond3A_465 = arith.constant 0 : i32
      %cond3A_466 = arith.cmpi ne, %convert_element_type3A_464, %cond3A_465 : i32
      scf.if %cond3A_466 {
        %dma_wait3A_494 = arith.constant 0 : i32
        %dma_wait3A_495 = arith.constant 0 : i32
        %dma_wait3A_496 = tpu.memref_slice %arg7[%dma_wait3A_494, %dma_wait3A_495] : memref<25x80xi32, #tpu.memory_space<vmem>> -> memref<1x80xi32, #tpu.memory_space<vmem>>
        %dma_wait3A_497 = tpu.memref_squeeze %dma_wait3A_496 : memref<1x80xi32, #tpu.memory_space<vmem>> -> memref<80xi32, #tpu.memory_space<vmem>>
        %dma_wait3A_498 = arith.constant 0 : i32
        %dma_wait3A_499 = arith.constant 0 : i32
        %dma_wait3A_500 = tpu.memref_slice %arg12[%dma_wait3A_498, %dma_wait3A_499] : memref<10000x128xf32, #tpu.memory_space<vmem_shared>> -> memref<10000x128xf32, #tpu.memory_space<vmem_shared>>
        tpu.wait_indirect_dma semaphore(%arg17 : memref<!tpu.dma_semaphore, #tpu.memory_space<semaphore_mem>>) src(%arg8 : memref<80x128xf32, #tpu.memory_space<vmem>>) dst(%dma_wait3A_500 : memref<10000x128xf32, #tpu.memory_space<vmem_shared>>)
        %add3A_501 = arith.constant 0 : i32
        %add3A_502 = arith.addi %mul3A_432, %add3A_501 : i32
        %add3A_503 = arith.constant 4 : i32
        %add3A_504 = arith.addi %add3A_502, %add3A_503 : i32
        %dma_start3A_505 = arith.constant 0 : i32
        %dma_start3A_506 = tpu.memref_slice %arg6[%add3A_504, %dma_start3A_505] : memref<25x80xi32, #tpu.memory_space<vmem>> -> memref<1x80xi32, #tpu.memory_space<vmem>>
        %dma_start3A_507 = tpu.memref_squeeze %dma_start3A_506 : memref<1x80xi32, #tpu.memory_space<vmem>> -> memref<80xi32, #tpu.memory_space<vmem>>
        %dma_start3A_508 = arith.constant 0 : i32
        %dma_start3A_509 = arith.constant 0 : i32
        %dma_start3A_510 = tpu.memref_slice %arg4[%dma_start3A_508, %dma_start3A_509] : memref<10000x128xf32, #tpu.memory_space<hbm>> -> memref<10000x128xf32, #tpu.memory_space<hbm>>
        tpu.enqueue_indirect_dma source(%dma_start3A_510 : memref<10000x128xf32, #tpu.memory_space<hbm>>) target(%arg8 : memref<80x128xf32, #tpu.memory_space<vmem>>) offsets(%dma_start3A_507 : memref<80xi32, #tpu.memory_space<vmem>>) semaphore(%arg13 : memref<!tpu.dma_semaphore, #tpu.memory_space<semaphore_mem>>)
      } else {
      }
      %add3A_467 = arith.constant 1 : i32
      %add3A_468 = arith.addi %mul3A_432, %add3A_467 : i32
      %add3A_469 = arith.constant 4 : i32
      %add3A_470 = arith.addi %add3A_468, %add3A_469 : i32
      %lt3A_471 = arith.constant 25 : i32
      %lt3A_472 = arith.cmpi slt, %add3A_470, %lt3A_471 : i32
      %convert_element_type3A_473 = arith.extui %lt3A_472 : i1 to i32
      %cond3A_474 = arith.constant 0 : i32
      %cond3A_475 = arith.cmpi ne, %convert_element_type3A_473, %cond3A_474 : i32
      scf.if %cond3A_475 {
        %dma_wait3A_494 = arith.constant 0 : i32
        %dma_wait3A_495 = arith.constant 0 : i32
        %dma_wait3A_496 = tpu.memref_slice %arg7[%dma_wait3A_494, %dma_wait3A_495] : memref<25x80xi32, #tpu.memory_space<vmem>> -> memref<1x80xi32, #tpu.memory_space<vmem>>
        %dma_wait3A_497 = tpu.memref_squeeze %dma_wait3A_496 : memref<1x80xi32, #tpu.memory_space<vmem>> -> memref<80xi32, #tpu.memory_space<vmem>>
        %dma_wait3A_498 = arith.constant 0 : i32
        %dma_wait3A_499 = arith.constant 0 : i32
        %dma_wait3A_500 = tpu.memref_slice %arg12[%dma_wait3A_498, %dma_wait3A_499] : memref<10000x128xf32, #tpu.memory_space<vmem_shared>> -> memref<10000x128xf32, #tpu.memory_space<vmem_shared>>
        tpu.wait_indirect_dma semaphore(%arg18 : memref<!tpu.dma_semaphore, #tpu.memory_space<semaphore_mem>>) src(%arg9 : memref<80x128xf32, #tpu.memory_space<vmem>>) dst(%dma_wait3A_500 : memref<10000x128xf32, #tpu.memory_space<vmem_shared>>)
        %add3A_501 = arith.constant 1 : i32
        %add3A_502 = arith.addi %mul3A_432, %add3A_501 : i32
        %add3A_503 = arith.constant 4 : i32
        %add3A_504 = arith.addi %add3A_502, %add3A_503 : i32
        %dma_start3A_505 = arith.constant 0 : i32
        %dma_start3A_506 = tpu.memref_slice %arg6[%add3A_504, %dma_start3A_505] : memref<25x80xi32, #tpu.memory_space<vmem>> -> memref<1x80xi32, #tpu.memory_space<vmem>>
        %dma_start3A_507 = tpu.memref_squeeze %dma_start3A_506 : memref<1x80xi32, #tpu.memory_space<vmem>> -> memref<80xi32, #tpu.memory_space<vmem>>
        %dma_start3A_508 = arith.constant 0 : i32
        %dma_start3A_509 = arith.constant 0 : i32
        %dma_start3A_510 = tpu.memref_slice %arg4[%dma_start3A_508, %dma_start3A_509] : memref<10000x128xf32, #tpu.memory_space<hbm>> -> memref<10000x128xf32, #tpu.memory_space<hbm>>
        tpu.enqueue_indirect_dma source(%dma_start3A_510 : memref<10000x128xf32, #tpu.memory_space<hbm>>) target(%arg9 : memref<80x128xf32, #tpu.memory_space<vmem>>) offsets(%dma_start3A_507 : memref<80xi32, #tpu.memory_space<vmem>>) semaphore(%arg14 : memref<!tpu.dma_semaphore, #tpu.memory_space<semaphore_mem>>)
      } else {
      }
      %add3A_476 = arith.constant 2 : i32
      %add3A_477 = arith.addi %mul3A_432, %add3A_476 : i32
      %add3A_478 = arith.constant 4 : i32
      %add3A_479 = arith.addi %add3A_477, %add3A_478 : i32
      %lt3A_480 = arith.constant 25 : i32
      %lt3A_481 = arith.cmpi slt, %add3A_479, %lt3A_480 : i32
      %convert_element_type3A_482 = arith.extui %lt3A_481 : i1 to i32
      %cond3A_483 = arith.constant 0 : i32
      %cond3A_484 = arith.cmpi ne, %convert_element_type3A_482, %cond3A_483 : i32
      scf.if %cond3A_484 {
        %dma_wait3A_494 = arith.constant 0 : i32
        %dma_wait3A_495 = arith.constant 0 : i32
        %dma_wait3A_496 = tpu.memref_slice %arg7[%dma_wait3A_494, %dma_wait3A_495] : memref<25x80xi32, #tpu.memory_space<vmem>> -> memref<1x80xi32, #tpu.memory_space<vmem>>
        %dma_wait3A_497 = tpu.memref_squeeze %dma_wait3A_496 : memref<1x80xi32, #tpu.memory_space<vmem>> -> memref<80xi32, #tpu.memory_space<vmem>>
        %dma_wait3A_498 = arith.constant 0 : i32
        %dma_wait3A_499 = arith.constant 0 : i32
        %dma_wait3A_500 = tpu.memref_slice %arg12[%dma_wait3A_498, %dma_wait3A_499] : memref<10000x128xf32, #tpu.memory_space<vmem_shared>> -> memref<10000x128xf32, #tpu.memory_space<vmem_shared>>
        tpu.wait_indirect_dma semaphore(%arg19 : memref<!tpu.dma_semaphore, #tpu.memory_space<semaphore_mem>>) src(%arg10 : memref<80x128xf32, #tpu.memory_space<vmem>>) dst(%dma_wait3A_500 : memref<10000x128xf32, #tpu.memory_space<vmem_shared>>)
        %add3A_501 = arith.constant 2 : i32
        %add3A_502 = arith.addi %mul3A_432, %add3A_501 : i32
        %add3A_503 = arith.constant 4 : i32
        %add3A_504 = arith.addi %add3A_502, %add3A_503 : i32
        %dma_start3A_505 = arith.constant 0 : i32
        %dma_start3A_506 = tpu.memref_slice %arg6[%add3A_504, %dma_start3A_505] : memref<25x80xi32, #tpu.memory_space<vmem>> -> memref<1x80xi32, #tpu.memory_space<vmem>>
        %dma_start3A_507 = tpu.memref_squeeze %dma_start3A_506 : memref<1x80xi32, #tpu.memory_space<vmem>> -> memref<80xi32, #tpu.memory_space<vmem>>
        %dma_start3A_508 = arith.constant 0 : i32
        %dma_start3A_509 = arith.constant 0 : i32
        %dma_start3A_510 = tpu.memref_slice %arg4[%dma_start3A_508, %dma_start3A_509] : memref<10000x128xf32, #tpu.memory_space<hbm>> -> memref<10000x128xf32, #tpu.memory_space<hbm>>
        tpu.enqueue_indirect_dma source(%dma_start3A_510 : memref<10000x128xf32, #tpu.memory_space<hbm>>) target(%arg10 : memref<80x128xf32, #tpu.memory_space<vmem>>) offsets(%dma_start3A_507 : memref<80xi32, #tpu.memory_space<vmem>>) semaphore(%arg15 : memref<!tpu.dma_semaphore, #tpu.memory_space<semaphore_mem>>)
      } else {
      }
      %add3A_485 = arith.constant 3 : i32
      %add3A_486 = arith.addi %mul3A_432, %add3A_485 : i32
      %add3A_487 = arith.constant 4 : i32
      %add3A_488 = arith.addi %add3A_486, %add3A_487 : i32
      %lt3A_489 = arith.constant 25 : i32
      %lt3A_490 = arith.cmpi slt, %add3A_488, %lt3A_489 : i32
      %convert_element_type3A_491 = arith.extui %lt3A_490 : i1 to i32
      %cond3A_492 = arith.constant 0 : i32
      %cond3A_493 = arith.cmpi ne, %convert_element_type3A_491, %cond3A_492 : i32
      scf.if %cond3A_493 {
        %dma_wait3A_494 = arith.constant 0 : i32
        %dma_wait3A_495 = arith.constant 0 : i32
        %dma_wait3A_496 = tpu.memref_slice %arg7[%dma_wait3A_494, %dma_wait3A_495] : memref<25x80xi32, #tpu.memory_space<vmem>> -> memref<1x80xi32, #tpu.memory_space<vmem>>
        %dma_wait3A_497 = tpu.memref_squeeze %dma_wait3A_496 : memref<1x80xi32, #tpu.memory_space<vmem>> -> memref<80xi32, #tpu.memory_space<vmem>>
        %dma_wait3A_498 = arith.constant 0 : i32
        %dma_wait3A_499 = arith.constant 0 : i32
        %dma_wait3A_500 = tpu.memref_slice %arg12[%dma_wait3A_498, %dma_wait3A_499] : memref<10000x128xf32, #tpu.memory_space<vmem_shared>> -> memref<10000x128xf32, #tpu.memory_space<vmem_shared>>
        tpu.wait_indirect_dma semaphore(%arg20 : memref<!tpu.dma_semaphore, #tpu.memory_space<semaphore_mem>>) src(%arg11 : memref<80x128xf32, #tpu.memory_space<vmem>>) dst(%dma_wait3A_500 : memref<10000x128xf32, #tpu.memory_space<vmem_shared>>)
        %add3A_501 = arith.constant 3 : i32
        %add3A_502 = arith.addi %mul3A_432, %add3A_501 : i32
        %add3A_503 = arith.constant 4 : i32
        %add3A_504 = arith.addi %add3A_502, %add3A_503 : i32
        %dma_start3A_505 = arith.constant 0 : i32
        %dma_start3A_506 = tpu.memref_slice %arg6[%add3A_504, %dma_start3A_505] : memref<25x80xi32, #tpu.memory_space<vmem>> -> memref<1x80xi32, #tpu.memory_space<vmem>>
        %dma_start3A_507 = tpu.memref_squeeze %dma_start3A_506 : memref<1x80xi32, #tpu.memory_space<vmem>> -> memref<80xi32, #tpu.memory_space<vmem>>
        %dma_start3A_508 = arith.constant 0 : i32
        %dma_start3A_509 = arith.constant 0 : i32
        %dma_start3A_510 = tpu.memref_slice %arg4[%dma_start3A_508, %dma_start3A_509] : memref<10000x128xf32, #tpu.memory_space<hbm>> -> memref<10000x128xf32, #tpu.memory_space<hbm>>
        tpu.enqueue_indirect_dma source(%dma_start3A_510 : memref<10000x128xf32, #tpu.memory_space<hbm>>) target(%arg11 : memref<80x128xf32, #tpu.memory_space<vmem>>) offsets(%dma_start3A_507 : memref<80xi32, #tpu.memory_space<vmem>>) semaphore(%arg16 : memref<!tpu.dma_semaphore, #tpu.memory_space<semaphore_mem>>)
      } else {
      }
    }
    %scan3A_360 = arith.constant 7 : i32
    %dma_wait3A_361 = arith.constant 0 : i32
    %dma_wait3A_362 = arith.constant 0 : i32
    %dma_wait3A_363 = tpu.memref_slice %arg7[%dma_wait3A_361, %dma_wait3A_362] : memref<25x80xi32, #tpu.memory_space<vmem>> -> memref<1x80xi32, #tpu.memory_space<vmem>>
    %dma_wait3A_364 = tpu.memref_squeeze %dma_wait3A_363 : memref<1x80xi32, #tpu.memory_space<vmem>> -> memref<80xi32, #tpu.memory_space<vmem>>
    %dma_wait3A_365 = arith.constant 0 : i32
    %dma_wait3A_366 = arith.constant 0 : i32
    %dma_wait3A_367 = tpu.memref_slice %arg12[%dma_wait3A_365, %dma_wait3A_366] : memref<10000x128xf32, #tpu.memory_space<vmem_shared>> -> memref<10000x128xf32, #tpu.memory_space<vmem_shared>>
    tpu.wait_indirect_dma semaphore(%arg17 : memref<!tpu.dma_semaphore, #tpu.memory_space<semaphore_mem>>) src(%arg8 : memref<80x128xf32, #tpu.memory_space<vmem>>) dst(%dma_wait3A_367 : memref<10000x128xf32, #tpu.memory_space<vmem_shared>>)
    %dma_wait3A_368 = arith.constant 0 : i32
    %dma_wait3A_369 = arith.constant 0 : i32
    %dma_wait3A_370 = tpu.memref_slice %arg7[%dma_wait3A_368, %dma_wait3A_369] : memref<25x80xi32, #tpu.memory_space<vmem>> -> memref<1x80xi32, #tpu.memory_space<vmem>>
    %dma_wait3A_371 = tpu.memref_squeeze %dma_wait3A_370 : memref<1x80xi32, #tpu.memory_space<vmem>> -> memref<80xi32, #tpu.memory_space<vmem>>
    %dma_wait3A_372 = arith.constant 0 : i32
    %dma_wait3A_373 = arith.constant 0 : i32
    %dma_wait3A_374 = tpu.memref_slice %arg12[%dma_wait3A_372, %dma_wait3A_373] : memref<10000x128xf32, #tpu.memory_space<vmem_shared>> -> memref<10000x128xf32, #tpu.memory_space<vmem_shared>>
    tpu.wait_indirect_dma semaphore(%arg18 : memref<!tpu.dma_semaphore, #tpu.memory_space<semaphore_mem>>) src(%arg9 : memref<80x128xf32, #tpu.memory_space<vmem>>) dst(%dma_wait3A_374 : memref<10000x128xf32, #tpu.memory_space<vmem_shared>>)
    %dma_wait3A_375 = arith.constant 0 : i32
    %dma_wait3A_376 = arith.constant 0 : i32
    %dma_wait3A_377 = tpu.memref_slice %arg7[%dma_wait3A_375, %dma_wait3A_376] : memref<25x80xi32, #tpu.memory_space<vmem>> -> memref<1x80xi32, #tpu.memory_space<vmem>>
    %dma_wait3A_378 = tpu.memref_squeeze %dma_wait3A_377 : memref<1x80xi32, #tpu.memory_space<vmem>> -> memref<80xi32, #tpu.memory_space<vmem>>
    %dma_wait3A_379 = arith.constant 0 : i32
    %dma_wait3A_380 = arith.constant 0 : i32
    %dma_wait3A_381 = tpu.memref_slice %arg12[%dma_wait3A_379, %dma_wait3A_380] : memref<10000x128xf32, #tpu.memory_space<vmem_shared>> -> memref<10000x128xf32, #tpu.memory_space<vmem_shared>>
    tpu.wait_indirect_dma semaphore(%arg19 : memref<!tpu.dma_semaphore, #tpu.memory_space<semaphore_mem>>) src(%arg10 : memref<80x128xf32, #tpu.memory_space<vmem>>) dst(%dma_wait3A_381 : memref<10000x128xf32, #tpu.memory_space<vmem_shared>>)
    %dma_wait3A_382 = arith.constant 0 : i32
    %dma_wait3A_383 = arith.constant 0 : i32
    %dma_wait3A_384 = tpu.memref_slice %arg7[%dma_wait3A_382, %dma_wait3A_383] : memref<25x80xi32, #tpu.memory_space<vmem>> -> memref<1x80xi32, #tpu.memory_space<vmem>>
    %dma_wait3A_385 = tpu.memref_squeeze %dma_wait3A_384 : memref<1x80xi32, #tpu.memory_space<vmem>> -> memref<80xi32, #tpu.memory_space<vmem>>
    %dma_wait3A_386 = arith.constant 0 : i32
    %dma_wait3A_387 = arith.constant 0 : i32
    %dma_wait3A_388 = tpu.memref_slice %arg12[%dma_wait3A_386, %dma_wait3A_387] : memref<10000x128xf32, #tpu.memory_space<vmem_shared>> -> memref<10000x128xf32, #tpu.memory_space<vmem_shared>>
    tpu.wait_indirect_dma semaphore(%arg20 : memref<!tpu.dma_semaphore, #tpu.memory_space<semaphore_mem>>) src(%arg11 : memref<80x128xf32, #tpu.memory_space<vmem>>) dst(%dma_wait3A_388 : memref<10000x128xf32, #tpu.memory_space<vmem_shared>>)
    %barrier3A_389 = arith.constant 0 : index
    tpu.barrier barrier_id(%barrier3A_389)
    %sub3A_390 = arith.constant 125 : i32
    %sub3A_391 = arith.subi %sub3A_390, %arg1 : i32
    %add3A_392 = arith.constant 16 : i32
    %add3A_393 = arith.addi %sub3A_391, %add3A_392 : i32
    %sub3A_394 = arith.constant 1 : i32
    %sub3A_395 = arith.subi %add3A_393, %sub3A_394 : i32
    %jit3A_396 = arith.constant 16 : i32
    %div3A_397 = arith.divsi %sub3A_395, %jit3A_396 : i32
    %sign3A_398 = arith.constant 0 : i32
    %sign3A_399 = arith.cmpi sgt, %sub3A_395, %sign3A_398 : i32
    %sign3A_400 = arith.extui %sign3A_399 : i1 to i32
    %sign3A_401 = arith.constant 0 : i32
    %sign3A_402 = arith.cmpi slt, %sub3A_395, %sign3A_401 : i32
    %sign3A_403 = arith.extui %sign3A_402 : i1 to i32
    %sign3A_404 = arith.subi %sign3A_400, %sign3A_403 : i32
    %sign3A_405 = arith.constant 0 : i32
    %sign3A_406 = arith.cmpi sgt, %jit3A_396, %sign3A_405 : i32
    %sign3A_407 = arith.extui %sign3A_406 : i1 to i32
    %sign3A_408 = arith.constant 0 : i32
    %sign3A_409 = arith.cmpi slt, %jit3A_396, %sign3A_408 : i32
    %sign3A_410 = arith.extui %sign3A_409 : i1 to i32
    %sign3A_411 = arith.subi %sign3A_407, %sign3A_410 : i32
    %ne3A_412 = arith.cmpi ne, %sign3A_404, %sign3A_411 : i32
    %rem3A_413 = arith.remsi %sub3A_395, %jit3A_396 : i32
    %ne3A_414 = arith.constant 0 : i32
    %ne3A_415 = arith.cmpi ne, %rem3A_413, %ne3A_414 : i32
    %and3A_416 = arith.andi %ne3A_412, %ne3A_415 : i1
    %sub3A_417 = arith.constant 1 : i32
    %sub3A_418 = arith.subi %div3A_397, %sub3A_417 : i32
    %select_n3A_419 = arith.select %and3A_416, %sub3A_418, %div3A_397 : i32
    %while3A_420 = arith.constant 0 : i32
    %while3A_421 = arith.constant 0 : i32
    %while3A_422 = arith.subi %select_n3A_419, %while3A_421 : i32
    %while3A_423 = arith.addi %while3A_421, %while3A_422 : i32
    %while3A_424 = arith.constant 1 : i32
    %while3A_425 = arith.divsi %while3A_422, %while3A_424 : i32
    %while3A_426 = arith.muli %while3A_425, %while3A_424 : i32
    %while3A_427 = arith.addi %while3A_421, %while3A_426 : i32
    %while3A_428 = arith.constant 1 : i32
    scf.for %while3A_430 = %while3A_421 to %while3A_427 step %while3A_428  : i32 {
      %mul3A_431 = arith.constant 16 : i32
      %mul3A_432 = arith.muli %while3A_430, %mul3A_431 : i32
      %add3A_433 = arith.addi %arg1, %mul3A_432 : i32
      %mul3A_434 = arith.constant 80 : i32
      %mul3A_435 = arith.muli %add3A_433, %mul3A_434 : i32
      %mul3A_436 = arith.constant 80 : i32
      %mul3A_437 = arith.muli %add3A_433, %mul3A_436 : i32
      "tpu.region"() ({
        %run_scoped3A_438 = tpu.sem_alloc : memref<!tpu.dma_semaphore, #tpu.memory_space<semaphore_mem>>
        %dma_start3A_439 = arith.constant 0 : i32
        %dma_start3A_440 = tpu.memref_slice %arg5[%arg0, %mul3A_437, %dma_start3A_439] : memref<2x10000x128xf32, #tpu.memory_space<hbm>> -> memref<1x80x128xf32, #tpu.memory_space<hbm>>
        %dma_start3A_441 = tpu.memref_squeeze %dma_start3A_440 : memref<1x80x128xf32, #tpu.memory_space<hbm>> -> memref<80x128xf32, #tpu.memory_space<hbm>>
        %dma_start3A_442 = arith.constant 0 : i32
        %dma_start3A_443 = tpu.memref_slice %arg12[%mul3A_435, %dma_start3A_442] : memref<10000x128xf32, #tpu.memory_space<vmem_shared>> -> memref<80x128xf32, #tpu.memory_space<vmem_shared>>
        tpu.enqueue_dma source(%dma_start3A_443 : memref<80x128xf32, #tpu.memory_space<vmem_shared>>) target(%dma_start3A_441 : memref<80x128xf32, #tpu.memory_space<hbm>>) target_semaphore(%run_scoped3A_438 : memref<!tpu.dma_semaphore, #tpu.memory_space<semaphore_mem>>)
        %dma_wait3A_444 = arith.constant 0 : i32
        %dma_wait3A_445 = tpu.memref_slice %arg5[%arg0, %mul3A_437, %dma_wait3A_444] : memref<2x10000x128xf32, #tpu.memory_space<hbm>> -> memref<1x80x128xf32, #tpu.memory_space<hbm>>
        %dma_wait3A_446 = tpu.memref_squeeze %dma_wait3A_445 : memref<1x80x128xf32, #tpu.memory_space<hbm>> -> memref<80x128xf32, #tpu.memory_space<hbm>>
        %dma_wait3A_447 = arith.constant 0 : i32
        %dma_wait3A_448 = tpu.memref_slice %arg12[%mul3A_435, %dma_wait3A_447] : memref<10000x128xf32, #tpu.memory_space<vmem_shared>> -> memref<80x128xf32, #tpu.memory_space<vmem_shared>>
        tpu.wait_dma2 semaphore(%run_scoped3A_438 : memref<!tpu.dma_semaphore, #tpu.memory_space<semaphore_mem>>) src(%dma_wait3A_448 : memref<80x128xf32, #tpu.memory_space<vmem_shared>>) dst(%dma_wait3A_446 : memref<80x128xf32, #tpu.memory_space<hbm>>)
        tpu.yield
      }) : () -> ()
    }
    %while3A_429 = arith.constant 1 : i32
    scf.for %while3A_430 = %while3A_427 to %while3A_423 step %while3A_429  : i32 {
      %mul3A_431 = arith.constant 16 : i32
      %mul3A_432 = arith.muli %while3A_430, %mul3A_431 : i32
      %add3A_433 = arith.addi %arg1, %mul3A_432 : i32
      %mul3A_434 = arith.constant 80 : i32
      %mul3A_435 = arith.muli %add3A_433, %mul3A_434 : i32
      %mul3A_436 = arith.constant 80 : i32
      %mul3A_437 = arith.muli %add3A_433, %mul3A_436 : i32
      "tpu.region"() ({
        %run_scoped3A_438 = tpu.sem_alloc : memref<!tpu.dma_semaphore, #tpu.memory_space<semaphore_mem>>
        %dma_start3A_439 = arith.constant 0 : i32
        %dma_start3A_440 = tpu.memref_slice %arg5[%arg0, %mul3A_437, %dma_start3A_439] : memref<2x10000x128xf32, #tpu.memory_space<hbm>> -> memref<1x80x128xf32, #tpu.memory_space<hbm>>
        %dma_start3A_441 = tpu.memref_squeeze %dma_start3A_440 : memref<1x80x128xf32, #tpu.memory_space<hbm>> -> memref<80x128xf32, #tpu.memory_space<hbm>>
        %dma_start3A_442 = arith.constant 0 : i32
        %dma_start3A_443 = tpu.memref_slice %arg12[%mul3A_435, %dma_start3A_442] : memref<10000x128xf32, #tpu.memory_space<vmem_shared>> -> memref<80x128xf32, #tpu.memory_space<vmem_shared>>
        tpu.enqueue_dma source(%dma_start3A_443 : memref<80x128xf32, #tpu.memory_space<vmem_shared>>) target(%dma_start3A_441 : memref<80x128xf32, #tpu.memory_space<hbm>>) target_semaphore(%run_scoped3A_438 : memref<!tpu.dma_semaphore, #tpu.memory_space<semaphore_mem>>)
        %dma_wait3A_444 = arith.constant 0 : i32
        %dma_wait3A_445 = tpu.memref_slice %arg5[%arg0, %mul3A_437, %dma_wait3A_444] : memref<2x10000x128xf32, #tpu.memory_space<hbm>> -> memref<1x80x128xf32, #tpu.memory_space<hbm>>
        %dma_wait3A_446 = tpu.memref_squeeze %dma_wait3A_445 : memref<1x80x128xf32, #tpu.memory_space<hbm>> -> memref<80x128xf32, #tpu.memory_space<hbm>>
        %dma_wait3A_447 = arith.constant 0 : i32
        %dma_wait3A_448 = tpu.memref_slice %arg12[%mul3A_435, %dma_wait3A_447] : memref<10000x128xf32, #tpu.memory_space<vmem_shared>> -> memref<80x128xf32, #tpu.memory_space<vmem_shared>>
        tpu.wait_dma2 semaphore(%run_scoped3A_438 : memref<!tpu.dma_semaphore, #tpu.memory_space<semaphore_mem>>) src(%dma_wait3A_448 : memref<80x128xf32, #tpu.memory_space<vmem_shared>>) dst(%dma_wait3A_446 : memref<80x128xf32, #tpu.memory_space<hbm>>)
        tpu.yield
      }) : () -> ()
    }
    return
  }
}

module attributes {stable_mosaic.version = 14 : i64} {
  func.func @_tc_head_body(%arg0: memref<10000x128xf32, #tpu.memory_space<vmem>>, %arg1: memref<2x10000x128xf32, #tpu.memory_space<vmem>>, %arg2: memref<128x128xf32, #tpu.memory_space<vmem>>, %arg3: memref<128x128xf32, #tpu.memory_space<vmem>>, %arg4: memref<128xf32, #tpu.memory_space<vmem>>, %arg5: memref<128xf32, #tpu.memory_space<vmem>>, %arg6: memref<10000xf32, #tpu.memory_space<vmem>>) attributes {dimension_semantics = [], scalar_prefetch = 0 : i64, scratch_operands = 0 : i64, tpu.core_type = #tpu.core_type<tc>} {
    %get3A = arith.constant 0 : index
    %get3A_0 = arith.constant 0 : index
    %get3A_1 = arith.constant 0 : index
    %get3A_2 = vector.load %arg1[%get3A, %get3A_0, %get3A_1] : memref<2x10000x128xf32, #tpu.memory_space<vmem>>, vector<1x10000x128xf32>
    %get3A_3 = vector.shape_cast %get3A_2 : vector<1x10000x128xf32> to vector<10000x128xf32>
    %get3A_4 = arith.constant 1 : index
    %get3A_5 = arith.constant 0 : index
    %get3A_6 = arith.constant 0 : index
    %get3A_7 = vector.load %arg1[%get3A_4, %get3A_5, %get3A_6] : memref<2x10000x128xf32, #tpu.memory_space<vmem>>, vector<1x10000x128xf32>
    %get3A_8 = vector.shape_cast %get3A_7 : vector<1x10000x128xf32> to vector<10000x128xf32>
    %add3A = arith.addf %get3A_3, %get3A_8 : vector<10000x128xf32>
    %get3A_9 = arith.constant 0 : index
    %get3A_10 = arith.constant 0 : index
    %get3A_11 = vector.load %arg0[%get3A_9, %get3A_10] : memref<10000x128xf32, #tpu.memory_space<vmem>>, vector<10000x128xf32>
    %get3A_12 = arith.constant 0 : index
    %get3A_13 = arith.constant 0 : index
    %get3A_14 = vector.load %arg2[%get3A_12, %get3A_13] : memref<128x128xf32, #tpu.memory_space<vmem>>, vector<128x128xf32>
    %dot_general3A = arith.constant dense<0.000000e+00> : vector<10000x128xf32>
    %dot_general3A_15 = tpu.matmul %get3A_11, %get3A_14, %dot_general3A {dimension_numbers = #tpu.dot_dimension_numbers<[1], [0], [0], [1], [0, 0, 1, 1], [], []>, transpose_lhs_hint = false} : vector<10000x128xf32>, vector<128x128xf32>, vector<10000x128xf32> -> vector<10000x128xf32>
    %get3A_16 = arith.constant 0 : index
    %get3A_17 = arith.constant 0 : index
    %get3A_18 = vector.load %arg3[%get3A_16, %get3A_17] : memref<128x128xf32, #tpu.memory_space<vmem>>, vector<128x128xf32>
    %dot_general3A_19 = arith.constant dense<0.000000e+00> : vector<10000x128xf32>
    %dot_general3A_20 = tpu.matmul %add3A, %get3A_18, %dot_general3A_19 {dimension_numbers = #tpu.dot_dimension_numbers<[1], [0], [0], [1], [0, 0, 1, 1], [], []>, transpose_lhs_hint = false} : vector<10000x128xf32>, vector<128x128xf32>, vector<10000x128xf32> -> vector<10000x128xf32>
    %add3A_21 = arith.addf %dot_general3A_15, %dot_general3A_20 : vector<10000x128xf32>
    %get3A_22 = arith.constant 0 : index
    %get3A_23 = vector.load %arg4[%get3A_22] : memref<128xf32, #tpu.memory_space<vmem>>, vector<128xf32>
    %broadcast_in_dim3A = vector.shape_cast %get3A_23 : vector<128xf32> to vector<1x128xf32>
    %add3A_24 = vector.broadcast %broadcast_in_dim3A : vector<1x128xf32> to vector<10000x128xf32>
    %add3A_25 = arith.addf %add3A_21, %add3A_24 : vector<10000x128xf32>
    %max3A = arith.constant 0.000000e+00 : f32
    %max3A_26 = vector.broadcast %max3A : f32 to vector<10000x128xf32>
    %max3A_27 = arith.maximumf %add3A_25, %max3A_26 : vector<10000x128xf32>
    %get3A_28 = arith.constant 0 : index
    %get3A_29 = vector.load %arg5[%get3A_28] : memref<128xf32, #tpu.memory_space<vmem>>, vector<128xf32>
    %broadcast_in_dim3A_30 = vector.shape_cast %get3A_29 : vector<128xf32> to vector<1x128xf32>
    %mul3A = vector.broadcast %broadcast_in_dim3A_30 : vector<1x128xf32> to vector<10000x128xf32>
    %mul3A_31 = arith.mulf %max3A_27, %mul3A : vector<10000x128xf32>
    %reduce_sum3A = arith.constant dense<0.000000e+00> : vector<10000xf32>
    %reduce_sum3A_32 = vector.multi_reduction <add>, %mul3A_31, %reduce_sum3A [1] : vector<10000x128xf32> to vector<10000xf32>
    %swap3A = arith.constant 0 : index
    %swap3A_33 = vector.load %arg6[%swap3A] : memref<10000xf32, #tpu.memory_space<vmem>>, vector<10000xf32>
    tpu.vector_store %arg6[%swap3A], %reduce_sum3A_32 {strides = array<i32>} : memref<10000xf32, #tpu.memory_space<vmem>>, vector<10000xf32>,
    return
  }
}

</mosaic_0001>

<sc_bundles>
// kernel: kernel.4.cloned.1.call-start
scs
__scs_entry_jumppad:
0x0: {  	(pc) =	sbr.rel $0x88, $3  }
0x1: {  	(tag) =	ssettag $0x0;
	lr =	simm.s32 $0x1  }
0x2: {  	[smem:$0x3F9B] =	sst lr;
	_ =	strace $0xD0000000  }
0x3: {  	_ = 	snop  }
0x4: {  	_ = 	snop  }
0x5: {  	_ = 	snop  }
0x6: {  	_ = 	snop  }
0x7: {  	_ = 	snop  }
__scs_overlays_trampoline_lowered:
0x8: {  	[smem:$0x3FAA] =	sst s0  }
0x9: {  	[smem:$0x3FAB] =	sst s1  }
0xa: {  	[smem:$0x3FAC] =	sst s2  }
0xb: {  	[smem:$0x3FAD] =	sst s3  }
0xc: {  	[smem:$0x3FAE] =	sst s4  }
0xd: {  	[smem:$0x3FAF] =	sst s5  }
0xe: {  	[smem:$0x3FB0] =	sst s6  }
0xf: {  	[smem:$0x3FB1] =	sst s7  }
0x10: {  	[smem:$0x3FB2] =	sst s8  }
0x11: {  	[smem:$0x3FB3] =	sst s9;
	s0 =	simm.s32 @!p0 $0x0  }
0x12: {  	s1 =	sld [smem:$0x3F99];
	s0 =	simm.s32 @p0 $0x1  }
0x13: {  	[smem:$0x3FB4] =	sst s0;
	s0 =	simm.s32 @!p1 $0x0  }
0x14: {  	s2 =	sld [smem:$0x3F98];
	s0 =	simm.s32 @p1 $0x1  }
0x15: {  	[smem:$0x3FB5] =	sst s0;
	s0 =	simm.s32 @!p2 $0x0  }
0x16: {  	s3 =	sld [smem:$0x3FDB];
	s0 =	simm.s32 @p2 $0x1  }
0x17: {  	s4 =	simm.s32 $0x1BF5;
	[smem:$0x3FB7] =	sst s0  }
0x18: {  	s0 =	sld [smem:$0x3F9A];
	_ =	swait.ge [sflag:s4], $0x0  }
0x19: {  	s7 =	sld [smem:$0x3F9B]  }
0x1a: {  	s8 =	sadd.s32 $0xFFFFE003, lr  }
0x1b: {  	s9 =	sadd.s32 $0xFFFFFEF7, lr;
	s5 =	simm.s32 $0xFFFFFFFF;
	p2 =	slt.u32 s8, $0xFFFFF086  }
0x1c: {  	p1 =	slt.u32 s9, $0xF7A;
	s5 =	simm.s32 @!p2 $0x0  }
0x1d: {  	s5 =	simm.s32 @p1 $0x1;
	p0 =	seq.s32 s7, s2  }
0x1e: {  	s7 =	smul.u32 @!p0 $0xF7A, s2;
	p2 =	seq.s32 @!p0 s5, $0x0  }
0x1f: {  	s9 =	smul.u32 $0xF7A, s1;
	s8 =	simm.s32 @!p0 $0x1BF5;
	p2 =	por !p2, p0  }
0x20: {  	[sflag:s8] =	ssyncset.s32 @!p0 $0xFFFFF086;
	s6 =	sadd.s32 @!p0 s3, s7;
	s7 =	simm.s32 @!p0 $0x108  }
0x21: {  	s3 =	sadd.s32 s3, s9;
	s6 =	sadd.s32 @!p0 $0x88, s6;
	s7 =	simm.s32 @p2 $0x1082  }
0x22: {  	[simem:s7], [sflag:s8] =	dma.local @!p0 [hbm:s6], $0xF7A  }
0x23: {  	s9 =	sor.u32 $0xD0000000, s2;
	s6 =	simm.s32 $0x108;
	_ =	swait.ge @!p0 [sflag:s8], $0x0  }
0x24: {  	s3 =	sadd.s32 $0x88, s3;
	s6 =	simm.s32 @!p1 $0x1082;
	[sflag:s4] =	ssyncset.s32 $0xFFFFF086  }
0x25: {  	[simem:s6], [sflag:s4] =	dma.local [hbm:s3], $0xF7A  }
0x26: {  	[smem:$0x3F9B] =	sst s1;
	(tag) =	ssettag s2;
	_ =	strace s9  }
0x27: {  	s1 =	sld [smem:$0x3FAB]  }
0x28: {  	s2 =	sld [smem:$0x3FAC]  }
0x29: {  	s4 =	sld [smem:$0x3FAE]  }
0x2a: {  	p0 =	seq.s32 s5, $0x0;
	s5 =	sld [smem:$0x3FAF]  }
0x2b: {  	s6 =	sld [smem:$0x3FB0]  }
0x2c: {  	s7 =	sld [smem:$0x3FB1]  }
0x2d: {  	s3 =	simm.s32 $0x108;
	s8 =	sld [smem:$0x3FB2]  }
0x2e: {  	s3 =	simm.s32 @!p0 $0x1082;
	s9 =	sld [smem:$0x3FB3]  }
0x2f: {  	lr =	sadd.s32 s0, s3;
	s0 =	sld [smem:$0x3FAA]  }
0x30: {  	s3 =	sld [smem:$0x3FAD]  }
0x31: {  	[smem:$0x3FB6] =	sst s10  }
0x32: {  	s10 =	sld [smem:$0x3FB4];
	_ =	sdelay $0x3  }
0x33: {  	p0 =	seq.s32 s10, $0x1;
	s10 =	sld [smem:$0x3FB6];
	_ =	sdelay $0x3  }
0x34: {  	[smem:$0x3FB6] =	sst s10  }
0x35: {  	s10 =	sld [smem:$0x3FB5];
	_ =	sdelay $0x3  }
0x36: {  	p1 =	seq.s32 s10, $0x1;
	s10 =	sld [smem:$0x3FB6];
	_ =	sdelay $0x3  }
0x37: {  	[smem:$0x3FB6] =	sst s10  }
0x38: {  	s10 =	sld [smem:$0x3FB7]  }
0x39: {  	_ = 	snop;
	(pc) =	sbr.ind lr, $3  }
0x3a: {  	_ = 	snop  }
0x3b: {  	_ = 	snop  }
0x3c: {  	p2 =	seq.s32 s10, $0x1;
	s10 =	sld [smem:$0x3FB6]  }
0x3d: {  	_ =	shalt  }
0x3e: {  	_ =	shalt  }
0x3f: {  	_ =	shalt  }
0x40: {  	_ =	shalt  }
0x41: {  	_ =	shalt  }
0x42: {  	_ =	shalt  }
0x43: {  	_ =	shalt  }
0x44: {  	_ =	shalt  }
0x45: {  	_ =	shalt  }
0x46: {  	_ =	shalt  }
0x47: {  	_ =	shalt  }
0x48: {  	_ =	shalt  }
0x49: {  	_ =	shalt  }
0x4a: {  	_ =	shalt  }
0x4b: {  	_ =	shalt  }
0x4c: {  	_ =	shalt  }
0x4d: {  	_ =	shalt  }
0x4e: {  	_ =	shalt  }
0x4f: {  	_ =	shalt  }
0x50: {  	_ =	shalt  }
0x51: {  	_ =	shalt  }
0x52: {  	_ =	shalt  }
0x53: {  	_ =	shalt  }
0x54: {  	_ =	shalt  }
0x55: {  	_ =	shalt  }
0x56: {  	_ =	shalt  }
0x57: {  	_ =	shalt  }
0x58: {  	_ =	shalt  }
0x59: {  	_ =	shalt  }
0x5a: {  	_ =	shalt  }
0x5b: {  	_ =	shalt  }
0x5c: {  	_ =	shalt  }
0x5d: {  	_ =	shalt  }
0x5e: {  	_ =	shalt  }
0x5f: {  	_ =	shalt  }
0x60: {  	_ =	shalt  }
0x61: {  	_ =	shalt  }
0x62: {  	_ =	shalt  }
0x63: {  	_ =	shalt  }
0x64: {  	_ =	shalt  }
0x65: {  	_ =	shalt  }
0x66: {  	_ =	shalt  }
0x67: {  	_ =	shalt  }
0x68: {  	_ =	shalt  }
0x69: {  	_ =	shalt  }
0x6a: {  	_ =	shalt  }
0x6b: {  	_ =	shalt  }
0x6c: {  	_ =	shalt  }
0x6d: {  	_ =	shalt  }
0x6e: {  	_ =	shalt  }
0x6f: {  	_ =	shalt  }
0x70: {  	_ =	shalt  }
0x71: {  	_ =	shalt  }
0x72: {  	_ =	shalt  }
0x73: {  	_ =	shalt  }
0x74: {  	_ =	shalt  }
0x75: {  	_ =	shalt  }
0x76: {  	_ =	shalt  }
0x77: {  	_ =	shalt  }
0x78: {  	_ =	shalt  }
0x79: {  	_ =	shalt  }
0x7a: {  	_ =	shalt  }
0x7b: {  	_ =	shalt  }
0x7c: {  	_ =	shalt  }
0x7d: {  	_ =	shalt  }
0x7e: {  	_ =	shalt  }
0x7f: {  	_ =	shalt  }
0x80: {  	_ =	shalt  }
0x81: {  	_ =	shalt  }
0x82: {  	_ =	shalt  }
0x83: {  	_ =	shalt  }
0x84: {  	_ =	shalt  }
0x85: {  	_ =	shalt  }
0x86: {  	_ =	shalt  }
0x87: {  	_ =	shalt  }
.Lfunc_end0:
.L_simem_size_0:
called_computation_lowered:
.L_overlay_start_0:
0x88: {  	s2 =	sld [smem:$0x3FD9]  }
0x89: {  	s3 =	sld [smem:$0x3FFE];
	_ =	sdelay $0x1  }
0x8a: {  	s1 =	srdreg.scid  }
0x8b: {  	s0 =	sand.u32 $0x1, s1  }
0x8c: {  	s17 =	sshll.u32 s0, $0xA;
	s2 =	sadd.s32 s3, s2  }
0x8d: {  	s2 =	sadd.s32 s2, s17  }
0x8e: {  	[smem:$0x3FC2] =	sst s2  }
0x8f: {  	_ = 	snop  }
0x90: {  	s2 =	sld [smem:$0x3FC9];
	(tm) =	ssettm $0x1  }
0x91: {  	s18 =	sld [smem:$0x3FFB];
	_ =	sdelay $0x3  }
0x92: {  	_ =	strace s18  }
0x93: {  	s3 =	sld [smem:$0x3FFC];
	_ =	sdelay $0x3  }
0x94: {  	_ =	strace s3  }
0x95: {  	s3 =	sld [smem:$0x3FFD];
	_ =	sdelay $0x3  }
0x96: {  	_ =	strace s3  }
0x97: {  	_ =	strace $0x8FFFFFFF  }
0x98: {  	s19 =	sld [smem:$0x3FDB];
	_ =	sdelay $0x1  }
0x99: {  	s4 =	simm.s32 $_scs_section_size  }
0x9a: {  	s5 =	simm.s32 $_size__tile_overlayer_lowered;
	s6 =	simm.s32 $_tile_overlayer_lowered  }
0x9b: {  	s22 =	simm.s32 $0x1BFF;
	s21 =	sshll.u32 s6, $0x1;
	s3 =	sadd.s32 s4, s19  }
0x9c: {  	s7 =	simm.s32 $0x0;
	s20 =	sshll.u32 s5, $0x1;
	s5 =	sadd.s32 s21, s3  }
0x9d: {  	[timem:s7], [sflag:s22] =	dma.local [hbm:s5], s20  }
0x9e: {  	_ =	swait.ge [sflag:s22], s20  }
0x9f: {  	s4 =	ssub.s32 $0x0, s20;
	[sflag:s22] =	ssyncset.done $0x0  }
0xa0: {  	[sflag:s22] =	ssyncadd.s32 s4;
	_ =	sdelay $0x1  }
0xa1: {  	s23 =	simm.s32 $0x1B8B  }
0xa2: {  	_ =	swait.ge [sflag:s23], $0x1  }
0xa3: {  	[sflag:s23] =	ssyncset.done $0x0  }
0xa4: {  	s25 =	simm.s32 $0x1B8E;
	s24 =	sld [smem:$0x3FFE];
	[sflag:s23] =	ssyncadd.s32 $0xFFFFFFFF  }
0xa5: {  	s26 =	simm.s32 $execute0_lowered;
	[smem:$0x3FD2] =	sst s25  }
0xa6: {  	s5 =	sshll.u32 s26, $0x1;
	_ =	strace $0x80000046;
	[dreg:$0x1] =	wrdreg $0xFFFFFFFF  }
0xa7: {  	s28 =	simm.s32 $_size_execute0_lowered;
	s3 =	sadd.s32 s3, s5;
	[dreg:$0x0] =	wrdreg $0x0  }
0xa8: {  	s5 =	sshll.u32 s28, $0x1;
	[dreg:$0x2] =	wrdreg s3  }
0xa9: {  	[dreg:$0x3] =	wrdreg s5  }
0xaa: {  	[dreg:$0x4] =	wrdreg $0xC0  }
0xab: {  	_ =	task [dreg:s7], $0x5FFFF  }
0xac: {  	[dreg:$0x1] =	wrdreg $0xFFFFFFFF  }
0xad: {  	[dreg:$0x0] =	wrdreg $0x60  }
0xae: {  	[dreg:$0x2] =	wrdreg s24  }
0xaf: {  	[dreg:$0x3] =	wrdreg s2  }
0xb0: {  	[dreg:$0x4] =	wrdreg $0xC0000  }
0xb1: {  	[dreg:$0x5] =	wrdreg $0x9  }
0xb2: {  	_ =	task.clear_ibuf [dreg:s7], $0x6FFFF;
	_ =	strace $0x90000046  }
0xb3: {  	s29 =	simm.s32 $0x9;
	_ =	strace $0x80000048  }
0xb4: {  	_ =	swait.ge [sflag:s29], $0x1  }
0xb5: {  	[sflag:s29] =	ssyncadd.s32 $0xFFFFFFFF  }
0xb6: {  	_ =	strace $0x90000048  }
0xb7: {  	_ =	sfence  }
0xb8: {  	s30 =	sld [smem:$0x0];
	_ =	sdelay $0x2  }
0xb9: {  	s31 =	sshll.u32 s1, $0xD;
	s1 =	sshrl.u32 s1, $0x2  }
0xba: {  	s3 =	sand.u32 $0x4000, s31;
	s1 =	sadd.s32 s1, s30  }
0xbb: {  	s0 =	sor.u32 s3, s0;
	s1 =	sshll.u32 s1, $0x11  }
0xbc: {  	s0 =	sor.u32 s1, s0  }
0xbd: {  	s0 =	sadd.s32 $0x8F2B, s0  }
0xbe: {  	[sflag:s0] =	ssyncadd.remote.s32 $0x1  }
0xbf: {  	_ =	sfence.sel $0xFFFF  }
0xc0: {  	[dreg:$0x0] =	wrdreg $0xFFFFFFFF;
	(pc) =	sbr.abs _section_cstart, $3  }
0xc1: {  	[dreg:$0x1] =	wrdreg $0xFFFFFFFF  }
0xc2: {  	_ =	task.clear_ibuf [dreg:s7], $0x2FFFF;
	_ =	strace $0x9FFFFFFF  }
0xc3: {  	(tm) =	ssettm $0x7FFFFFFF  }
tec
execute0_lowered:
.L_overlay_start_1:
0x0: {  	(tag) =	ssettag $0x1  }
0x1: {  	s0 =	rddreg [dreg:$0x0]  }
0x2: {  	s1 =	rddreg [dreg:$0x1]  }
0x3: {  	s2 =	rddreg [dreg:$0x2];
	s3 =	srdreg.scid;
	s4 =	simm.s32 $0x0  }
0x4: {  	s11 =	stileid.u32;
	s28 =	simm.s32 $0x7000;
	s30 =	simm.s32 $0x9800  }
0x5: {  	s31 =	simm.s32 $0x2;
	s13 =	simm.s32 $0x7;
	s3 =	sand.u32 $0x1, s3  }
0x6: {  	[smem:$0x7FF] =	sst s4;
	s7 =	smul.u32 $0x2800, s11;
	s8 =	sadd.s32 $0x14E00, s0  }
0x7: {  	s9 =	sadd.s32 $0xE00, s0;
	s18 =	ssub.s32 $0x8C, s11;
	s23 =	smul.u32 $0xA000, s11  }
0x8: {  	s5 =	smul.u32 $0x138800, s3;
	s6 =	sshll.u32 s3, $0x4;
	s3 =	ssub.s32 $0x2, s3  }
0x9: {  	_ =	strace $0x80000047;
	s6 =	sor.u32 s11, s6;
	s15 =	sshrl.u32 s3, $0x1  }
0xa: {  	s29 =	sshrl.u32 s23, $0x2;
	s23 =	simm.s32 $0x50;
	s11 =	simm.s32 $0x6  }
0xb: {  	s6 =	smul.u32 $0x5000, s6;
	s5 =	sadd.s32 s7, s5;
	s7 =	sshrl.u32 s18, $0x4  }
0xc: {  	s3 =	ssub.s32 s3, s15;
	s14 =	sadd.s32 s29, s2;
	[dreg:$0x10] =	wrdreg s7  }
0xd: {  	s3 =	smax.u32 s3, $0x1;
	[dreg:$0x11] =	wrdreg s14;
	s6 =	sshrl.u32 s6, $0x3  }
0xe: {  	s5 =	sshrl.u32 s5, $0x3;
	[dreg:$0xe] =	wrdreg s3;
	s16 =	sadd.s32 s8, s6  }
0xf: {  	s0 =	sadd.s32 s5, s0;
	s17 =	sadd.s32 s9, s6;
	[dreg:$0x4] =	wrdreg s16  }
0x10: {  	s10 =	sadd.s32 $0x200, s6;
	s0 =	sadd.s32 $0x28E00, s0;
	[dreg:$0x5] =	wrdreg s17  }
0x11: {  	s18 =	simm.s32 $0x1000;
	s19 =	sadd.s32 s8, s10;
	[dreg:$0xf] =	wrdreg s0  }
0x12: {  	s20 =	sadd.s32 $0x400, s6;
	s10 =	sadd.s32 s9, s10;
	[dreg:$0x6] =	wrdreg s19  }
0x13: {  	s15 =	simm.s32 $0x8;
	s21 =	sadd.s32 s8, s20;
	[dreg:$0x7] =	wrdreg s10  }
0x14: {  	s22 =	sadd.s32 $0x600, s6;
	s5 =	sadd.s32 s9, s20;
	[dreg:$0x8] =	wrdreg s21  }
0x15: {  	s6 =	sadd.s32 $0x800, s6;
	s24 =	sadd.s32 s8, s22;
	[dreg:$0x9] =	wrdreg s5  }
0x16: {  	s3 =	simm.s32 $0x3;
	s25 =	sadd.s32 s8, s6;
	[dreg:$0xa] =	wrdreg s24  }
0x17: {  	s26 =	sadd.s32 s9, s6;
	s20 =	simm.s32 $0x2000;
	[dreg:$0xc] =	wrdreg s25  }
0x18: {  	s6 =	simm.s32 $0x4;
	s5 =	sadd.s32 s9, s22;
	[dreg:$0xd] =	wrdreg s26  }
0x19: {  	s21 =	simm.s32 $0x9;
	s22 =	simm.s32 $0x1;
	s25 =	simm.s32 $0x4800  }
0x1a: {  	v0 =	vimm.f32 $0.0e+00;
	s9 =	simm.s32 $0x5;
	s24 =	simm.s32 $0x0;
	[dreg:$0xb] =	wrdreg s5  }
.LBB2_1:
0x1b: {  	s8 =	rddreg [dreg:$0x4];
	s29 =	sand.u32 $0xFE00, s4  }
0x1c: {  	[tilespmem:s4], [sflag:$0x1] =	stream.linear.gather [hbm4b:s8+s4], $0xC80, $0x38;
	[tilespmem:$0x1F880] =	vst v63  }
0x1d: {  	s26 =	rddreg [dreg:$0x5];
	s10 =	sand.u32 $0x70, s4;
	s12 =	sshrl.u32 s29, $0x2  }
0x1e: {  	s8 =	simm.s32 $0x40;
	s12 =	sor.u32 s10, s12;
	s10 =	simm.s32 $0x0  }
0x1f: {  	[tilespmem:s18], [sflag:$0x1] =	stream.linear.gather [hbm4b:s26+s4], $0xC80, $0x38;
	[tilespmem:$0x1F880] =	vst v63  }
.LBB2_2:
0x20: {  	p0 =	sne.s32 s8, $0x9FC0  }
0x21: {  	[tilespmem:s12+$0x2000] =	vst v0;
	s10 =	sadd.s32 $0x10, s10;
	s12 =	smov.u32 s8;
	s8 =	sadd.s32 $0x40, s8  }
.Ltmp0:
0x22: {  	(pc) =	sbr.rel @p0 .LBB2_2-.Ltmp0, $4  }
0x23: {  	_ = 	snop  }
0x24: {  	s12 =	sand.u32 $0xFE00, s12  }
0x25: {  	s17 =	sand.u32 $0x70, s10;
	s12 =	sshrl.u32 s12, $0x2  }
0x26: {  	s12 =	sor.u32 s17, s12  }
0x27: {  	p0 =	sne.s32 s7, $0x1  }
.Ltmp1:
0x28: {  	_ = 	snop;
	(pc) =	sbr.rel @!p0 .LBB2_5-.Ltmp1, $4  }
0x29: {  	[tilespmem:s12+$0x2000] =	vst v0  }
0x2a: {  	[spmem:s14] =	stream.linear.scatter [tilespmem:s20], [sflag:$0x9], $0x2800, $0x38;
	[tilespmem:$0x1F880] =	vst v63  }
0x2b: {  	_ =	swait.ge [sflag:s21], $0x2800  }
0x2c: {  	s8 =	sadd.s32 $0xFFFFFFFF, s7;
	s10 =	smov.u32 s14;
	[sflag:s21] =	ssyncset.done $0x0  }
.LBB2_4:
0x2d: {  	p1 =	sne.s32 s8, $0x1;
	[sflag:s21] =	ssyncadd.s32 $0xFFFFD800;
	s10 =	sadd.s32 $0x28000, s10  }
.Ltmp2:
0x2e: {  	s8 =	sadd.s32 $0xFFFFFFFF, s8;
	(pc) =	sbr.rel @p1 .LBB2_4-.Ltmp2, $4  }
0x2f: {  	_ = 	snop  }
0x30: {  	[spmem:s10] =	stream.linear.scatter [tilespmem:s20], [sflag:$0x9], $0x2800, $0x38;
	[tilespmem:$0x1F880] =	vst v63  }
0x31: {  	_ =	swait.ge [sflag:s21], $0x2800  }
0x32: {  	[sflag:s21] =	ssyncset.done $0x0  }
.LBB2_5:
0x33: {  	[sflag:s21] =	ssyncadd.s32 $0xFFFFD800  }
0x34: {  	[bflag:$0x0] =	sbarrier.arrive $0xFFFF  }
0x35: {  	_ =	swait.ge [sflag:s22], $0xC80  }
0x36: {  	[sflag:s22] =	ssyncset.done $0x0  }
0x37: {  	[sflag:s22] =	ssyncadd.s32 $0xFFFFF380  }
0x38: {  	_ =	swait.ge [sflag:s22], $0xC80  }
0x39: {  	[sflag:s22] =	ssyncset.done $0x0  }
0x3a: {  	[sflag:s22] =	ssyncadd.s32 $0xFFFFF380  }
0x3b: {  	[tilespmem:s20], [sflag:$0x1] =	stream.indirect.gather [hbm4b:s1+s23], $0x80, s4, s23, $0xb8;
	[tilespmem:$0x1F880] =	vst v63  }
0x3c: {  	s0 =	simm.s32 $0x80  }
0x3d: {  	[tilespmem:s25], [sflag:$0x2] =	stream.indirect.gather [hbm4b:s1+s23], $0x80, s0, s23, $0xb8;
	[tilespmem:$0x1F880] =	vst v63  }
0x3e: {  	s12 =	simm.s32 $0x100  }
0x3f: {  	[tilespmem:s28], [sflag:$0x3] =	stream.indirect.gather [hbm4b:s1+s23], $0x80, s12, s23, $0xb8;
	[tilespmem:$0x1F880] =	vst v63  }
0x40: {  	s14 =	simm.s32 $0x180  }
0x41: {  	[tilespmem:s30], [sflag:$0x4] =	stream.indirect.gather [hbm4b:s1+s23], $0x80, s14, s23, $0xb8;
	[tilespmem:$0x1F880] =	vst v63  }
0x42: {  	_ =	swait.ge [sflag:s22], $0x2800  }
0x43: {  	[sflag:s22] =	ssyncset.done $0x0  }
0x44: {  	[sflag:s22] =	ssyncadd.s32 $0xFFFFD800  }
0x45: {  	[spmem:s2] =	stream.indirect.scatter.add.f32 [tilespmem:s20], [sflag:$0x5], $0x80, s18, s23, $0xb8;
	[tilespmem:$0x1F880] =	vst v63  }
0x46: {  	_ =	swait.ge [sflag:s31], $0x2800  }
0x47: {  	[sflag:s31] =	ssyncset.done $0x0  }
0x48: {  	s16 =	simm.s32 $0x1080;
	[sflag:s31] =	ssyncadd.s32 $0xFFFFD800  }
0x49: {  	[spmem:s2] =	stream.indirect.scatter.add.f32 [tilespmem:s25], [sflag:$0x6], $0x80, s16, s23, $0xb8;
	[tilespmem:$0x1F880] =	vst v63  }
0x4a: {  	_ =	swait.ge [sflag:s3], $0x2800  }
0x4b: {  	[sflag:s3] =	ssyncset.done $0x0  }
0x4c: {  	s17 =	simm.s32 $0x1100;
	[sflag:s3] =	ssyncadd.s32 $0xFFFFD800  }
0x4d: {  	[spmem:s2] =	stream.indirect.scatter.add.f32 [tilespmem:s28], [sflag:$0x7], $0x80, s17, s23, $0xb8;
	[tilespmem:$0x1F880] =	vst v63  }
0x4e: {  	_ =	swait.ge [sflag:s6], $0x2800  }
0x4f: {  	[sflag:s6] =	ssyncset.done $0x0  }
0x50: {  	s19 =	simm.s32 $0x1180;
	[sflag:s6] =	ssyncadd.s32 $0xFFFFD800  }
0x51: {  	[spmem:s2] =	stream.indirect.scatter.add.f32 [tilespmem:s30], [sflag:$0x8], $0x80, s19, s23, $0xb8;
	[tilespmem:$0x1F880] =	vst v63  }
0x52: {  	_ =	swait.ge [sflag:s9], $0x2800  }
0x53: {  	[sflag:s9] =	ssyncset.done $0x0  }
0x54: {  	s26 =	simm.s32 $0x200;
	[sflag:s9] =	ssyncadd.s32 $0xFFFFD800  }
0x55: {  	[tilespmem:s20], [sflag:$0x1] =	stream.indirect.gather [hbm4b:s1+s23], $0x80, s26, s23, $0xb8;
	[tilespmem:$0x1F880] =	vst v63  }
0x56: {  	_ =	swait.ge [sflag:s11], $0x2800  }
0x57: {  	[sflag:s11] =	ssyncset.done $0x0  }
0x58: {  	s29 =	simm.s32 $0x280;
	[sflag:s11] =	ssyncadd.s32 $0xFFFFD800  }
0x59: {  	[tilespmem:s25], [sflag:$0x2] =	stream.indirect.gather [hbm4b:s1+s23], $0x80, s29, s23, $0xb8;
	[tilespmem:$0x1F880] =	vst v63  }
0x5a: {  	_ =	swait.ge [sflag:s13], $0x2800  }
0x5b: {  	[sflag:s13] =	ssyncset.done $0x0  }
0x5c: {  	s8 =	simm.s32 $0x300;
	[sflag:s13] =	ssyncadd.s32 $0xFFFFD800  }
0x5d: {  	[tilespmem:s28], [sflag:$0x3] =	stream.indirect.gather [hbm4b:s1+s23], $0x80, s8, s23, $0xb8;
	[tilespmem:$0x1F880] =	vst v63  }
0x5e: {  	_ =	swait.ge [sflag:s15], $0x2800  }
0x5f: {  	[sflag:s15] =	ssyncset.done $0x0  }
0x60: {  	s10 =	simm.s32 $0x380;
	[sflag:s15] =	ssyncadd.s32 $0xFFFFD800  }
0x61: {  	[tilespmem:s30], [sflag:$0x4] =	stream.indirect.gather [hbm4b:s1+s23], $0x80, s10, s23, $0xb8;
	[tilespmem:$0x1F880] =	vst v63  }
0x62: {  	_ =	swait.ge [sflag:s22], $0x2800  }
0x63: {  	[sflag:s22] =	ssyncset.done $0x0  }
0x64: {  	s12 =	simm.s32 $0x1200;
	[sflag:s22] =	ssyncadd.s32 $0xFFFFD800  }
0x65: {  	[spmem:s2] =	stream.indirect.scatter.add.f32 [tilespmem:s20], [sflag:$0x5], $0x80, s12, s23, $0xb8;
	[tilespmem:$0x1F880] =	vst v63  }
0x66: {  	_ =	swait.ge [sflag:s31], $0x2800  }
0x67: {  	[sflag:s31] =	ssyncset.done $0x0  }
0x68: {  	s8 =	simm.s32 $0x1280;
	[sflag:s31] =	ssyncadd.s32 $0xFFFFD800  }
0x69: {  	[spmem:s2] =	stream.indirect.scatter.add.f32 [tilespmem:s25], [sflag:$0x6], $0x80, s8, s23, $0xb8;
	[tilespmem:$0x1F880] =	vst v63  }
0x6a: {  	_ =	swait.ge [sflag:s3], $0x2800  }
0x6b: {  	[sflag:s3] =	ssyncset.done $0x0  }
0x6c: {  	s14 =	simm.s32 $0x1300;
	[sflag:s3] =	ssyncadd.s32 $0xFFFFD800  }
0x6d: {  	[spmem:s2] =	stream.indirect.scatter.add.f32 [tilespmem:s28], [sflag:$0x7], $0x80, s14, s23, $0xb8;
	[tilespmem:$0x1F880] =	vst v63  }
0x6e: {  	_ =	swait.ge [sflag:s6], $0x2800  }
0x6f: {  	[sflag:s6] =	ssyncset.done $0x0  }
0x70: {  	s16 =	simm.s32 $0x1380;
	[sflag:s6] =	ssyncadd.s32 $0xFFFFD800  }
0x71: {  	[spmem:s2] =	stream.indirect.scatter.add.f32 [tilespmem:s30], [sflag:$0x8], $0x80, s16, s23, $0xb8;
	[tilespmem:$0x1F880] =	vst v63  }
0x72: {  	_ =	swait.ge [sflag:s9], $0x2800  }
0x73: {  	[sflag:s9] =	ssyncset.done $0x0  }
0x74: {  	s17 =	simm.s32 $0x400;
	[sflag:s9] =	ssyncadd.s32 $0xFFFFD800  }
0x75: {  	[tilespmem:s20], [sflag:$0x1] =	stream.indirect.gather [hbm4b:s1+s23], $0x80, s17, s23, $0xb8;
	[tilespmem:$0x1F880] =	vst v63  }
0x76: {  	_ =	swait.ge [sflag:s11], $0x2800  }
0x77: {  	[sflag:s11] =	ssyncset.done $0x0  }
0x78: {  	s19 =	simm.s32 $0x480;
	[sflag:s11] =	ssyncadd.s32 $0xFFFFD800  }
0x79: {  	[tilespmem:s25], [sflag:$0x2] =	stream.indirect.gather [hbm4b:s1+s23], $0x80, s19, s23, $0xb8;
	[tilespmem:$0x1F880] =	vst v63  }
0x7a: {  	_ =	swait.ge [sflag:s13], $0x2800  }
0x7b: {  	[sflag:s13] =	ssyncset.done $0x0  }
0x7c: {  	s26 =	simm.s32 $0x500;
	[sflag:s13] =	ssyncadd.s32 $0xFFFFD800  }
0x7d: {  	[tilespmem:s28], [sflag:$0x3] =	stream.indirect.gather [hbm4b:s1+s23], $0x80, s26, s23, $0xb8;
	[tilespmem:$0x1F880] =	vst v63  }
0x7e: {  	_ =	swait.ge [sflag:s15], $0x2800  }
0x7f: {  	[sflag:s15] =	ssyncset.done $0x0  }
0x80: {  	s29 =	simm.s32 $0x580;
	[sflag:s15] =	ssyncadd.s32 $0xFFFFD800  }
0x81: {  	[tilespmem:s30], [sflag:$0x4] =	stream.indirect.gather [hbm4b:s1+s23], $0x80, s29, s23, $0xb8;
	[tilespmem:$0x1F880] =	vst v63  }
0x82: {  	_ =	swait.ge [sflag:s22], $0x2800  }
0x83: {  	[sflag:s22] =	ssyncset.done $0x0  }
0x84: {  	s0 =	simm.s32 $0x1400;
	[sflag:s22] =	ssyncadd.s32 $0xFFFFD800  }
0x85: {  	[spmem:s2] =	stream.indirect.scatter.add.f32 [tilespmem:s20], [sflag:$0x5], $0x80, s0, s23, $0xb8;
	[tilespmem:$0x1F880] =	vst v63  }
0x86: {  	_ =	swait.ge [sflag:s31], $0x2800  }
0x87: {  	[sflag:s31] =	ssyncset.done $0x0  }
0x88: {  	s10 =	simm.s32 $0x1480;
	[sflag:s31] =	ssyncadd.s32 $0xFFFFD800  }
0x89: {  	[spmem:s2] =	stream.indirect.scatter.add.f32 [tilespmem:s25], [sflag:$0x6], $0x80, s10, s23, $0xb8;
	[tilespmem:$0x1F880] =	vst v63  }
0x8a: {  	_ =	swait.ge [sflag:s3], $0x2800  }
0x8b: {  	[sflag:s3] =	ssyncset.done $0x0  }
0x8c: {  	s12 =	simm.s32 $0x1500;
	[sflag:s3] =	ssyncadd.s32 $0xFFFFD800  }
0x8d: {  	[spmem:s2] =	stream.indirect.scatter.add.f32 [tilespmem:s28], [sflag:$0x7], $0x80, s12, s23, $0xb8;
	[tilespmem:$0x1F880] =	vst v63  }
0x8e: {  	_ =	swait.ge [sflag:s6], $0x2800  }
0x8f: {  	[sflag:s6] =	ssyncset.done $0x0  }
0x90: {  	s14 =	simm.s32 $0x1580;
	[sflag:s6] =	ssyncadd.s32 $0xFFFFD800  }
0x91: {  	[spmem:s2] =	stream.indirect.scatter.add.f32 [tilespmem:s30], [sflag:$0x8], $0x80, s14, s23, $0xb8;
	[tilespmem:$0x1F880] =	vst v63  }
0x92: {  	_ =	swait.ge [sflag:s9], $0x2800  }
0x93: {  	[sflag:s9] =	ssyncset.done $0x0  }
0x94: {  	s16 =	simm.s32 $0x600;
	[sflag:s9] =	ssyncadd.s32 $0xFFFFD800  }
0x95: {  	[tilespmem:s20], [sflag:$0x1] =	stream.indirect.gather [hbm4b:s1+s23], $0x80, s16, s23, $0xb8;
	[tilespmem:$0x1F880] =	vst v63  }
0x96: {  	_ =	swait.ge [sflag:s11], $0x2800  }
0x97: {  	[sflag:s11] =	ssyncset.done $0x0  }
0x98: {  	s19 =	simm.s32 $0x680;
	[sflag:s11] =	ssyncadd.s32 $0xFFFFD800  }
0x99: {  	[tilespmem:s25], [sflag:$0x2] =	stream.indirect.gather [hbm4b:s1+s23], $0x80, s19, s23, $0xb8;
	[tilespmem:$0x1F880] =	vst v63  }
0x9a: {  	_ =	swait.ge [sflag:s13], $0x2800  }
0x9b: {  	[sflag:s13] =	ssyncset.done $0x0  }
0x9c: {  	s0 =	simm.s32 $0x700;
	[sflag:s13] =	ssyncadd.s32 $0xFFFFD800  }
0x9d: {  	[tilespmem:s28], [sflag:$0x3] =	stream.indirect.gather [hbm4b:s1+s23], $0x80, s0, s23, $0xb8;
	[tilespmem:$0x1F880] =	vst v63  }
0x9e: {  	_ =	swait.ge [sflag:s15], $0x2800  }
0x9f: {  	[sflag:s15] =	ssyncset.done $0x0  }
0xa0: {  	s10 =	simm.s32 $0x780;
	[sflag:s15] =	ssyncadd.s32 $0xFFFFD800  }
0xa1: {  	[tilespmem:s30], [sflag:$0x4] =	stream.indirect.gather [hbm4b:s1+s23], $0x80, s10, s23, $0xb8;
	[tilespmem:$0x1F880] =	vst v63  }
0xa2: {  	_ =	swait.ge [sflag:s22], $0x2800  }
0xa3: {  	[sflag:s22] =	ssyncset.done $0x0  }
0xa4: {  	s12 =	simm.s32 $0x1600;
	[sflag:s22] =	ssyncadd.s32 $0xFFFFD800  }
0xa5: {  	[spmem:s2] =	stream.indirect.scatter.add.f32 [tilespmem:s20], [sflag:$0x5], $0x80, s12, s23, $0xb8;
	[tilespmem:$0x1F880] =	vst v63  }
0xa6: {  	_ =	swait.ge [sflag:s31], $0x2800  }
0xa7: {  	[sflag:s31] =	ssyncset.done $0x0  }
0xa8: {  	s14 =	simm.s32 $0x1680;
	[sflag:s31] =	ssyncadd.s32 $0xFFFFD800  }
0xa9: {  	[spmem:s2] =	stream.indirect.scatter.add.f32 [tilespmem:s25], [sflag:$0x6], $0x80, s14, s23, $0xb8;
	[tilespmem:$0x1F880] =	vst v63  }
0xaa: {  	_ =	swait.ge [sflag:s3], $0x2800  }
0xab: {  	[sflag:s3] =	ssyncset.done $0x0  }
0xac: {  	s16 =	simm.s32 $0x1700;
	[sflag:s3] =	ssyncadd.s32 $0xFFFFD800  }
0xad: {  	[spmem:s2] =	stream.indirect.scatter.add.f32 [tilespmem:s28], [sflag:$0x7], $0x80, s16, s23, $0xb8;
	[tilespmem:$0x1F880] =	vst v63  }
0xae: {  	_ =	swait.ge [sflag:s6], $0x2800  }
0xaf: {  	[sflag:s6] =	ssyncset.done $0x0  }
0xb0: {  	s19 =	simm.s32 $0x1780;
	[sflag:s6] =	ssyncadd.s32 $0xFFFFD800  }
0xb1: {  	[spmem:s2] =	stream.indirect.scatter.add.f32 [tilespmem:s30], [sflag:$0x8], $0x80, s19, s23, $0xb8;
	[tilespmem:$0x1F880] =	vst v63  }
0xb2: {  	_ =	swait.ge [sflag:s9], $0x2800  }
0xb3: {  	[sflag:s9] =	ssyncset.done $0x0  }
0xb4: {  	s0 =	simm.s32 $0x800;
	[sflag:s9] =	ssyncadd.s32 $0xFFFFD800  }
0xb5: {  	[tilespmem:s20], [sflag:$0x1] =	stream.indirect.gather [hbm4b:s1+s23], $0x80, s0, s23, $0xb8;
	[tilespmem:$0x1F880] =	vst v63  }
0xb6: {  	_ =	swait.ge [sflag:s11], $0x2800  }
0xb7: {  	[sflag:s11] =	ssyncset.done $0x0  }
0xb8: {  	s10 =	simm.s32 $0x880;
	[sflag:s11] =	ssyncadd.s32 $0xFFFFD800  }
0xb9: {  	[tilespmem:s25], [sflag:$0x2] =	stream.indirect.gather [hbm4b:s1+s23], $0x80, s10, s23, $0xb8;
	[tilespmem:$0x1F880] =	vst v63  }
0xba: {  	_ =	swait.ge [sflag:s13], $0x2800  }
0xbb: {  	[sflag:s13] =	ssyncset.done $0x0  }
0xbc: {  	s12 =	simm.s32 $0x900;
	[sflag:s13] =	ssyncadd.s32 $0xFFFFD800  }
0xbd: {  	[tilespmem:s28], [sflag:$0x3] =	stream.indirect.gather [hbm4b:s1+s23], $0x80, s12, s23, $0xb8;
	[tilespmem:$0x1F880] =	vst v63  }
0xbe: {  	_ =	swait.ge [sflag:s15], $0x2800  }
0xbf: {  	[sflag:s15] =	ssyncset.done $0x0  }
0xc0: {  	s14 =	simm.s32 $0x980;
	[sflag:s15] =	ssyncadd.s32 $0xFFFFD800  }
0xc1: {  	[tilespmem:s30], [sflag:$0x4] =	stream.indirect.gather [hbm4b:s1+s23], $0x80, s14, s23, $0xb8;
	[tilespmem:$0x1F880] =	vst v63  }
0xc2: {  	_ =	swait.ge [sflag:s22], $0x2800  }
0xc3: {  	[sflag:s22] =	ssyncset.done $0x0  }
0xc4: {  	s16 =	simm.s32 $0x1800;
	[sflag:s22] =	ssyncadd.s32 $0xFFFFD800  }
0xc5: {  	[spmem:s2] =	stream.indirect.scatter.add.f32 [tilespmem:s20], [sflag:$0x5], $0x80, s16, s23, $0xb8;
	[tilespmem:$0x1F880] =	vst v63  }
0xc6: {  	_ =	swait.ge [sflag:s31], $0x2800  }
0xc7: {  	[sflag:s31] =	ssyncset.done $0x0  }
0xc8: {  	s19 =	simm.s32 $0x1880;
	[sflag:s31] =	ssyncadd.s32 $0xFFFFD800  }
0xc9: {  	[spmem:s2] =	stream.indirect.scatter.add.f32 [tilespmem:s25], [sflag:$0x6], $0x80, s19, s23, $0xb8;
	[tilespmem:$0x1F880] =	vst v63  }
0xca: {  	_ =	swait.ge [sflag:s3], $0x2800  }
0xcb: {  	[sflag:s3] =	ssyncset.done $0x0  }
0xcc: {  	s0 =	simm.s32 $0x1900;
	[sflag:s3] =	ssyncadd.s32 $0xFFFFD800  }
0xcd: {  	[spmem:s2] =	stream.indirect.scatter.add.f32 [tilespmem:s28], [sflag:$0x7], $0x80, s0, s23, $0xb8;
	[tilespmem:$0x1F880] =	vst v63  }
0xce: {  	_ =	swait.ge [sflag:s6], $0x2800  }
0xcf: {  	[sflag:s6] =	ssyncset.done $0x0  }
0xd0: {  	s10 =	simm.s32 $0x1980;
	[sflag:s6] =	ssyncadd.s32 $0xFFFFD800  }
0xd1: {  	[spmem:s2] =	stream.indirect.scatter.add.f32 [tilespmem:s30], [sflag:$0x8], $0x80, s10, s23, $0xb8;
	[tilespmem:$0x1F880] =	vst v63  }
0xd2: {  	_ =	swait.ge [sflag:s9], $0x2800  }
0xd3: {  	[sflag:s9] =	ssyncset.done $0x0  }
0xd4: {  	s12 =	simm.s32 $0xA00;
	[sflag:s9] =	ssyncadd.s32 $0xFFFFD800  }
0xd5: {  	[tilespmem:s20], [sflag:$0x1] =	stream.indirect.gather [hbm4b:s1+s23], $0x80, s12, s23, $0xb8;
	[tilespmem:$0x1F880] =	vst v63  }
0xd6: {  	_ =	swait.ge [sflag:s11], $0x2800  }
0xd7: {  	[sflag:s11] =	ssyncset.done $0x0  }
0xd8: {  	s14 =	simm.s32 $0xA80;
	[sflag:s11] =	ssyncadd.s32 $0xFFFFD800  }
0xd9: {  	[tilespmem:s25], [sflag:$0x2] =	stream.indirect.gather [hbm4b:s1+s23], $0x80, s14, s23, $0xb8;
	[tilespmem:$0x1F880] =	vst v63  }
0xda: {  	_ =	swait.ge [sflag:s13], $0x2800  }
0xdb: {  	[sflag:s13] =	ssyncset.done $0x0  }
0xdc: {  	s16 =	simm.s32 $0xB00;
	[sflag:s13] =	ssyncadd.s32 $0xFFFFD800  }
0xdd: {  	[tilespmem:s28], [sflag:$0x3] =	stream.indirect.gather [hbm4b:s1+s23], $0x80, s16, s23, $0xb8;
	[tilespmem:$0x1F880] =	vst v63  }
0xde: {  	_ =	swait.ge [sflag:s15], $0x2800  }
0xdf: {  	[sflag:s15] =	ssyncset.done $0x0  }
0xe0: {  	s19 =	simm.s32 $0xB80;
	[sflag:s15] =	ssyncadd.s32 $0xFFFFD800  }
0xe1: {  	[tilespmem:s30], [sflag:$0x4] =	stream.indirect.gather [hbm4b:s1+s23], $0x80, s19, s23, $0xb8;
	[tilespmem:$0x1F880] =	vst v63  }
0xe2: {  	_ =	swait.ge [sflag:s22], $0x2800  }
0xe3: {  	[sflag:s22] =	ssyncset.done $0x0  }
0xe4: {  	s0 =	simm.s32 $0x1A00;
	[sflag:s22] =	ssyncadd.s32 $0xFFFFD800  }
0xe5: {  	[spmem:s2] =	stream.indirect.scatter.add.f32 [tilespmem:s20], [sflag:$0x5], $0x80, s0, s23, $0xb8;
	[tilespmem:$0x1F880] =	vst v63  }
0xe6: {  	_ =	swait.ge [sflag:s31], $0x2800  }
0xe7: {  	[sflag:s31] =	ssyncset.done $0x0  }
0xe8: {  	s10 =	simm.s32 $0x1A80;
	[sflag:s31] =	ssyncadd.s32 $0xFFFFD800  }
0xe9: {  	[spmem:s2] =	stream.indirect.scatter.add.f32 [tilespmem:s25], [sflag:$0x6], $0x80, s10, s23, $0xb8;
	[tilespmem:$0x1F880] =	vst v63  }
0xea: {  	_ =	swait.ge [sflag:s3], $0x2800  }
0xeb: {  	[sflag:s3] =	ssyncset.done $0x0  }
0xec: {  	s12 =	simm.s32 $0x1B00;
	[sflag:s3] =	ssyncadd.s32 $0xFFFFD800  }
0xed: {  	[spmem:s2] =	stream.indirect.scatter.add.f32 [tilespmem:s28], [sflag:$0x7], $0x80, s12, s23, $0xb8;
	[tilespmem:$0x1F880] =	vst v63  }
0xee: {  	_ =	swait.ge [sflag:s6], $0x2800  }
0xef: {  	[sflag:s6] =	ssyncset.done $0x0  }
0xf0: {  	s14 =	simm.s32 $0x1B80;
	[sflag:s6] =	ssyncadd.s32 $0xFFFFD800  }
0xf1: {  	[spmem:s2] =	stream.indirect.scatter.add.f32 [tilespmem:s30], [sflag:$0x8], $0x80, s14, s23, $0xb8;
	[tilespmem:$0x1F880] =	vst v63  }
0xf2: {  	_ =	swait.ge [sflag:s9], $0x2800  }
0xf3: {  	[sflag:s9] =	ssyncset.done $0x0  }
0xf4: {  	s16 =	simm.s32 $0xC00;
	[sflag:s9] =	ssyncadd.s32 $0xFFFFD800  }
0xf5: {  	[tilespmem:s20], [sflag:$0x1] =	stream.indirect.gather [hbm4b:s1+s23], $0x80, s16, s23, $0xb8;
	[tilespmem:$0x1F880] =	vst v63  }
0xf6: {  	_ =	swait.ge [sflag:s22], $0x2800  }
0xf7: {  	[sflag:s22] =	ssyncset.done $0x0  }
0xf8: {  	s19 =	simm.s32 $0x1C00;
	[sflag:s22] =	ssyncadd.s32 $0xFFFFD800  }
0xf9: {  	[spmem:s2] =	stream.indirect.scatter.add.f32 [tilespmem:s20], [sflag:$0x5], $0x80, s19, s23, $0xb8;
	[tilespmem:$0x1F880] =	vst v63  }
0xfa: {  	_ =	swait.ge [sflag:s9], $0x2800  }
0xfb: {  	[sflag:s9] =	ssyncset.done $0x0  }
0xfc: {  	[sflag:s9] =	ssyncadd.s32 $0xFFFFD800  }
0xfd: {  	_ =	swait.ge [sflag:s11], $0x2800  }
0xfe: {  	[sflag:s11] =	ssyncset.done $0x0  }
0xff: {  	[sflag:s11] =	ssyncadd.s32 $0xFFFFD800  }
0x100: {  	_ =	swait.ge [sflag:s13], $0x2800  }
0x101: {  	[sflag:s13] =	ssyncset.done $0x0  }
0x102: {  	[sflag:s13] =	ssyncadd.s32 $0xFFFFD800  }
0x103: {  	_ =	swait.ge [sflag:s15], $0x2800  }
0x104: {  	[sflag:s15] =	ssyncset.done $0x0  }
0x105: {  	s0 =	rddreg [dreg:$0x6];
	[sflag:s15] =	ssyncadd.s32 $0xFFFFD800  }
0x106: {  	[tilespmem:s4], [sflag:$0x9] =	stream.linear.gather [hbm4b:s0+s4], $0xC80, $0x38;
	[tilespmem:$0x1F880] =	vst v63  }
0x107: {  	_ =	swait.ge [sflag:s21], $0xC80  }
0x108: {  	[sflag:s21] =	ssyncset.done $0x0  }
0x109: {  	s10 =	rddreg [dreg:$0x7];
	[sflag:s21] =	ssyncadd.s32 $0xFFFFF380  }
0x10a: {  	[tilespmem:s18], [sflag:$0x9] =	stream.linear.gather [hbm4b:s10+s4], $0xC80, $0x38;
	[tilespmem:$0x1F880] =	vst v63  }
0x10b: {  	_ =	swait.ge [sflag:s21], $0xC80  }
0x10c: {  	[sflag:s21] =	ssyncset.done $0x0  }
0x10d: {  	[sflag:s21] =	ssyncadd.s32 $0xFFFFF380  }
0x10e: {  	[tilespmem:s20], [sflag:$0x1] =	stream.indirect.gather [hbm4b:s1+s23], $0x80, s4, s23, $0xb8;
	[tilespmem:$0x1F880] =	vst v63  }
0x10f: {  	s19 =	simm.s32 $0x80  }
0x110: {  	[tilespmem:s25], [sflag:$0x2] =	stream.indirect.gather [hbm4b:s1+s23], $0x80, s19, s23, $0xb8;
	[tilespmem:$0x1F880] =	vst v63  }
0x111: {  	s18 =	simm.s32 $0x100  }
0x112: {  	[tilespmem:s28], [sflag:$0x3] =	stream.indirect.gather [hbm4b:s1+s23], $0x80, s18, s23, $0xb8;
	[tilespmem:$0x1F880] =	vst v63  }
0x113: {  	s10 =	simm.s32 $0x180  }
0x114: {  	[tilespmem:s30], [sflag:$0x4] =	stream.indirect.gather [hbm4b:s1+s23], $0x80, s10, s23, $0xb8;
	[tilespmem:$0x1F880] =	vst v63  }
0x115: {  	_ =	swait.ge [sflag:s22], $0x2800  }
0x116: {  	[sflag:s22] =	ssyncset.done $0x0  }
0x117: {  	s0 =	simm.s32 $0x1000;
	[sflag:s22] =	ssyncadd.s32 $0xFFFFD800  }
0x118: {  	[spmem:s2] =	stream.indirect.scatter.add.f32 [tilespmem:s20], [sflag:$0x5], $0x80, s0, s23, $0xb8;
	[tilespmem:$0x1F880] =	vst v63  }
0x119: {  	_ =	swait.ge [sflag:s31], $0x2800  }
0x11a: {  	[sflag:s31] =	ssyncset.done $0x0  }
0x11b: {  	s12 =	simm.s32 $0x1080;
	[sflag:s31] =	ssyncadd.s32 $0xFFFFD800  }
0x11c: {  	[spmem:s2] =	stream.indirect.scatter.add.f32 [tilespmem:s25], [sflag:$0x6], $0x80, s12, s23, $0xb8;
	[tilespmem:$0x1F880] =	vst v63  }
0x11d: {  	_ =	swait.ge [sflag:s3], $0x2800  }
0x11e: {  	[sflag:s3] =	ssyncset.done $0x0  }
0x11f: {  	s5 =	simm.s32 $0x1100;
	[sflag:s3] =	ssyncadd.s32 $0xFFFFD800  }
0x120: {  	[spmem:s2] =	stream.indirect.scatter.add.f32 [tilespmem:s28], [sflag:$0x7], $0x80, s5, s23, $0xb8;
	[tilespmem:$0x1F880] =	vst v63  }
0x121: {  	_ =	swait.ge [sflag:s6], $0x2800  }
0x122: {  	[sflag:s6] =	ssyncset.done $0x0  }
0x123: {  	s7 =	simm.s32 $0x1180;
	[sflag:s6] =	ssyncadd.s32 $0xFFFFD800  }
0x124: {  	[spmem:s2] =	stream.indirect.scatter.add.f32 [tilespmem:s30], [sflag:$0x8], $0x80, s7, s23, $0xb8;
	[tilespmem:$0x1F880] =	vst v63  }
0x125: {  	_ =	swait.ge [sflag:s9], $0x2800  }
0x126: {  	[sflag:s9] =	ssyncset.done $0x0  }
0x127: {  	s14 =	simm.s32 $0x200;
	[sflag:s9] =	ssyncadd.s32 $0xFFFFD800  }
0x128: {  	[tilespmem:s20], [sflag:$0x1] =	stream.indirect.gather [hbm4b:s1+s23], $0x80, s14, s23, $0xb8;
	[tilespmem:$0x1F880] =	vst v63  }
0x129: {  	_ =	swait.ge [sflag:s11], $0x2800  }
0x12a: {  	[sflag:s11] =	ssyncset.done $0x0  }
0x12b: {  	s16 =	simm.s32 $0x280;
	[sflag:s11] =	ssyncadd.s32 $0xFFFFD800  }
0x12c: {  	[tilespmem:s25], [sflag:$0x2] =	stream.indirect.gather [hbm4b:s1+s23], $0x80, s16, s23, $0xb8;
	[tilespmem:$0x1F880] =	vst v63  }
0x12d: {  	_ =	swait.ge [sflag:s13], $0x2800  }
0x12e: {  	[sflag:s13] =	ssyncset.done $0x0  }
0x12f: {  	s5 =	simm.s32 $0x300;
	[sflag:s13] =	ssyncadd.s32 $0xFFFFD800  }
0x130: {  	[tilespmem:s28], [sflag:$0x3] =	stream.indirect.gather [hbm4b:s1+s23], $0x80, s5, s23, $0xb8;
	[tilespmem:$0x1F880] =	vst v63  }
0x131: {  	_ =	swait.ge [sflag:s15], $0x2800  }
0x132: {  	[sflag:s15] =	ssyncset.done $0x0  }
0x133: {  	s7 =	simm.s32 $0x380;
	[sflag:s15] =	ssyncadd.s32 $0xFFFFD800  }
0x134: {  	[tilespmem:s30], [sflag:$0x4] =	stream.indirect.gather [hbm4b:s1+s23], $0x80, s7, s23, $0xb8;
	[tilespmem:$0x1F880] =	vst v63  }
0x135: {  	_ =	swait.ge [sflag:s22], $0x2800  }
0x136: {  	[sflag:s22] =	ssyncset.done $0x0  }
0x137: {  	s8 =	simm.s32 $0x1200;
	[sflag:s22] =	ssyncadd.s32 $0xFFFFD800  }
0x138: {  	[spmem:s2] =	stream.indirect.scatter.add.f32 [tilespmem:s20], [sflag:$0x5], $0x80, s8, s23, $0xb8;
	[tilespmem:$0x1F880] =	vst v63  }
0x139: {  	_ =	swait.ge [sflag:s31], $0x2800  }
0x13a: {  	[sflag:s31] =	ssyncset.done $0x0  }
0x13b: {  	s8 =	simm.s32 $0x1280;
	[sflag:s31] =	ssyncadd.s32 $0xFFFFD800  }
0x13c: {  	[spmem:s2] =	stream.indirect.scatter.add.f32 [tilespmem:s25], [sflag:$0x6], $0x80, s8, s23, $0xb8;
	[tilespmem:$0x1F880] =	vst v63  }
0x13d: {  	_ =	swait.ge [sflag:s3], $0x2800  }
0x13e: {  	[sflag:s3] =	ssyncset.done $0x0  }
0x13f: {  	s8 =	simm.s32 $0x1300;
	[sflag:s3] =	ssyncadd.s32 $0xFFFFD800  }
0x140: {  	[spmem:s2] =	stream.indirect.scatter.add.f32 [tilespmem:s28], [sflag:$0x7], $0x80, s8, s23, $0xb8;
	[tilespmem:$0x1F880] =	vst v63  }
0x141: {  	_ =	swait.ge [sflag:s6], $0x2800  }
0x142: {  	[sflag:s6] =	ssyncset.done $0x0  }
0x143: {  	s8 =	simm.s32 $0x1380;
	[sflag:s6] =	ssyncadd.s32 $0xFFFFD800  }
0x144: {  	[spmem:s2] =	stream.indirect.scatter.add.f32 [tilespmem:s30], [sflag:$0x8], $0x80, s8, s23, $0xb8;
	[tilespmem:$0x1F880] =	vst v63  }
0x145: {  	_ =	swait.ge [sflag:s9], $0x2800  }
0x146: {  	[sflag:s9] =	ssyncset.done $0x0  }
0x147: {  	s8 =	simm.s32 $0x400;
	[sflag:s9] =	ssyncadd.s32 $0xFFFFD800  }
0x148: {  	[tilespmem:s20], [sflag:$0x1] =	stream.indirect.gather [hbm4b:s1+s23], $0x80, s8, s23, $0xb8;
	[tilespmem:$0x1F880] =	vst v63  }
0x149: {  	_ =	swait.ge [sflag:s11], $0x2800  }
0x14a: {  	[sflag:s11] =	ssyncset.done $0x0  }
0x14b: {  	s8 =	simm.s32 $0x480;
	[sflag:s11] =	ssyncadd.s32 $0xFFFFD800  }
0x14c: {  	[tilespmem:s25], [sflag:$0x2] =	stream.indirect.gather [hbm4b:s1+s23], $0x80, s8, s23, $0xb8;
	[tilespmem:$0x1F880] =	vst v63  }
0x14d: {  	_ =	swait.ge [sflag:s13], $0x2800  }
0x14e: {  	[sflag:s13] =	ssyncset.done $0x0  }
0x14f: {  	s8 =	simm.s32 $0x500;
	[sflag:s13] =	ssyncadd.s32 $0xFFFFD800  }
0x150: {  	[tilespmem:s28], [sflag:$0x3] =	stream.indirect.gather [hbm4b:s1+s23], $0x80, s8, s23, $0xb8;
	[tilespmem:$0x1F880] =	vst v63  }
0x151: {  	_ =	swait.ge [sflag:s15], $0x2800  }
0x152: {  	[sflag:s15] =	ssyncset.done $0x0  }
0x153: {  	s17 =	simm.s32 $0x580;
	[sflag:s15] =	ssyncadd.s32 $0xFFFFD800  }
0x154: {  	[tilespmem:s30], [sflag:$0x4] =	stream.indirect.gather [hbm4b:s1+s23], $0x80, s17, s23, $0xb8;
	[tilespmem:$0x1F880] =	vst v63  }
0x155: {  	_ =	swait.ge [sflag:s22], $0x2800  }
0x156: {  	[sflag:s22] =	ssyncset.done $0x0  }
0x157: {  	s8 =	simm.s32 $0x1400;
	[sflag:s22] =	ssyncadd.s32 $0xFFFFD800  }
0x158: {  	[spmem:s2] =	stream.indirect.scatter.add.f32 [tilespmem:s20], [sflag:$0x5], $0x80, s8, s23, $0xb8;
	[tilespmem:$0x1F880] =	vst v63  }
0x159: {  	_ =	swait.ge [sflag:s31], $0x2800  }
0x15a: {  	[sflag:s31] =	ssyncset.done $0x0  }
0x15b: {  	s26 =	simm.s32 $0x1480;
	[sflag:s31] =	ssyncadd.s32 $0xFFFFD800  }
0x15c: {  	[spmem:s2] =	stream.indirect.scatter.add.f32 [tilespmem:s25], [sflag:$0x6], $0x80, s26, s23, $0xb8;
	[tilespmem:$0x1F880] =	vst v63  }
0x15d: {  	_ =	swait.ge [sflag:s3], $0x2800  }
0x15e: {  	[sflag:s3] =	ssyncset.done $0x0  }
0x15f: {  	s29 =	simm.s32 $0x1500;
	[sflag:s3] =	ssyncadd.s32 $0xFFFFD800  }
0x160: {  	[spmem:s2] =	stream.indirect.scatter.add.f32 [tilespmem:s28], [sflag:$0x7], $0x80, s29, s23, $0xb8;
	[tilespmem:$0x1F880] =	vst v63  }
0x161: {  	_ =	swait.ge [sflag:s6], $0x2800  }
0x162: {  	[sflag:s6] =	ssyncset.done $0x0  }
0x163: {  	s8 =	simm.s32 $0x1580;
	[sflag:s6] =	ssyncadd.s32 $0xFFFFD800  }
0x164: {  	[spmem:s2] =	stream.indirect.scatter.add.f32 [tilespmem:s30], [sflag:$0x8], $0x80, s8, s23, $0xb8;
	[tilespmem:$0x1F880] =	vst v63  }
0x165: {  	_ =	swait.ge [sflag:s9], $0x2800  }
0x166: {  	[sflag:s9] =	ssyncset.done $0x0  }
0x167: {  	s8 =	simm.s32 $0x600;
	[sflag:s9] =	ssyncadd.s32 $0xFFFFD800  }
0x168: {  	[tilespmem:s20], [sflag:$0x1] =	stream.indirect.gather [hbm4b:s1+s23], $0x80, s8, s23, $0xb8;
	[tilespmem:$0x1F880] =	vst v63  }
0x169: {  	_ =	swait.ge [sflag:s11], $0x2800  }
0x16a: {  	[sflag:s11] =	ssyncset.done $0x0  }
0x16b: {  	s8 =	simm.s32 $0x680;
	[sflag:s11] =	ssyncadd.s32 $0xFFFFD800  }
0x16c: {  	[tilespmem:s25], [sflag:$0x2] =	stream.indirect.gather [hbm4b:s1+s23], $0x80, s8, s23, $0xb8;
	[tilespmem:$0x1F880] =	vst v63  }
0x16d: {  	_ =	swait.ge [sflag:s13], $0x2800  }
0x16e: {  	[sflag:s13] =	ssyncset.done $0x0  }
0x16f: {  	s8 =	simm.s32 $0x700;
	[sflag:s13] =	ssyncadd.s32 $0xFFFFD800  }
0x170: {  	[tilespmem:s28], [sflag:$0x3] =	stream.indirect.gather [hbm4b:s1+s23], $0x80, s8, s23, $0xb8;
	[tilespmem:$0x1F880] =	vst v63  }
0x171: {  	_ =	swait.ge [sflag:s15], $0x2800  }
0x172: {  	[sflag:s15] =	ssyncset.done $0x0  }
0x173: {  	s8 =	simm.s32 $0x780;
	[sflag:s15] =	ssyncadd.s32 $0xFFFFD800  }
0x174: {  	[tilespmem:s30], [sflag:$0x4] =	stream.indirect.gather [hbm4b:s1+s23], $0x80, s8, s23, $0xb8;
	[tilespmem:$0x1F880] =	vst v63  }
0x175: {  	_ =	swait.ge [sflag:s22], $0x2800  }
0x176: {  	[sflag:s22] =	ssyncset.done $0x0  }
0x177: {  	s8 =	simm.s32 $0x1600;
	[sflag:s22] =	ssyncadd.s32 $0xFFFFD800  }
0x178: {  	[spmem:s2] =	stream.indirect.scatter.add.f32 [tilespmem:s20], [sflag:$0x5], $0x80, s8, s23, $0xb8;
	[tilespmem:$0x1F880] =	vst v63  }
0x179: {  	_ =	swait.ge [sflag:s31], $0x2800  }
0x17a: {  	[sflag:s31] =	ssyncset.done $0x0  }
0x17b: {  	s8 =	simm.s32 $0x1680;
	[sflag:s31] =	ssyncadd.s32 $0xFFFFD800  }
0x17c: {  	[spmem:s2] =	stream.indirect.scatter.add.f32 [tilespmem:s25], [sflag:$0x6], $0x80, s8, s23, $0xb8;
	[tilespmem:$0x1F880] =	vst v63  }
0x17d: {  	_ =	swait.ge [sflag:s3], $0x2800  }
0x17e: {  	[sflag:s3] =	ssyncset.done $0x0  }
0x17f: {  	s8 =	simm.s32 $0x1700;
	[sflag:s3] =	ssyncadd.s32 $0xFFFFD800  }
0x180: {  	[spmem:s2] =	stream.indirect.scatter.add.f32 [tilespmem:s28], [sflag:$0x7], $0x80, s8, s23, $0xb8;
	[tilespmem:$0x1F880] =	vst v63  }
0x181: {  	_ =	swait.ge [sflag:s6], $0x2800  }
0x182: {  	[sflag:s6] =	ssyncset.done $0x0  }
0x183: {  	s8 =	simm.s32 $0x1780;
	[sflag:s6] =	ssyncadd.s32 $0xFFFFD800  }
0x184: {  	[spmem:s2] =	stream.indirect.scatter.add.f32 [tilespmem:s30], [sflag:$0x8], $0x80, s8, s23, $0xb8;
	[tilespmem:$0x1F880] =	vst v63  }
0x185: {  	_ =	swait.ge [sflag:s9], $0x2800  }
0x186: {  	[sflag:s9] =	ssyncset.done $0x0  }
0x187: {  	s8 =	simm.s32 $0x800;
	[sflag:s9] =	ssyncadd.s32 $0xFFFFD800  }
0x188: {  	[tilespmem:s20], [sflag:$0x1] =	stream.indirect.gather [hbm4b:s1+s23], $0x80, s8, s23, $0xb8;
	[tilespmem:$0x1F880] =	vst v63  }
0x189: {  	_ =	swait.ge [sflag:s11], $0x2800  }
0x18a: {  	[sflag:s11] =	ssyncset.done $0x0  }
0x18b: {  	s8 =	simm.s32 $0x880;
	[sflag:s11] =	ssyncadd.s32 $0xFFFFD800  }
0x18c: {  	[tilespmem:s25], [sflag:$0x2] =	stream.indirect.gather [hbm4b:s1+s23], $0x80, s8, s23, $0xb8;
	[tilespmem:$0x1F880] =	vst v63  }
0x18d: {  	_ =	swait.ge [sflag:s13], $0x2800  }
0x18e: {  	[sflag:s13] =	ssyncset.done $0x0  }
0x18f: {  	s8 =	simm.s32 $0x900;
	[sflag:s13] =	ssyncadd.s32 $0xFFFFD800  }
0x190: {  	[tilespmem:s28], [sflag:$0x3] =	stream.indirect.gather [hbm4b:s1+s23], $0x80, s8, s23, $0xb8;
	[tilespmem:$0x1F880] =	vst v63  }
0x191: {  	_ =	swait.ge [sflag:s15], $0x2800  }
0x192: {  	[sflag:s15] =	ssyncset.done $0x0  }
0x193: {  	s8 =	simm.s32 $0x980;
	[sflag:s15] =	ssyncadd.s32 $0xFFFFD800  }
0x194: {  	[tilespmem:s30], [sflag:$0x4] =	stream.indirect.gather [hbm4b:s1+s23], $0x80, s8, s23, $0xb8;
	[tilespmem:$0x1F880] =	vst v63  }
0x195: {  	_ =	swait.ge [sflag:s22], $0x2800  }
0x196: {  	[sflag:s22] =	ssyncset.done $0x0  }
0x197: {  	s8 =	simm.s32 $0x1800;
	[sflag:s22] =	ssyncadd.s32 $0xFFFFD800  }
0x198: {  	[spmem:s2] =	stream.indirect.scatter.add.f32 [tilespmem:s20], [sflag:$0x5], $0x80, s8, s23, $0xb8;
	[tilespmem:$0x1F880] =	vst v63  }
0x199: {  	_ =	swait.ge [sflag:s31], $0x2800  }
0x19a: {  	[sflag:s31] =	ssyncset.done $0x0  }
0x19b: {  	s8 =	simm.s32 $0x1880;
	[sflag:s31] =	ssyncadd.s32 $0xFFFFD800  }
0x19c: {  	[spmem:s2] =	stream.indirect.scatter.add.f32 [tilespmem:s25], [sflag:$0x6], $0x80, s8, s23, $0xb8;
	[tilespmem:$0x1F880] =	vst v63  }
0x19d: {  	_ =	swait.ge [sflag:s3], $0x2800  }
0x19e: {  	[sflag:s3] =	ssyncset.done $0x0  }
0x19f: {  	s8 =	simm.s32 $0x1900;
	[sflag:s3] =	ssyncadd.s32 $0xFFFFD800  }
0x1a0: {  	[spmem:s2] =	stream.indirect.scatter.add.f32 [tilespmem:s28], [sflag:$0x7], $0x80, s8, s23, $0xb8;
	[tilespmem:$0x1F880] =	vst v63  }
0x1a1: {  	_ =	swait.ge [sflag:s6], $0x2800  }
0x1a2: {  	[sflag:s6] =	ssyncset.done $0x0  }
0x1a3: {  	s8 =	simm.s32 $0x1980;
	[sflag:s6] =	ssyncadd.s32 $0xFFFFD800  }
0x1a4: {  	[spmem:s2] =	stream.indirect.scatter.add.f32 [tilespmem:s30], [sflag:$0x8], $0x80, s8, s23, $0xb8;
	[tilespmem:$0x1F880] =	vst v63  }
0x1a5: {  	_ =	swait.ge [sflag:s9], $0x2800  }
0x1a6: {  	[sflag:s9] =	ssyncset.done $0x0  }
0x1a7: {  	s8 =	simm.s32 $0xA00;
	[sflag:s9] =	ssyncadd.s32 $0xFFFFD800  }
0x1a8: {  	[tilespmem:s20], [sflag:$0x1] =	stream.indirect.gather [hbm4b:s1+s23], $0x80, s8, s23, $0xb8;
	[tilespmem:$0x1F880] =	vst v63  }
0x1a9: {  	_ =	swait.ge [sflag:s11], $0x2800  }
0x1aa: {  	[sflag:s11] =	ssyncset.done $0x0  }
0x1ab: {  	s8 =	simm.s32 $0xA80;
	[sflag:s11] =	ssyncadd.s32 $0xFFFFD800  }
0x1ac: {  	[tilespmem:s25], [sflag:$0x2] =	stream.indirect.gather [hbm4b:s1+s23], $0x80, s8, s23, $0xb8;
	[tilespmem:$0x1F880] =	vst v63  }
0x1ad: {  	_ =	swait.ge [sflag:s13], $0x2800  }
0x1ae: {  	[sflag:s13] =	ssyncset.done $0x0  }
0x1af: {  	s8 =	simm.s32 $0xB00;
	[sflag:s13] =	ssyncadd.s32 $0xFFFFD800  }
0x1b0: {  	[tilespmem:s28], [sflag:$0x3] =	stream.indirect.gather [hbm4b:s1+s23], $0x80, s8, s23, $0xb8;
	[tilespmem:$0x1F880] =	vst v63  }
0x1b1: {  	_ =	swait.ge [sflag:s15], $0x2800  }
0x1b2: {  	[sflag:s15] =	ssyncset.done $0x0  }
0x1b3: {  	s8 =	simm.s32 $0xB80;
	[sflag:s15] =	ssyncadd.s32 $0xFFFFD800  }
0x1b4: {  	[tilespmem:s30], [sflag:$0x4] =	stream.indirect.gather [hbm4b:s1+s23], $0x80, s8, s23, $0xb8;
	[tilespmem:$0x1F880] =	vst v63  }
0x1b5: {  	_ =	swait.ge [sflag:s22], $0x2800  }
0x1b6: {  	[sflag:s22] =	ssyncset.done $0x0  }
0x1b7: {  	s8 =	simm.s32 $0x1A00;
	[sflag:s22] =	ssyncadd.s32 $0xFFFFD800  }
0x1b8: {  	[spmem:s2] =	stream.indirect.scatter.add.f32 [tilespmem:s20], [sflag:$0x5], $0x80, s8, s23, $0xb8;
	[tilespmem:$0x1F880] =	vst v63  }
0x1b9: {  	_ =	swait.ge [sflag:s31], $0x2800  }
0x1ba: {  	[sflag:s31] =	ssyncset.done $0x0  }
0x1bb: {  	s8 =	simm.s32 $0x1A80;
	[sflag:s31] =	ssyncadd.s32 $0xFFFFD800  }
0x1bc: {  	[spmem:s2] =	stream.indirect.scatter.add.f32 [tilespmem:s25], [sflag:$0x6], $0x80, s8, s23, $0xb8;
	[tilespmem:$0x1F880] =	vst v63  }
0x1bd: {  	_ =	swait.ge [sflag:s3], $0x2800  }
0x1be: {  	[sflag:s3] =	ssyncset.done $0x0  }
0x1bf: {  	s8 =	simm.s32 $0x1B00;
	[sflag:s3] =	ssyncadd.s32 $0xFFFFD800  }
0x1c0: {  	[spmem:s2] =	stream.indirect.scatter.add.f32 [tilespmem:s28], [sflag:$0x7], $0x80, s8, s23, $0xb8;
	[tilespmem:$0x1F880] =	vst v63  }
0x1c1: {  	_ =	swait.ge [sflag:s6], $0x2800  }
0x1c2: {  	[sflag:s6] =	ssyncset.done $0x0  }
0x1c3: {  	s8 =	simm.s32 $0x1B80;
	[sflag:s6] =	ssyncadd.s32 $0xFFFFD800  }
0x1c4: {  	[spmem:s2] =	stream.indirect.scatter.add.f32 [tilespmem:s30], [sflag:$0x8], $0x80, s8, s23, $0xb8;
	[tilespmem:$0x1F880] =	vst v63  }
0x1c5: {  	_ =	swait.ge [sflag:s9], $0x2800  }
0x1c6: {  	[sflag:s9] =	ssyncset.done $0x0  }
0x1c7: {  	s8 =	simm.s32 $0xC00;
	[sflag:s9] =	ssyncadd.s32 $0xFFFFD800  }
0x1c8: {  	[tilespmem:s20], [sflag:$0x1] =	stream.indirect.gather [hbm4b:s1+s23], $0x80, s8, s23, $0xb8;
	[tilespmem:$0x1F880] =	vst v63  }
0x1c9: {  	_ =	swait.ge [sflag:s22], $0x2800  }
0x1ca: {  	[sflag:s22] =	ssyncset.done $0x0  }
0x1cb: {  	s8 =	simm.s32 $0x1C00;
	[sflag:s22] =	ssyncadd.s32 $0xFFFFD800  }
0x1cc: {  	[spmem:s2] =	stream.indirect.scatter.add.f32 [tilespmem:s20], [sflag:$0x5], $0x80, s8, s23, $0xb8;
	[tilespmem:$0x1F880] =	vst v63  }
0x1cd: {  	_ =	swait.ge [sflag:s9], $0x2800  }
0x1ce: {  	[sflag:s9] =	ssyncset.done $0x0  }
0x1cf: {  	[sflag:s9] =	ssyncadd.s32 $0xFFFFD800  }
0x1d0: {  	_ =	swait.ge [sflag:s11], $0x2800  }
0x1d1: {  	[sflag:s11] =	ssyncset.done $0x0  }
0x1d2: {  	[sflag:s11] =	ssyncadd.s32 $0xFFFFD800  }
0x1d3: {  	_ =	swait.ge [sflag:s13], $0x2800  }
0x1d4: {  	[sflag:s13] =	ssyncset.done $0x0  }
0x1d5: {  	[sflag:s13] =	ssyncadd.s32 $0xFFFFD800  }
0x1d6: {  	_ =	swait.ge [sflag:s15], $0x2800  }
0x1d7: {  	[sflag:s15] =	ssyncset.done $0x0  }
0x1d8: {  	s8 =	rddreg [dreg:$0x8];
	[sflag:s15] =	ssyncadd.s32 $0xFFFFD800  }
0x1d9: {  	[tilespmem:s4], [sflag:$0x9] =	stream.linear.gather [hbm4b:s8+s4], $0xC80, $0x38;
	[tilespmem:$0x1F880] =	vst v63  }
0x1da: {  	_ =	swait.ge [sflag:s21], $0xC80  }
0x1db: {  	[sflag:s21] =	ssyncset.done $0x0  }
0x1dc: {  	s8 =	rddreg [dreg:$0x9];
	[sflag:s21] =	ssyncadd.s32 $0xFFFFF380  }
0x1dd: {  	[tilespmem:s0], [sflag:$0x9] =	stream.linear.gather [hbm4b:s8+s4], $0xC80, $0x38;
	[tilespmem:$0x1F880] =	vst v63  }
0x1de: {  	_ =	swait.ge [sflag:s21], $0xC80  }
0x1df: {  	[sflag:s21] =	ssyncset.done $0x0  }
0x1e0: {  	[sflag:s21] =	ssyncadd.s32 $0xFFFFF380  }
0x1e1: {  	[tilespmem:s20], [sflag:$0x1] =	stream.indirect.gather [hbm4b:s1+s23], $0x80, s4, s23, $0xb8;
	[tilespmem:$0x1F880] =	vst v63  }
0x1e2: {  	_ = 	snop  }
0x1e3: {  	[tilespmem:s25], [sflag:$0x2] =	stream.indirect.gather [hbm4b:s1+s23], $0x80, s19, s23, $0xb8;
	[tilespmem:$0x1F880] =	vst v63  }
0x1e4: {  	_ = 	snop  }
0x1e5: {  	[tilespmem:s28], [sflag:$0x3] =	stream.indirect.gather [hbm4b:s1+s23], $0x80, s18, s23, $0xb8;
	[tilespmem:$0x1F880] =	vst v63  }
0x1e6: {  	_ = 	snop  }
0x1e7: {  	[tilespmem:s30], [sflag:$0x4] =	stream.indirect.gather [hbm4b:s1+s23], $0x80, s10, s23, $0xb8;
	[tilespmem:$0x1F880] =	vst v63  }
0x1e8: {  	_ =	swait.ge [sflag:s22], $0x2800  }
0x1e9: {  	[sflag:s22] =	ssyncset.done $0x0  }
0x1ea: {  	s18 =	simm.s32 $0x1000;
	[sflag:s22] =	ssyncadd.s32 $0xFFFFD800  }
0x1eb: {  	[spmem:s2] =	stream.indirect.scatter.add.f32 [tilespmem:s20], [sflag:$0x5], $0x80, s18, s23, $0xb8;
	[tilespmem:$0x1F880] =	vst v63  }
0x1ec: {  	_ =	swait.ge [sflag:s31], $0x2800  }
0x1ed: {  	[sflag:s31] =	ssyncset.done $0x0  }
0x1ee: {  	[sflag:s31] =	ssyncadd.s32 $0xFFFFD800  }
0x1ef: {  	[spmem:s2] =	stream.indirect.scatter.add.f32 [tilespmem:s25], [sflag:$0x6], $0x80, s12, s23, $0xb8;
	[tilespmem:$0x1F880] =	vst v63  }
0x1f0: {  	_ =	swait.ge [sflag:s3], $0x2800  }
0x1f1: {  	[sflag:s3] =	ssyncset.done $0x0  }
0x1f2: {  	s12 =	simm.s32 $0x1100;
	[sflag:s3] =	ssyncadd.s32 $0xFFFFD800  }
0x1f3: {  	[spmem:s2] =	stream.indirect.scatter.add.f32 [tilespmem:s28], [sflag:$0x7], $0x80, s12, s23, $0xb8;
	[tilespmem:$0x1F880] =	vst v63  }
0x1f4: {  	_ =	swait.ge [sflag:s6], $0x2800  }
0x1f5: {  	[sflag:s6] =	ssyncset.done $0x0  }
0x1f6: {  	s10 =	simm.s32 $0x1180;
	[sflag:s6] =	ssyncadd.s32 $0xFFFFD800  }
0x1f7: {  	[spmem:s2] =	stream.indirect.scatter.add.f32 [tilespmem:s30], [sflag:$0x8], $0x80, s10, s23, $0xb8;
	[tilespmem:$0x1F880] =	vst v63  }
0x1f8: {  	_ =	swait.ge [sflag:s9], $0x2800  }
0x1f9: {  	[sflag:s9] =	ssyncset.done $0x0  }
0x1fa: {  	[sflag:s9] =	ssyncadd.s32 $0xFFFFD800  }
0x1fb: {  	[tilespmem:s20], [sflag:$0x1] =	stream.indirect.gather [hbm4b:s1+s23], $0x80, s14, s23, $0xb8;
	[tilespmem:$0x1F880] =	vst v63  }
0x1fc: {  	_ =	swait.ge [sflag:s11], $0x2800  }
0x1fd: {  	[sflag:s11] =	ssyncset.done $0x0  }
0x1fe: {  	[sflag:s11] =	ssyncadd.s32 $0xFFFFD800  }
0x1ff: {  	[tilespmem:s25], [sflag:$0x2] =	stream.indirect.gather [hbm4b:s1+s23], $0x80, s16, s23, $0xb8;
	[tilespmem:$0x1F880] =	vst v63  }
0x200: {  	_ =	swait.ge [sflag:s13], $0x2800  }
0x201: {  	[sflag:s13] =	ssyncset.done $0x0  }
0x202: {  	[sflag:s13] =	ssyncadd.s32 $0xFFFFD800  }
0x203: {  	[tilespmem:s28], [sflag:$0x3] =	stream.indirect.gather [hbm4b:s1+s23], $0x80, s5, s23, $0xb8;
	[tilespmem:$0x1F880] =	vst v63  }
0x204: {  	_ =	swait.ge [sflag:s15], $0x2800  }
0x205: {  	[sflag:s15] =	ssyncset.done $0x0  }
0x206: {  	[sflag:s15] =	ssyncadd.s32 $0xFFFFD800  }
0x207: {  	[tilespmem:s30], [sflag:$0x4] =	stream.indirect.gather [hbm4b:s1+s23], $0x80, s7, s23, $0xb8;
	[tilespmem:$0x1F880] =	vst v63  }
0x208: {  	_ =	swait.ge [sflag:s22], $0x2800  }
0x209: {  	[sflag:s22] =	ssyncset.done $0x0  }
0x20a: {  	s12 =	simm.s32 $0x1200;
	[sflag:s22] =	ssyncadd.s32 $0xFFFFD800  }
0x20b: {  	[spmem:s2] =	stream.indirect.scatter.add.f32 [tilespmem:s20], [sflag:$0x5], $0x80, s12, s23, $0xb8;
	[tilespmem:$0x1F880] =	vst v63  }
0x20c: {  	_ =	swait.ge [sflag:s31], $0x2800  }
0x20d: {  	[sflag:s31] =	ssyncset.done $0x0  }
0x20e: {  	s14 =	simm.s32 $0x1280;
	[sflag:s31] =	ssyncadd.s32 $0xFFFFD800  }
0x20f: {  	[spmem:s2] =	stream.indirect.scatter.add.f32 [tilespmem:s25], [sflag:$0x6], $0x80, s14, s23, $0xb8;
	[tilespmem:$0x1F880] =	vst v63  }
0x210: {  	_ =	swait.ge [sflag:s3], $0x2800  }
0x211: {  	[sflag:s3] =	ssyncset.done $0x0  }
0x212: {  	s16 =	simm.s32 $0x1300;
	[sflag:s3] =	ssyncadd.s32 $0xFFFFD800  }
0x213: {  	[spmem:s2] =	stream.indirect.scatter.add.f32 [tilespmem:s28], [sflag:$0x7], $0x80, s16, s23, $0xb8;
	[tilespmem:$0x1F880] =	vst v63  }
0x214: {  	_ =	swait.ge [sflag:s6], $0x2800  }
0x215: {  	[sflag:s6] =	ssyncset.done $0x0  }
0x216: {  	s8 =	simm.s32 $0x1380;
	[sflag:s6] =	ssyncadd.s32 $0xFFFFD800  }
0x217: {  	[spmem:s2] =	stream.indirect.scatter.add.f32 [tilespmem:s30], [sflag:$0x8], $0x80, s8, s23, $0xb8;
	[tilespmem:$0x1F880] =	vst v63  }
0x218: {  	_ =	swait.ge [sflag:s9], $0x2800  }
0x219: {  	[sflag:s9] =	ssyncset.done $0x0  }
0x21a: {  	s12 =	simm.s32 $0x400;
	[sflag:s9] =	ssyncadd.s32 $0xFFFFD800  }
0x21b: {  	[tilespmem:s20], [sflag:$0x1] =	stream.indirect.gather [hbm4b:s1+s23], $0x80, s12, s23, $0xb8;
	[tilespmem:$0x1F880] =	vst v63  }
0x21c: {  	_ =	swait.ge [sflag:s11], $0x2800  }
0x21d: {  	[sflag:s11] =	ssyncset.done $0x0  }
0x21e: {  	s14 =	simm.s32 $0x480;
	[sflag:s11] =	ssyncadd.s32 $0xFFFFD800  }
0x21f: {  	[tilespmem:s25], [sflag:$0x2] =	stream.indirect.gather [hbm4b:s1+s23], $0x80, s14, s23, $0xb8;
	[tilespmem:$0x1F880] =	vst v63  }
0x220: {  	_ =	swait.ge [sflag:s13], $0x2800  }
0x221: {  	[sflag:s13] =	ssyncset.done $0x0  }
0x222: {  	s16 =	simm.s32 $0x500;
	[sflag:s13] =	ssyncadd.s32 $0xFFFFD800  }
0x223: {  	[tilespmem:s28], [sflag:$0x3] =	stream.indirect.gather [hbm4b:s1+s23], $0x80, s16, s23, $0xb8;
	[tilespmem:$0x1F880] =	vst v63  }
0x224: {  	_ =	swait.ge [sflag:s15], $0x2800  }
0x225: {  	[sflag:s15] =	ssyncset.done $0x0  }
0x226: {  	s17 =	simm.s32 $0x580;
	[sflag:s15] =	ssyncadd.s32 $0xFFFFD800  }
0x227: {  	[tilespmem:s30], [sflag:$0x4] =	stream.indirect.gather [hbm4b:s1+s23], $0x80, s17, s23, $0xb8;
	[tilespmem:$0x1F880] =	vst v63  }
0x228: {  	_ =	swait.ge [sflag:s22], $0x2800  }
0x229: {  	[sflag:s22] =	ssyncset.done $0x0  }
0x22a: {  	s17 =	simm.s32 $0x1400;
	[sflag:s22] =	ssyncadd.s32 $0xFFFFD800  }
0x22b: {  	[spmem:s2] =	stream.indirect.scatter.add.f32 [tilespmem:s20], [sflag:$0x5], $0x80, s17, s23, $0xb8;
	[tilespmem:$0x1F880] =	vst v63  }
0x22c: {  	_ =	swait.ge [sflag:s31], $0x2800  }
0x22d: {  	[sflag:s31] =	ssyncset.done $0x0  }
0x22e: {  	s26 =	simm.s32 $0x1480;
	[sflag:s31] =	ssyncadd.s32 $0xFFFFD800  }
0x22f: {  	[spmem:s2] =	stream.indirect.scatter.add.f32 [tilespmem:s25], [sflag:$0x6], $0x80, s26, s23, $0xb8;
	[tilespmem:$0x1F880] =	vst v63  }
0x230: {  	_ =	swait.ge [sflag:s3], $0x2800  }
0x231: {  	[sflag:s3] =	ssyncset.done $0x0  }
0x232: {  	s29 =	simm.s32 $0x1500;
	[sflag:s3] =	ssyncadd.s32 $0xFFFFD800  }
0x233: {  	[spmem:s2] =	stream.indirect.scatter.add.f32 [tilespmem:s28], [sflag:$0x7], $0x80, s29, s23, $0xb8;
	[tilespmem:$0x1F880] =	vst v63  }
0x234: {  	_ =	swait.ge [sflag:s6], $0x2800  }
0x235: {  	[sflag:s6] =	ssyncset.done $0x0  }
0x236: {  	s8 =	simm.s32 $0x1580;
	[sflag:s6] =	ssyncadd.s32 $0xFFFFD800  }
0x237: {  	[spmem:s2] =	stream.indirect.scatter.add.f32 [tilespmem:s30], [sflag:$0x8], $0x80, s8, s23, $0xb8;
	[tilespmem:$0x1F880] =	vst v63  }
0x238: {  	_ =	swait.ge [sflag:s9], $0x2800  }
0x239: {  	[sflag:s9] =	ssyncset.done $0x0  }
0x23a: {  	s12 =	simm.s32 $0x600;
	[sflag:s9] =	ssyncadd.s32 $0xFFFFD800  }
0x23b: {  	[tilespmem:s20], [sflag:$0x1] =	stream.indirect.gather [hbm4b:s1+s23], $0x80, s12, s23, $0xb8;
	[tilespmem:$0x1F880] =	vst v63  }
0x23c: {  	_ =	swait.ge [sflag:s11], $0x2800  }
0x23d: {  	[sflag:s11] =	ssyncset.done $0x0  }
0x23e: {  	s14 =	simm.s32 $0x680;
	[sflag:s11] =	ssyncadd.s32 $0xFFFFD800  }
0x23f: {  	[tilespmem:s25], [sflag:$0x2] =	stream.indirect.gather [hbm4b:s1+s23], $0x80, s14, s23, $0xb8;
	[tilespmem:$0x1F880] =	vst v63  }
0x240: {  	_ =	swait.ge [sflag:s13], $0x2800  }
0x241: {  	[sflag:s13] =	ssyncset.done $0x0  }
0x242: {  	s16 =	simm.s32 $0x700;
	[sflag:s13] =	ssyncadd.s32 $0xFFFFD800  }
0x243: {  	[tilespmem:s28], [sflag:$0x3] =	stream.indirect.gather [hbm4b:s1+s23], $0x80, s16, s23, $0xb8;
	[tilespmem:$0x1F880] =	vst v63  }
0x244: {  	_ =	swait.ge [sflag:s15], $0x2800  }
0x245: {  	[sflag:s15] =	ssyncset.done $0x0  }
0x246: {  	s17 =	simm.s32 $0x780;
	[sflag:s15] =	ssyncadd.s32 $0xFFFFD800  }
0x247: {  	[tilespmem:s30], [sflag:$0x4] =	stream.indirect.gather [hbm4b:s1+s23], $0x80, s17, s23, $0xb8;
	[tilespmem:$0x1F880] =	vst v63  }
0x248: {  	_ =	swait.ge [sflag:s22], $0x2800  }
0x249: {  	[sflag:s22] =	ssyncset.done $0x0  }
0x24a: {  	s26 =	simm.s32 $0x1600;
	[sflag:s22] =	ssyncadd.s32 $0xFFFFD800  }
0x24b: {  	[spmem:s2] =	stream.indirect.scatter.add.f32 [tilespmem:s20], [sflag:$0x5], $0x80, s26, s23, $0xb8;
	[tilespmem:$0x1F880] =	vst v63  }
0x24c: {  	_ =	swait.ge [sflag:s31], $0x2800  }
0x24d: {  	[sflag:s31] =	ssyncset.done $0x0  }
0x24e: {  	s29 =	simm.s32 $0x1680;
	[sflag:s31] =	ssyncadd.s32 $0xFFFFD800  }
0x24f: {  	[spmem:s2] =	stream.indirect.scatter.add.f32 [tilespmem:s25], [sflag:$0x6], $0x80, s29, s23, $0xb8;
	[tilespmem:$0x1F880] =	vst v63  }
0x250: {  	_ =	swait.ge [sflag:s3], $0x2800  }
0x251: {  	[sflag:s3] =	ssyncset.done $0x0  }
0x252: {  	s8 =	simm.s32 $0x1700;
	[sflag:s3] =	ssyncadd.s32 $0xFFFFD800  }
0x253: {  	[spmem:s2] =	stream.indirect.scatter.add.f32 [tilespmem:s28], [sflag:$0x7], $0x80, s8, s23, $0xb8;
	[tilespmem:$0x1F880] =	vst v63  }
0x254: {  	_ =	swait.ge [sflag:s6], $0x2800  }
0x255: {  	[sflag:s6] =	ssyncset.done $0x0  }
0x256: {  	s12 =	simm.s32 $0x1780;
	[sflag:s6] =	ssyncadd.s32 $0xFFFFD800  }
0x257: {  	[spmem:s2] =	stream.indirect.scatter.add.f32 [tilespmem:s30], [sflag:$0x8], $0x80, s12, s23, $0xb8;
	[tilespmem:$0x1F880] =	vst v63  }
0x258: {  	_ =	swait.ge [sflag:s9], $0x2800  }
0x259: {  	[sflag:s9] =	ssyncset.done $0x0  }
0x25a: {  	s14 =	simm.s32 $0x800;
	[sflag:s9] =	ssyncadd.s32 $0xFFFFD800  }
0x25b: {  	[tilespmem:s20], [sflag:$0x1] =	stream.indirect.gather [hbm4b:s1+s23], $0x80, s14, s23, $0xb8;
	[tilespmem:$0x1F880] =	vst v63  }
0x25c: {  	_ =	swait.ge [sflag:s11], $0x2800  }
0x25d: {  	[sflag:s11] =	ssyncset.done $0x0  }
0x25e: {  	s16 =	simm.s32 $0x880;
	[sflag:s11] =	ssyncadd.s32 $0xFFFFD800  }
0x25f: {  	[tilespmem:s25], [sflag:$0x2] =	stream.indirect.gather [hbm4b:s1+s23], $0x80, s16, s23, $0xb8;
	[tilespmem:$0x1F880] =	vst v63  }
0x260: {  	_ =	swait.ge [sflag:s13], $0x2800  }
0x261: {  	[sflag:s13] =	ssyncset.done $0x0  }
0x262: {  	s17 =	simm.s32 $0x900;
	[sflag:s13] =	ssyncadd.s32 $0xFFFFD800  }
0x263: {  	[tilespmem:s28], [sflag:$0x3] =	stream.indirect.gather [hbm4b:s1+s23], $0x80, s17, s23, $0xb8;
	[tilespmem:$0x1F880] =	vst v63  }
0x264: {  	_ =	swait.ge [sflag:s15], $0x2800  }
0x265: {  	[sflag:s15] =	ssyncset.done $0x0  }
0x266: {  	s26 =	simm.s32 $0x980;
	[sflag:s15] =	ssyncadd.s32 $0xFFFFD800  }
0x267: {  	[tilespmem:s30], [sflag:$0x4] =	stream.indirect.gather [hbm4b:s1+s23], $0x80, s26, s23, $0xb8;
	[tilespmem:$0x1F880] =	vst v63  }
0x268: {  	_ =	swait.ge [sflag:s22], $0x2800  }
0x269: {  	[sflag:s22] =	ssyncset.done $0x0  }
0x26a: {  	s29 =	simm.s32 $0x1800;
	[sflag:s22] =	ssyncadd.s32 $0xFFFFD800  }
0x26b: {  	[spmem:s2] =	stream.indirect.scatter.add.f32 [tilespmem:s20], [sflag:$0x5], $0x80, s29, s23, $0xb8;
	[tilespmem:$0x1F880] =	vst v63  }
0x26c: {  	_ =	swait.ge [sflag:s31], $0x2800  }
0x26d: {  	[sflag:s31] =	ssyncset.done $0x0  }
0x26e: {  	s8 =	simm.s32 $0x1880;
	[sflag:s31] =	ssyncadd.s32 $0xFFFFD800  }
0x26f: {  	[spmem:s2] =	stream.indirect.scatter.add.f32 [tilespmem:s25], [sflag:$0x6], $0x80, s8, s23, $0xb8;
	[tilespmem:$0x1F880] =	vst v63  }
0x270: {  	_ =	swait.ge [sflag:s3], $0x2800  }
0x271: {  	[sflag:s3] =	ssyncset.done $0x0  }
0x272: {  	s12 =	simm.s32 $0x1900;
	[sflag:s3] =	ssyncadd.s32 $0xFFFFD800  }
0x273: {  	[spmem:s2] =	stream.indirect.scatter.add.f32 [tilespmem:s28], [sflag:$0x7], $0x80, s12, s23, $0xb8;
	[tilespmem:$0x1F880] =	vst v63  }
0x274: {  	_ =	swait.ge [sflag:s6], $0x2800  }
0x275: {  	[sflag:s6] =	ssyncset.done $0x0  }
0x276: {  	s14 =	simm.s32 $0x1980;
	[sflag:s6] =	ssyncadd.s32 $0xFFFFD800  }
0x277: {  	[spmem:s2] =	stream.indirect.scatter.add.f32 [tilespmem:s30], [sflag:$0x8], $0x80, s14, s23, $0xb8;
	[tilespmem:$0x1F880] =	vst v63  }
0x278: {  	_ =	swait.ge [sflag:s9], $0x2800  }
0x279: {  	[sflag:s9] =	ssyncset.done $0x0  }
0x27a: {  	s16 =	simm.s32 $0xA00;
	[sflag:s9] =	ssyncadd.s32 $0xFFFFD800  }
0x27b: {  	[tilespmem:s20], [sflag:$0x1] =	stream.indirect.gather [hbm4b:s1+s23], $0x80, s16, s23, $0xb8;
	[tilespmem:$0x1F880] =	vst v63  }
0x27c: {  	_ =	swait.ge [sflag:s11], $0x2800  }
0x27d: {  	[sflag:s11] =	ssyncset.done $0x0  }
0x27e: {  	s17 =	simm.s32 $0xA80;
	[sflag:s11] =	ssyncadd.s32 $0xFFFFD800  }
0x27f: {  	[tilespmem:s25], [sflag:$0x2] =	stream.indirect.gather [hbm4b:s1+s23], $0x80, s17, s23, $0xb8;
	[tilespmem:$0x1F880] =	vst v63  }
0x280: {  	_ =	swait.ge [sflag:s13], $0x2800  }
0x281: {  	[sflag:s13] =	ssyncset.done $0x0  }
0x282: {  	s26 =	simm.s32 $0xB00;
	[sflag:s13] =	ssyncadd.s32 $0xFFFFD800  }
0x283: {  	[tilespmem:s28], [sflag:$0x3] =	stream.indirect.gather [hbm4b:s1+s23], $0x80, s26, s23, $0xb8;
	[tilespmem:$0x1F880] =	vst v63  }
0x284: {  	_ =	swait.ge [sflag:s15], $0x2800  }
0x285: {  	[sflag:s15] =	ssyncset.done $0x0  }
0x286: {  	s29 =	simm.s32 $0xB80;
	[sflag:s15] =	ssyncadd.s32 $0xFFFFD800  }
0x287: {  	[tilespmem:s30], [sflag:$0x4] =	stream.indirect.gather [hbm4b:s1+s23], $0x80, s29, s23, $0xb8;
	[tilespmem:$0x1F880] =	vst v63  }
0x288: {  	_ =	swait.ge [sflag:s22], $0x2800  }
0x289: {  	[sflag:s22] =	ssyncset.done $0x0  }
0x28a: {  	s8 =	simm.s32 $0x1A00;
	[sflag:s22] =	ssyncadd.s32 $0xFFFFD800  }
0x28b: {  	[spmem:s2] =	stream.indirect.scatter.add.f32 [tilespmem:s20], [sflag:$0x5], $0x80, s8, s23, $0xb8;
	[tilespmem:$0x1F880] =	vst v63  }
0x28c: {  	_ =	swait.ge [sflag:s31], $0x2800  }
0x28d: {  	[sflag:s31] =	ssyncset.done $0x0  }
0x28e: {  	s12 =	simm.s32 $0x1A80;
	[sflag:s31] =	ssyncadd.s32 $0xFFFFD800  }
0x28f: {  	[spmem:s2] =	stream.indirect.scatter.add.f32 [tilespmem:s25], [sflag:$0x6], $0x80, s12, s23, $0xb8;
	[tilespmem:$0x1F880] =	vst v63  }
0x290: {  	_ =	swait.ge [sflag:s3], $0x2800  }
0x291: {  	[sflag:s3] =	ssyncset.done $0x0  }
0x292: {  	s14 =	simm.s32 $0x1B00;
	[sflag:s3] =	ssyncadd.s32 $0xFFFFD800  }
0x293: {  	[spmem:s2] =	stream.indirect.scatter.add.f32 [tilespmem:s28], [sflag:$0x7], $0x80, s14, s23, $0xb8;
	[tilespmem:$0x1F880] =	vst v63  }
0x294: {  	_ =	swait.ge [sflag:s6], $0x2800  }
0x295: {  	[sflag:s6] =	ssyncset.done $0x0  }
0x296: {  	s16 =	simm.s32 $0x1B80;
	[sflag:s6] =	ssyncadd.s32 $0xFFFFD800  }
0x297: {  	[spmem:s2] =	stream.indirect.scatter.add.f32 [tilespmem:s30], [sflag:$0x8], $0x80, s16, s23, $0xb8;
	[tilespmem:$0x1F880] =	vst v63  }
0x298: {  	_ =	swait.ge [sflag:s9], $0x2800  }
0x299: {  	[sflag:s9] =	ssyncset.done $0x0  }
0x29a: {  	s17 =	simm.s32 $0xC00;
	[sflag:s9] =	ssyncadd.s32 $0xFFFFD800  }
0x29b: {  	[tilespmem:s20], [sflag:$0x1] =	stream.indirect.gather [hbm4b:s1+s23], $0x80, s17, s23, $0xb8;
	[tilespmem:$0x1F880] =	vst v63  }
0x29c: {  	_ =	swait.ge [sflag:s22], $0x2800  }
0x29d: {  	[sflag:s22] =	ssyncset.done $0x0  }
0x29e: {  	s26 =	simm.s32 $0x1C00;
	[sflag:s22] =	ssyncadd.s32 $0xFFFFD800  }
0x29f: {  	[spmem:s2] =	stream.indirect.scatter.add.f32 [tilespmem:s20], [sflag:$0x5], $0x80, s26, s23, $0xb8;
	[tilespmem:$0x1F880] =	vst v63  }
0x2a0: {  	_ =	swait.ge [sflag:s9], $0x2800  }
0x2a1: {  	[sflag:s9] =	ssyncset.done $0x0  }
0x2a2: {  	[sflag:s9] =	ssyncadd.s32 $0xFFFFD800  }
0x2a3: {  	_ =	swait.ge [sflag:s11], $0x2800  }
0x2a4: {  	[sflag:s11] =	ssyncset.done $0x0  }
0x2a5: {  	[sflag:s11] =	ssyncadd.s32 $0xFFFFD800  }
0x2a6: {  	_ =	swait.ge [sflag:s13], $0x2800  }
0x2a7: {  	[sflag:s13] =	ssyncset.done $0x0  }
0x2a8: {  	[sflag:s13] =	ssyncadd.s32 $0xFFFFD800  }
0x2a9: {  	_ =	swait.ge [sflag:s15], $0x2800  }
0x2aa: {  	[sflag:s15] =	ssyncset.done $0x0  }
0x2ab: {  	s29 =	rddreg [dreg:$0xa];
	[sflag:s15] =	ssyncadd.s32 $0xFFFFD800  }
0x2ac: {  	[tilespmem:s4], [sflag:$0x9] =	stream.linear.gather [hbm4b:s29+s4], $0xC80, $0x38;
	[tilespmem:$0x1F880] =	vst v63  }
0x2ad: {  	_ =	swait.ge [sflag:s21], $0xC80  }
0x2ae: {  	[sflag:s21] =	ssyncset.done $0x0  }
0x2af: {  	s5 =	rddreg [dreg:$0xb];
	[sflag:s21] =	ssyncadd.s32 $0xFFFFF380  }
0x2b0: {  	[tilespmem:s18], [sflag:$0x9] =	stream.linear.gather [hbm4b:s5+s4], $0xC80, $0x38;
	[tilespmem:$0x1F880] =	vst v63  }
0x2b1: {  	_ =	swait.ge [sflag:s21], $0xC80  }
0x2b2: {  	[sflag:s21] =	ssyncset.done $0x0  }
0x2b3: {  	[sflag:s21] =	ssyncadd.s32 $0xFFFFF380  }
0x2b4: {  	[tilespmem:s20], [sflag:$0x1] =	stream.indirect.gather [hbm4b:s1+s23], $0x80, s4, s23, $0xb8;
	[tilespmem:$0x1F880] =	vst v63  }
0x2b5: {  	s0 =	simm.s32 $0x80  }
0x2b6: {  	[tilespmem:s25], [sflag:$0x2] =	stream.indirect.gather [hbm4b:s1+s23], $0x80, s0, s23, $0xb8;
	[tilespmem:$0x1F880] =	vst v63  }
0x2b7: {  	s19 =	simm.s32 $0x100  }
0x2b8: {  	[tilespmem:s28], [sflag:$0x3] =	stream.indirect.gather [hbm4b:s1+s23], $0x80, s19, s23, $0xb8;
	[tilespmem:$0x1F880] =	vst v63  }
0x2b9: {  	s12 =	simm.s32 $0x180  }
0x2ba: {  	[tilespmem:s30], [sflag:$0x4] =	stream.indirect.gather [hbm4b:s1+s23], $0x80, s12, s23, $0xb8;
	[tilespmem:$0x1F880] =	vst v63  }
0x2bb: {  	_ =	swait.ge [sflag:s22], $0x2800  }
0x2bc: {  	[sflag:s22] =	ssyncset.done $0x0  }
0x2bd: {  	[sflag:s22] =	ssyncadd.s32 $0xFFFFD800  }
0x2be: {  	[spmem:s2] =	stream.indirect.scatter.add.f32 [tilespmem:s20], [sflag:$0x5], $0x80, s18, s23, $0xb8;
	[tilespmem:$0x1F880] =	vst v63  }
0x2bf: {  	_ =	swait.ge [sflag:s31], $0x2800  }
0x2c0: {  	[sflag:s31] =	ssyncset.done $0x0  }
0x2c1: {  	s14 =	simm.s32 $0x1080;
	[sflag:s31] =	ssyncadd.s32 $0xFFFFD800  }
0x2c2: {  	[spmem:s2] =	stream.indirect.scatter.add.f32 [tilespmem:s25], [sflag:$0x6], $0x80, s14, s23, $0xb8;
	[tilespmem:$0x1F880] =	vst v63  }
0x2c3: {  	_ =	swait.ge [sflag:s3], $0x2800  }
0x2c4: {  	[sflag:s3] =	ssyncset.done $0x0  }
0x2c5: {  	s16 =	simm.s32 $0x1100;
	[sflag:s3] =	ssyncadd.s32 $0xFFFFD800  }
0x2c6: {  	[spmem:s2] =	stream.indirect.scatter.add.f32 [tilespmem:s28], [sflag:$0x7], $0x80, s16, s23, $0xb8;
	[tilespmem:$0x1F880] =	vst v63  }
0x2c7: {  	_ =	swait.ge [sflag:s6], $0x2800  }
0x2c8: {  	[sflag:s6] =	ssyncset.done $0x0  }
0x2c9: {  	s17 =	simm.s32 $0x1180;
	[sflag:s6] =	ssyncadd.s32 $0xFFFFD800  }
0x2ca: {  	[spmem:s2] =	stream.indirect.scatter.add.f32 [tilespmem:s30], [sflag:$0x8], $0x80, s17, s23, $0xb8;
	[tilespmem:$0x1F880] =	vst v63  }
0x2cb: {  	_ =	swait.ge [sflag:s9], $0x2800  }
0x2cc: {  	[sflag:s9] =	ssyncset.done $0x0  }
0x2cd: {  	s19 =	simm.s32 $0x200;
	[sflag:s9] =	ssyncadd.s32 $0xFFFFD800  }
0x2ce: {  	[tilespmem:s20], [sflag:$0x1] =	stream.indirect.gather [hbm4b:s1+s23], $0x80, s19, s23, $0xb8;
	[tilespmem:$0x1F880] =	vst v63  }
0x2cf: {  	_ =	swait.ge [sflag:s11], $0x2800  }
0x2d0: {  	[sflag:s11] =	ssyncset.done $0x0  }
0x2d1: {  	s26 =	simm.s32 $0x280;
	[sflag:s11] =	ssyncadd.s32 $0xFFFFD800  }
0x2d2: {  	[tilespmem:s25], [sflag:$0x2] =	stream.indirect.gather [hbm4b:s1+s23], $0x80, s26, s23, $0xb8;
	[tilespmem:$0x1F880] =	vst v63  }
0x2d3: {  	_ =	swait.ge [sflag:s13], $0x2800  }
0x2d4: {  	[sflag:s13] =	ssyncset.done $0x0  }
0x2d5: {  	s10 =	simm.s32 $0x300;
	[sflag:s13] =	ssyncadd.s32 $0xFFFFD800  }
0x2d6: {  	[tilespmem:s28], [sflag:$0x3] =	stream.indirect.gather [hbm4b:s1+s23], $0x80, s10, s23, $0xb8;
	[tilespmem:$0x1F880] =	vst v63  }
0x2d7: {  	_ =	swait.ge [sflag:s15], $0x2800  }
0x2d8: {  	[sflag:s15] =	ssyncset.done $0x0  }
0x2d9: {  	s7 =	simm.s32 $0x380;
	[sflag:s15] =	ssyncadd.s32 $0xFFFFD800  }
0x2da: {  	[tilespmem:s30], [sflag:$0x4] =	stream.indirect.gather [hbm4b:s1+s23], $0x80, s7, s23, $0xb8;
	[tilespmem:$0x1F880] =	vst v63  }
0x2db: {  	_ =	swait.ge [sflag:s22], $0x2800  }
0x2dc: {  	[sflag:s22] =	ssyncset.done $0x0  }
0x2dd: {  	s29 =	simm.s32 $0x1200;
	[sflag:s22] =	ssyncadd.s32 $0xFFFFD800  }
0x2de: {  	[spmem:s2] =	stream.indirect.scatter.add.f32 [tilespmem:s20], [sflag:$0x5], $0x80, s29, s23, $0xb8;
	[tilespmem:$0x1F880] =	vst v63  }
0x2df: {  	_ =	swait.ge [sflag:s31], $0x2800  }
0x2e0: {  	[sflag:s31] =	ssyncset.done $0x0  }
0x2e1: {  	s8 =	simm.s32 $0x1280;
	[sflag:s31] =	ssyncadd.s32 $0xFFFFD800  }
0x2e2: {  	[spmem:s2] =	stream.indirect.scatter.add.f32 [tilespmem:s25], [sflag:$0x6], $0x80, s8, s23, $0xb8;
	[tilespmem:$0x1F880] =	vst v63  }
0x2e3: {  	_ =	swait.ge [sflag:s3], $0x2800  }
0x2e4: {  	[sflag:s3] =	ssyncset.done $0x0  }
0x2e5: {  	s26 =	simm.s32 $0x1300;
	[sflag:s3] =	ssyncadd.s32 $0xFFFFD800  }
0x2e6: {  	[spmem:s2] =	stream.indirect.scatter.add.f32 [tilespmem:s28], [sflag:$0x7], $0x80, s26, s23, $0xb8;
	[tilespmem:$0x1F880] =	vst v63  }
0x2e7: {  	_ =	swait.ge [sflag:s6], $0x2800  }
0x2e8: {  	[sflag:s6] =	ssyncset.done $0x0  }
0x2e9: {  	s29 =	simm.s32 $0x1380;
	[sflag:s6] =	ssyncadd.s32 $0xFFFFD800  }
0x2ea: {  	[spmem:s2] =	stream.indirect.scatter.add.f32 [tilespmem:s30], [sflag:$0x8], $0x80, s29, s23, $0xb8;
	[tilespmem:$0x1F880] =	vst v63  }
0x2eb: {  	_ =	swait.ge [sflag:s9], $0x2800  }
0x2ec: {  	[sflag:s9] =	ssyncset.done $0x0  }
0x2ed: {  	s8 =	simm.s32 $0x400;
	[sflag:s9] =	ssyncadd.s32 $0xFFFFD800  }
0x2ee: {  	[tilespmem:s20], [sflag:$0x1] =	stream.indirect.gather [hbm4b:s1+s23], $0x80, s8, s23, $0xb8;
	[tilespmem:$0x1F880] =	vst v63  }
0x2ef: {  	_ =	swait.ge [sflag:s11], $0x2800  }
0x2f0: {  	[sflag:s11] =	ssyncset.done $0x0  }
0x2f1: {  	s8 =	simm.s32 $0x480;
	[sflag:s11] =	ssyncadd.s32 $0xFFFFD800  }
0x2f2: {  	[tilespmem:s25], [sflag:$0x2] =	stream.indirect.gather [hbm4b:s1+s23], $0x80, s8, s23, $0xb8;
	[tilespmem:$0x1F880] =	vst v63  }
0x2f3: {  	_ =	swait.ge [sflag:s13], $0x2800  }
0x2f4: {  	[sflag:s13] =	ssyncset.done $0x0  }
0x2f5: {  	s8 =	simm.s32 $0x500;
	[sflag:s13] =	ssyncadd.s32 $0xFFFFD800  }
0x2f6: {  	[tilespmem:s28], [sflag:$0x3] =	stream.indirect.gather [hbm4b:s1+s23], $0x80, s8, s23, $0xb8;
	[tilespmem:$0x1F880] =	vst v63  }
0x2f7: {  	_ =	swait.ge [sflag:s15], $0x2800  }
0x2f8: {  	[sflag:s15] =	ssyncset.done $0x0  }
0x2f9: {  	s8 =	simm.s32 $0x580;
	[sflag:s15] =	ssyncadd.s32 $0xFFFFD800  }
0x2fa: {  	[tilespmem:s30], [sflag:$0x4] =	stream.indirect.gather [hbm4b:s1+s23], $0x80, s8, s23, $0xb8;
	[tilespmem:$0x1F880] =	vst v63  }
0x2fb: {  	_ =	swait.ge [sflag:s22], $0x2800  }
0x2fc: {  	[sflag:s22] =	ssyncset.done $0x0  }
0x2fd: {  	s8 =	simm.s32 $0x1400;
	[sflag:s22] =	ssyncadd.s32 $0xFFFFD800  }
0x2fe: {  	[spmem:s2] =	stream.indirect.scatter.add.f32 [tilespmem:s20], [sflag:$0x5], $0x80, s8, s23, $0xb8;
	[tilespmem:$0x1F880] =	vst v63  }
0x2ff: {  	_ =	swait.ge [sflag:s31], $0x2800  }
0x300: {  	[sflag:s31] =	ssyncset.done $0x0  }
0x301: {  	s8 =	simm.s32 $0x1480;
	[sflag:s31] =	ssyncadd.s32 $0xFFFFD800  }
0x302: {  	[spmem:s2] =	stream.indirect.scatter.add.f32 [tilespmem:s25], [sflag:$0x6], $0x80, s8, s23, $0xb8;
	[tilespmem:$0x1F880] =	vst v63  }
0x303: {  	_ =	swait.ge [sflag:s3], $0x2800  }
0x304: {  	[sflag:s3] =	ssyncset.done $0x0  }
0x305: {  	s8 =	simm.s32 $0x1500;
	[sflag:s3] =	ssyncadd.s32 $0xFFFFD800  }
0x306: {  	[spmem:s2] =	stream.indirect.scatter.add.f32 [tilespmem:s28], [sflag:$0x7], $0x80, s8, s23, $0xb8;
	[tilespmem:$0x1F880] =	vst v63  }
0x307: {  	_ =	swait.ge [sflag:s6], $0x2800  }
0x308: {  	[sflag:s6] =	ssyncset.done $0x0  }
0x309: {  	s8 =	simm.s32 $0x1580;
	[sflag:s6] =	ssyncadd.s32 $0xFFFFD800  }
0x30a: {  	[spmem:s2] =	stream.indirect.scatter.add.f32 [tilespmem:s30], [sflag:$0x8], $0x80, s8, s23, $0xb8;
	[tilespmem:$0x1F880] =	vst v63  }
0x30b: {  	_ =	swait.ge [sflag:s9], $0x2800  }
0x30c: {  	[sflag:s9] =	ssyncset.done $0x0  }
0x30d: {  	s8 =	simm.s32 $0x600;
	[sflag:s9] =	ssyncadd.s32 $0xFFFFD800  }
0x30e: {  	[tilespmem:s20], [sflag:$0x1] =	stream.indirect.gather [hbm4b:s1+s23], $0x80, s8, s23, $0xb8;
	[tilespmem:$0x1F880] =	vst v63  }
0x30f: {  	_ =	swait.ge [sflag:s11], $0x2800  }
0x310: {  	[sflag:s11] =	ssyncset.done $0x0  }
0x311: {  	s8 =	simm.s32 $0x680;
	[sflag:s11] =	ssyncadd.s32 $0xFFFFD800  }
0x312: {  	[tilespmem:s25], [sflag:$0x2] =	stream.indirect.gather [hbm4b:s1+s23], $0x80, s8, s23, $0xb8;
	[tilespmem:$0x1F880] =	vst v63  }
0x313: {  	_ =	swait.ge [sflag:s13], $0x2800  }
0x314: {  	[sflag:s13] =	ssyncset.done $0x0  }
0x315: {  	s8 =	simm.s32 $0x700;
	[sflag:s13] =	ssyncadd.s32 $0xFFFFD800  }
0x316: {  	[tilespmem:s28], [sflag:$0x3] =	stream.indirect.gather [hbm4b:s1+s23], $0x80, s8, s23, $0xb8;
	[tilespmem:$0x1F880] =	vst v63  }
0x317: {  	_ =	swait.ge [sflag:s15], $0x2800  }
0x318: {  	[sflag:s15] =	ssyncset.done $0x0  }
0x319: {  	s8 =	simm.s32 $0x780;
	[sflag:s15] =	ssyncadd.s32 $0xFFFFD800  }
0x31a: {  	[tilespmem:s30], [sflag:$0x4] =	stream.indirect.gather [hbm4b:s1+s23], $0x80, s8, s23, $0xb8;
	[tilespmem:$0x1F880] =	vst v63  }
0x31b: {  	_ =	swait.ge [sflag:s22], $0x2800  }
0x31c: {  	[sflag:s22] =	ssyncset.done $0x0  }
0x31d: {  	s8 =	simm.s32 $0x1600;
	[sflag:s22] =	ssyncadd.s32 $0xFFFFD800  }
0x31e: {  	[spmem:s2] =	stream.indirect.scatter.add.f32 [tilespmem:s20], [sflag:$0x5], $0x80, s8, s23, $0xb8;
	[tilespmem:$0x1F880] =	vst v63  }
0x31f: {  	_ =	swait.ge [sflag:s31], $0x2800  }
0x320: {  	[sflag:s31] =	ssyncset.done $0x0  }
0x321: {  	s8 =	simm.s32 $0x1680;
	[sflag:s31] =	ssyncadd.s32 $0xFFFFD800  }
0x322: {  	[spmem:s2] =	stream.indirect.scatter.add.f32 [tilespmem:s25], [sflag:$0x6], $0x80, s8, s23, $0xb8;
	[tilespmem:$0x1F880] =	vst v63  }
0x323: {  	_ =	swait.ge [sflag:s3], $0x2800  }
0x324: {  	[sflag:s3] =	ssyncset.done $0x0  }
0x325: {  	s8 =	simm.s32 $0x1700;
	[sflag:s3] =	ssyncadd.s32 $0xFFFFD800  }
0x326: {  	[spmem:s2] =	stream.indirect.scatter.add.f32 [tilespmem:s28], [sflag:$0x7], $0x80, s8, s23, $0xb8;
	[tilespmem:$0x1F880] =	vst v63  }
0x327: {  	_ =	swait.ge [sflag:s6], $0x2800  }
0x328: {  	[sflag:s6] =	ssyncset.done $0x0  }
0x329: {  	s8 =	simm.s32 $0x1780;
	[sflag:s6] =	ssyncadd.s32 $0xFFFFD800  }
0x32a: {  	[spmem:s2] =	stream.indirect.scatter.add.f32 [tilespmem:s30], [sflag:$0x8], $0x80, s8, s23, $0xb8;
	[tilespmem:$0x1F880] =	vst v63  }
0x32b: {  	_ =	swait.ge [sflag:s9], $0x2800  }
0x32c: {  	[sflag:s9] =	ssyncset.done $0x0  }
0x32d: {  	s8 =	simm.s32 $0x800;
	[sflag:s9] =	ssyncadd.s32 $0xFFFFD800  }
0x32e: {  	[tilespmem:s20], [sflag:$0x1] =	stream.indirect.gather [hbm4b:s1+s23], $0x80, s8, s23, $0xb8;
	[tilespmem:$0x1F880] =	vst v63  }
0x32f: {  	_ =	swait.ge [sflag:s11], $0x2800  }
0x330: {  	[sflag:s11] =	ssyncset.done $0x0  }
0x331: {  	s8 =	simm.s32 $0x880;
	[sflag:s11] =	ssyncadd.s32 $0xFFFFD800  }
0x332: {  	[tilespmem:s25], [sflag:$0x2] =	stream.indirect.gather [hbm4b:s1+s23], $0x80, s8, s23, $0xb8;
	[tilespmem:$0x1F880] =	vst v63  }
0x333: {  	_ =	swait.ge [sflag:s13], $0x2800  }
0x334: {  	[sflag:s13] =	ssyncset.done $0x0  }
0x335: {  	s8 =	simm.s32 $0x900;
	[sflag:s13] =	ssyncadd.s32 $0xFFFFD800  }
0x336: {  	[tilespmem:s28], [sflag:$0x3] =	stream.indirect.gather [hbm4b:s1+s23], $0x80, s8, s23, $0xb8;
	[tilespmem:$0x1F880] =	vst v63  }
0x337: {  	_ =	swait.ge [sflag:s15], $0x2800  }
0x338: {  	[sflag:s15] =	ssyncset.done $0x0  }
0x339: {  	s8 =	simm.s32 $0x980;
	[sflag:s15] =	ssyncadd.s32 $0xFFFFD800  }
0x33a: {  	[tilespmem:s30], [sflag:$0x4] =	stream.indirect.gather [hbm4b:s1+s23], $0x80, s8, s23, $0xb8;
	[tilespmem:$0x1F880] =	vst v63  }
0x33b: {  	_ =	swait.ge [sflag:s22], $0x2800  }
0x33c: {  	[sflag:s22] =	ssyncset.done $0x0  }
0x33d: {  	s8 =	simm.s32 $0x1800;
	[sflag:s22] =	ssyncadd.s32 $0xFFFFD800  }
0x33e: {  	[spmem:s2] =	stream.indirect.scatter.add.f32 [tilespmem:s20], [sflag:$0x5], $0x80, s8, s23, $0xb8;
	[tilespmem:$0x1F880] =	vst v63  }
0x33f: {  	_ =	swait.ge [sflag:s31], $0x2800  }
0x340: {  	[sflag:s31] =	ssyncset.done $0x0  }
0x341: {  	s8 =	simm.s32 $0x1880;
	[sflag:s31] =	ssyncadd.s32 $0xFFFFD800  }
0x342: {  	[spmem:s2] =	stream.indirect.scatter.add.f32 [tilespmem:s25], [sflag:$0x6], $0x80, s8, s23, $0xb8;
	[tilespmem:$0x1F880] =	vst v63  }
0x343: {  	_ =	swait.ge [sflag:s3], $0x2800  }
0x344: {  	[sflag:s3] =	ssyncset.done $0x0  }
0x345: {  	s8 =	simm.s32 $0x1900;
	[sflag:s3] =	ssyncadd.s32 $0xFFFFD800  }
0x346: {  	[spmem:s2] =	stream.indirect.scatter.add.f32 [tilespmem:s28], [sflag:$0x7], $0x80, s8, s23, $0xb8;
	[tilespmem:$0x1F880] =	vst v63  }
0x347: {  	_ =	swait.ge [sflag:s6], $0x2800  }
0x348: {  	[sflag:s6] =	ssyncset.done $0x0  }
0x349: {  	s8 =	simm.s32 $0x1980;
	[sflag:s6] =	ssyncadd.s32 $0xFFFFD800  }
0x34a: {  	[spmem:s2] =	stream.indirect.scatter.add.f32 [tilespmem:s30], [sflag:$0x8], $0x80, s8, s23, $0xb8;
	[tilespmem:$0x1F880] =	vst v63  }
0x34b: {  	_ =	swait.ge [sflag:s9], $0x2800  }
0x34c: {  	[sflag:s9] =	ssyncset.done $0x0  }
0x34d: {  	s8 =	simm.s32 $0xA00;
	[sflag:s9] =	ssyncadd.s32 $0xFFFFD800  }
0x34e: {  	[tilespmem:s20], [sflag:$0x1] =	stream.indirect.gather [hbm4b:s1+s23], $0x80, s8, s23, $0xb8;
	[tilespmem:$0x1F880] =	vst v63  }
0x34f: {  	_ =	swait.ge [sflag:s11], $0x2800  }
0x350: {  	[sflag:s11] =	ssyncset.done $0x0  }
0x351: {  	s8 =	simm.s32 $0xA80;
	[sflag:s11] =	ssyncadd.s32 $0xFFFFD800  }
0x352: {  	[tilespmem:s25], [sflag:$0x2] =	stream.indirect.gather [hbm4b:s1+s23], $0x80, s8, s23, $0xb8;
	[tilespmem:$0x1F880] =	vst v63  }
0x353: {  	_ =	swait.ge [sflag:s13], $0x2800  }
0x354: {  	[sflag:s13] =	ssyncset.done $0x0  }
0x355: {  	s8 =	simm.s32 $0xB00;
	[sflag:s13] =	ssyncadd.s32 $0xFFFFD800  }
0x356: {  	[tilespmem:s28], [sflag:$0x3] =	stream.indirect.gather [hbm4b:s1+s23], $0x80, s8, s23, $0xb8;
	[tilespmem:$0x1F880] =	vst v63  }
0x357: {  	_ =	swait.ge [sflag:s15], $0x2800  }
0x358: {  	[sflag:s15] =	ssyncset.done $0x0  }
0x359: {  	s8 =	simm.s32 $0xB80;
	[sflag:s15] =	ssyncadd.s32 $0xFFFFD800  }
0x35a: {  	[tilespmem:s30], [sflag:$0x4] =	stream.indirect.gather [hbm4b:s1+s23], $0x80, s8, s23, $0xb8;
	[tilespmem:$0x1F880] =	vst v63  }
0x35b: {  	_ =	swait.ge [sflag:s22], $0x2800  }
0x35c: {  	[sflag:s22] =	ssyncset.done $0x0  }
0x35d: {  	s8 =	simm.s32 $0x1A00;
	[sflag:s22] =	ssyncadd.s32 $0xFFFFD800  }
0x35e: {  	[spmem:s2] =	stream.indirect.scatter.add.f32 [tilespmem:s20], [sflag:$0x5], $0x80, s8, s23, $0xb8;
	[tilespmem:$0x1F880] =	vst v63  }
0x35f: {  	_ =	swait.ge [sflag:s31], $0x2800  }
0x360: {  	[sflag:s31] =	ssyncset.done $0x0  }
0x361: {  	s8 =	simm.s32 $0x1A80;
	[sflag:s31] =	ssyncadd.s32 $0xFFFFD800  }
0x362: {  	[spmem:s2] =	stream.indirect.scatter.add.f32 [tilespmem:s25], [sflag:$0x6], $0x80, s8, s23, $0xb8;
	[tilespmem:$0x1F880] =	vst v63  }
0x363: {  	_ =	swait.ge [sflag:s3], $0x2800  }
0x364: {  	[sflag:s3] =	ssyncset.done $0x0  }
0x365: {  	s8 =	simm.s32 $0x1B00;
	[sflag:s3] =	ssyncadd.s32 $0xFFFFD800  }
0x366: {  	[spmem:s2] =	stream.indirect.scatter.add.f32 [tilespmem:s28], [sflag:$0x7], $0x80, s8, s23, $0xb8;
	[tilespmem:$0x1F880] =	vst v63  }
0x367: {  	_ =	swait.ge [sflag:s6], $0x2800  }
0x368: {  	[sflag:s6] =	ssyncset.done $0x0  }
0x369: {  	s8 =	simm.s32 $0x1B80;
	[sflag:s6] =	ssyncadd.s32 $0xFFFFD800  }
0x36a: {  	[spmem:s2] =	stream.indirect.scatter.add.f32 [tilespmem:s30], [sflag:$0x8], $0x80, s8, s23, $0xb8;
	[tilespmem:$0x1F880] =	vst v63  }
0x36b: {  	_ =	swait.ge [sflag:s9], $0x2800  }
0x36c: {  	[sflag:s9] =	ssyncset.done $0x0  }
0x36d: {  	s8 =	simm.s32 $0xC00;
	[sflag:s9] =	ssyncadd.s32 $0xFFFFD800  }
0x36e: {  	[tilespmem:s20], [sflag:$0x1] =	stream.indirect.gather [hbm4b:s1+s23], $0x80, s8, s23, $0xb8;
	[tilespmem:$0x1F880] =	vst v63  }
0x36f: {  	_ =	swait.ge [sflag:s22], $0x2800  }
0x370: {  	[sflag:s22] =	ssyncset.done $0x0  }
0x371: {  	s8 =	simm.s32 $0x1C00;
	[sflag:s22] =	ssyncadd.s32 $0xFFFFD800  }
0x372: {  	[spmem:s2] =	stream.indirect.scatter.add.f32 [tilespmem:s20], [sflag:$0x5], $0x80, s8, s23, $0xb8;
	[tilespmem:$0x1F880] =	vst v63  }
0x373: {  	_ =	swait.ge [sflag:s9], $0x2800  }
0x374: {  	[sflag:s9] =	ssyncset.done $0x0  }
0x375: {  	[sflag:s9] =	ssyncadd.s32 $0xFFFFD800  }
0x376: {  	_ =	swait.ge [sflag:s11], $0x2800  }
0x377: {  	[sflag:s11] =	ssyncset.done $0x0  }
0x378: {  	[sflag:s11] =	ssyncadd.s32 $0xFFFFD800  }
0x379: {  	_ =	swait.ge [sflag:s13], $0x2800  }
0x37a: {  	[sflag:s13] =	ssyncset.done $0x0  }
0x37b: {  	[sflag:s13] =	ssyncadd.s32 $0xFFFFD800  }
0x37c: {  	_ =	swait.ge [sflag:s15], $0x2800  }
0x37d: {  	[sflag:s15] =	ssyncset.done $0x0  }
0x37e: {  	s8 =	rddreg [dreg:$0xc];
	[sflag:s15] =	ssyncadd.s32 $0xFFFFD800  }
0x37f: {  	[tilespmem:s4], [sflag:$0x9] =	stream.linear.gather [hbm4b:s8+s4], $0xC80, $0x38;
	[tilespmem:$0x1F880] =	vst v63  }
0x380: {  	_ =	swait.ge [sflag:s21], $0xC80  }
0x381: {  	[sflag:s21] =	ssyncset.done $0x0  }
0x382: {  	s8 =	rddreg [dreg:$0xd];
	[sflag:s21] =	ssyncadd.s32 $0xFFFFF380  }
0x383: {  	[tilespmem:s18], [sflag:$0x9] =	stream.linear.gather [hbm4b:s8+s4], $0xC80, $0x38;
	[tilespmem:$0x1F880] =	vst v63  }
0x384: {  	_ =	swait.ge [sflag:s21], $0xC80  }
0x385: {  	[sflag:s21] =	ssyncset.done $0x0  }
0x386: {  	[sflag:s21] =	ssyncadd.s32 $0xFFFFF380  }
0x387: {  	[tilespmem:s20], [sflag:$0x1] =	stream.indirect.gather [hbm4b:s1+s23], $0x80, s4, s23, $0xb8;
	[tilespmem:$0x1F880] =	vst v63  }
0x388: {  	s0 =	simm.s32 $0x80  }
0x389: {  	[tilespmem:s25], [sflag:$0x2] =	stream.indirect.gather [hbm4b:s1+s23], $0x80, s0, s23, $0xb8;
	[tilespmem:$0x1F880] =	vst v63  }
0x38a: {  	s5 =	simm.s32 $0x100  }
0x38b: {  	[tilespmem:s28], [sflag:$0x3] =	stream.indirect.gather [hbm4b:s1+s23], $0x80, s5, s23, $0xb8;
	[tilespmem:$0x1F880] =	vst v63  }
0x38c: {  	s12 =	simm.s32 $0x180  }
0x38d: {  	[tilespmem:s30], [sflag:$0x4] =	stream.indirect.gather [hbm4b:s1+s23], $0x80, s12, s23, $0xb8;
	[tilespmem:$0x1F880] =	vst v63  }
0x38e: {  	_ =	swait.ge [sflag:s22], $0x2800  }
0x38f: {  	[sflag:s22] =	ssyncset.done $0x0  }
0x390: {  	[sflag:s22] =	ssyncadd.s32 $0xFFFFD800  }
0x391: {  	[spmem:s2] =	stream.indirect.scatter.add.f32 [tilespmem:s20], [sflag:$0x5], $0x80, s18, s23, $0xb8;
	[tilespmem:$0x1F880] =	vst v63  }
0x392: {  	_ =	swait.ge [sflag:s31], $0x2800  }
0x393: {  	[sflag:s31] =	ssyncset.done $0x0  }
0x394: {  	s14 =	simm.s32 $0x1080;
	[sflag:s31] =	ssyncadd.s32 $0xFFFFD800  }
0x395: {  	[spmem:s2] =	stream.indirect.scatter.add.f32 [tilespmem:s25], [sflag:$0x6], $0x80, s14, s23, $0xb8;
	[tilespmem:$0x1F880] =	vst v63  }
0x396: {  	_ =	swait.ge [sflag:s3], $0x2800  }
0x397: {  	[sflag:s3] =	ssyncset.done $0x0  }
0x398: {  	s12 =	simm.s32 $0x1100;
	[sflag:s3] =	ssyncadd.s32 $0xFFFFD800  }
0x399: {  	[spmem:s2] =	stream.indirect.scatter.add.f32 [tilespmem:s28], [sflag:$0x7], $0x80, s12, s23, $0xb8;
	[tilespmem:$0x1F880] =	vst v63  }
0x39a: {  	_ =	swait.ge [sflag:s6], $0x2800  }
0x39b: {  	[sflag:s6] =	ssyncset.done $0x0  }
0x39c: {  	s14 =	simm.s32 $0x1180;
	[sflag:s6] =	ssyncadd.s32 $0xFFFFD800  }
0x39d: {  	[spmem:s2] =	stream.indirect.scatter.add.f32 [tilespmem:s30], [sflag:$0x8], $0x80, s14, s23, $0xb8;
	[tilespmem:$0x1F880] =	vst v63  }
0x39e: {  	_ =	swait.ge [sflag:s9], $0x2800  }
0x39f: {  	[sflag:s9] =	ssyncset.done $0x0  }
0x3a0: {  	s16 =	simm.s32 $0x200;
	[sflag:s9] =	ssyncadd.s32 $0xFFFFD800  }
0x3a1: {  	[tilespmem:s20], [sflag:$0x1] =	stream.indirect.gather [hbm4b:s1+s23], $0x80, s16, s23, $0xb8;
	[tilespmem:$0x1F880] =	vst v63  }
0x3a2: {  	_ =	swait.ge [sflag:s11], $0x2800  }
0x3a3: {  	[sflag:s11] =	ssyncset.done $0x0  }
0x3a4: {  	s17 =	simm.s32 $0x280;
	[sflag:s11] =	ssyncadd.s32 $0xFFFFD800  }
0x3a5: {  	[tilespmem:s25], [sflag:$0x2] =	stream.indirect.gather [hbm4b:s1+s23], $0x80, s17, s23, $0xb8;
	[tilespmem:$0x1F880] =	vst v63  }
0x3a6: {  	_ =	swait.ge [sflag:s13], $0x2800  }
0x3a7: {  	[sflag:s13] =	ssyncset.done $0x0  }
0x3a8: {  	s19 =	simm.s32 $0x300;
	[sflag:s13] =	ssyncadd.s32 $0xFFFFD800  }
0x3a9: {  	[tilespmem:s28], [sflag:$0x3] =	stream.indirect.gather [hbm4b:s1+s23], $0x80, s19, s23, $0xb8;
	[tilespmem:$0x1F880] =	vst v63  }
0x3aa: {  	_ =	swait.ge [sflag:s15], $0x2800  }
0x3ab: {  	[sflag:s15] =	ssyncset.done $0x0  }
0x3ac: {  	s10 =	simm.s32 $0x380;
	[sflag:s15] =	ssyncadd.s32 $0xFFFFD800  }
0x3ad: {  	[tilespmem:s30], [sflag:$0x4] =	stream.indirect.gather [hbm4b:s1+s23], $0x80, s10, s23, $0xb8;
	[tilespmem:$0x1F880] =	vst v63  }
0x3ae: {  	_ =	swait.ge [sflag:s22], $0x2800  }
0x3af: {  	[sflag:s22] =	ssyncset.done $0x0  }
0x3b0: {  	s16 =	simm.s32 $0x1200;
	[sflag:s22] =	ssyncadd.s32 $0xFFFFD800  }
0x3b1: {  	[spmem:s2] =	stream.indirect.scatter.add.f32 [tilespmem:s20], [sflag:$0x5], $0x80, s16, s23, $0xb8;
	[tilespmem:$0x1F880] =	vst v63  }
0x3b2: {  	_ =	swait.ge [sflag:s31], $0x2800  }
0x3b3: {  	[sflag:s31] =	ssyncset.done $0x0  }
0x3b4: {  	s7 =	simm.s32 $0x1280;
	[sflag:s31] =	ssyncadd.s32 $0xFFFFD800  }
0x3b5: {  	[spmem:s2] =	stream.indirect.scatter.add.f32 [tilespmem:s25], [sflag:$0x6], $0x80, s7, s23, $0xb8;
	[tilespmem:$0x1F880] =	vst v63  }
0x3b6: {  	_ =	swait.ge [sflag:s3], $0x2800  }
0x3b7: {  	[sflag:s3] =	ssyncset.done $0x0  }
0x3b8: {  	s26 =	simm.s32 $0x1300;
	[sflag:s3] =	ssyncadd.s32 $0xFFFFD800  }
0x3b9: {  	[spmem:s2] =	stream.indirect.scatter.add.f32 [tilespmem:s28], [sflag:$0x7], $0x80, s26, s23, $0xb8;
	[tilespmem:$0x1F880] =	vst v63  }
0x3ba: {  	_ =	swait.ge [sflag:s6], $0x2800  }
0x3bb: {  	[sflag:s6] =	ssyncset.done $0x0  }
0x3bc: {  	s29 =	simm.s32 $0x1380;
	[sflag:s6] =	ssyncadd.s32 $0xFFFFD800  }
0x3bd: {  	[spmem:s2] =	stream.indirect.scatter.add.f32 [tilespmem:s30], [sflag:$0x8], $0x80, s29, s23, $0xb8;
	[tilespmem:$0x1F880] =	vst v63  }
0x3be: {  	_ =	swait.ge [sflag:s9], $0x2800  }
0x3bf: {  	[sflag:s9] =	ssyncset.done $0x0  }
0x3c0: {  	s17 =	simm.s32 $0x400;
	[sflag:s9] =	ssyncadd.s32 $0xFFFFD800  }
0x3c1: {  	[tilespmem:s20], [sflag:$0x1] =	stream.indirect.gather [hbm4b:s1+s23], $0x80, s17, s23, $0xb8;
	[tilespmem:$0x1F880] =	vst v63  }
0x3c2: {  	_ =	swait.ge [sflag:s11], $0x2800  }
0x3c3: {  	[sflag:s11] =	ssyncset.done $0x0  }
0x3c4: {  	s19 =	simm.s32 $0x480;
	[sflag:s11] =	ssyncadd.s32 $0xFFFFD800  }
0x3c5: {  	[tilespmem:s25], [sflag:$0x2] =	stream.indirect.gather [hbm4b:s1+s23], $0x80, s19, s23, $0xb8;
	[tilespmem:$0x1F880] =	vst v63  }
0x3c6: {  	_ =	swait.ge [sflag:s13], $0x2800  }
0x3c7: {  	[sflag:s13] =	ssyncset.done $0x0  }
0x3c8: {  	s26 =	simm.s32 $0x500;
	[sflag:s13] =	ssyncadd.s32 $0xFFFFD800  }
0x3c9: {  	[tilespmem:s28], [sflag:$0x3] =	stream.indirect.gather [hbm4b:s1+s23], $0x80, s26, s23, $0xb8;
	[tilespmem:$0x1F880] =	vst v63  }
0x3ca: {  	_ =	swait.ge [sflag:s15], $0x2800  }
0x3cb: {  	[sflag:s15] =	ssyncset.done $0x0  }
0x3cc: {  	s29 =	simm.s32 $0x580;
	[sflag:s15] =	ssyncadd.s32 $0xFFFFD800  }
0x3cd: {  	[tilespmem:s30], [sflag:$0x4] =	stream.indirect.gather [hbm4b:s1+s23], $0x80, s29, s23, $0xb8;
	[tilespmem:$0x1F880] =	vst v63  }
0x3ce: {  	_ =	swait.ge [sflag:s22], $0x2800  }
0x3cf: {  	[sflag:s22] =	ssyncset.done $0x0  }
0x3d0: {  	s5 =	simm.s32 $0x1400;
	[sflag:s22] =	ssyncadd.s32 $0xFFFFD800  }
0x3d1: {  	[spmem:s2] =	stream.indirect.scatter.add.f32 [tilespmem:s20], [sflag:$0x5], $0x80, s5, s23, $0xb8;
	[tilespmem:$0x1F880] =	vst v63  }
0x3d2: {  	_ =	swait.ge [sflag:s31], $0x2800  }
0x3d3: {  	[sflag:s31] =	ssyncset.done $0x0  }
0x3d4: {  	s7 =	simm.s32 $0x1480;
	[sflag:s31] =	ssyncadd.s32 $0xFFFFD800  }
0x3d5: {  	[spmem:s2] =	stream.indirect.scatter.add.f32 [tilespmem:s25], [sflag:$0x6], $0x80, s7, s23, $0xb8;
	[tilespmem:$0x1F880] =	vst v63  }
0x3d6: {  	_ =	swait.ge [sflag:s3], $0x2800  }
0x3d7: {  	[sflag:s3] =	ssyncset.done $0x0  }
0x3d8: {  	s8 =	simm.s32 $0x1500;
	[sflag:s3] =	ssyncadd.s32 $0xFFFFD800  }
0x3d9: {  	[spmem:s2] =	stream.indirect.scatter.add.f32 [tilespmem:s28], [sflag:$0x7], $0x80, s8, s23, $0xb8;
	[tilespmem:$0x1F880] =	vst v63  }
0x3da: {  	_ =	swait.ge [sflag:s6], $0x2800  }
0x3db: {  	[sflag:s6] =	ssyncset.done $0x0  }
0x3dc: {  	s10 =	simm.s32 $0x1580;
	[sflag:s6] =	ssyncadd.s32 $0xFFFFD800  }
0x3dd: {  	[spmem:s2] =	stream.indirect.scatter.add.f32 [tilespmem:s30], [sflag:$0x8], $0x80, s10, s23, $0xb8;
	[tilespmem:$0x1F880] =	vst v63  }
0x3de: {  	_ =	swait.ge [sflag:s9], $0x2800  }
0x3df: {  	[sflag:s9] =	ssyncset.done $0x0  }
0x3e0: {  	s12 =	simm.s32 $0x600;
	[sflag:s9] =	ssyncadd.s32 $0xFFFFD800  }
0x3e1: {  	[tilespmem:s20], [sflag:$0x1] =	stream.indirect.gather [hbm4b:s1+s23], $0x80, s12, s23, $0xb8;
	[tilespmem:$0x1F880] =	vst v63  }
0x3e2: {  	_ =	swait.ge [sflag:s11], $0x2800  }
0x3e3: {  	[sflag:s11] =	ssyncset.done $0x0  }
0x3e4: {  	s14 =	simm.s32 $0x680;
	[sflag:s11] =	ssyncadd.s32 $0xFFFFD800  }
0x3e5: {  	[tilespmem:s25], [sflag:$0x2] =	stream.indirect.gather [hbm4b:s1+s23], $0x80, s14, s23, $0xb8;
	[tilespmem:$0x1F880] =	vst v63  }
0x3e6: {  	_ =	swait.ge [sflag:s13], $0x2800  }
0x3e7: {  	[sflag:s13] =	ssyncset.done $0x0  }
0x3e8: {  	s16 =	simm.s32 $0x700;
	[sflag:s13] =	ssyncadd.s32 $0xFFFFD800  }
0x3e9: {  	[tilespmem:s28], [sflag:$0x3] =	stream.indirect.gather [hbm4b:s1+s23], $0x80, s16, s23, $0xb8;
	[tilespmem:$0x1F880] =	vst v63  }
0x3ea: {  	_ =	swait.ge [sflag:s15], $0x2800  }
0x3eb: {  	[sflag:s15] =	ssyncset.done $0x0  }
0x3ec: {  	s17 =	simm.s32 $0x780;
	[sflag:s15] =	ssyncadd.s32 $0xFFFFD800  }
0x3ed: {  	[tilespmem:s30], [sflag:$0x4] =	stream.indirect.gather [hbm4b:s1+s23], $0x80, s17, s23, $0xb8;
	[tilespmem:$0x1F880] =	vst v63  }
0x3ee: {  	_ =	swait.ge [sflag:s22], $0x2800  }
0x3ef: {  	[sflag:s22] =	ssyncset.done $0x0  }
0x3f0: {  	s19 =	simm.s32 $0x1600;
	[sflag:s22] =	ssyncadd.s32 $0xFFFFD800  }
0x3f1: {  	[spmem:s2] =	stream.indirect.scatter.add.f32 [tilespmem:s20], [sflag:$0x5], $0x80, s19, s23, $0xb8;
	[tilespmem:$0x1F880] =	vst v63  }
0x3f2: {  	_ =	swait.ge [sflag:s31], $0x2800  }
0x3f3: {  	[sflag:s31] =	ssyncset.done $0x0  }
0x3f4: {  	s26 =	simm.s32 $0x1680;
	[sflag:s31] =	ssyncadd.s32 $0xFFFFD800  }
0x3f5: {  	[spmem:s2] =	stream.indirect.scatter.add.f32 [tilespmem:s25], [sflag:$0x6], $0x80, s26, s23, $0xb8;
	[tilespmem:$0x1F880] =	vst v63  }
0x3f6: {  	_ =	swait.ge [sflag:s3], $0x2800  }
0x3f7: {  	[sflag:s3] =	ssyncset.done $0x0  }
0x3f8: {  	s29 =	simm.s32 $0x1700;
	[sflag:s3] =	ssyncadd.s32 $0xFFFFD800  }
0x3f9: {  	[spmem:s2] =	stream.indirect.scatter.add.f32 [tilespmem:s28], [sflag:$0x7], $0x80, s29, s23, $0xb8;
	[tilespmem:$0x1F880] =	vst v63  }
0x3fa: {  	_ =	swait.ge [sflag:s6], $0x2800  }
0x3fb: {  	[sflag:s6] =	ssyncset.done $0x0  }
0x3fc: {  	s5 =	simm.s32 $0x1780;
	[sflag:s6] =	ssyncadd.s32 $0xFFFFD800  }
0x3fd: {  	[spmem:s2] =	stream.indirect.scatter.add.f32 [tilespmem:s30], [sflag:$0x8], $0x80, s5, s23, $0xb8;
	[tilespmem:$0x1F880] =	vst v63  }
0x3fe: {  	_ =	swait.ge [sflag:s9], $0x2800  }
0x3ff: {  	[sflag:s9] =	ssyncset.done $0x0  }
0x400: {  	s7 =	simm.s32 $0x800;
	[sflag:s9] =	ssyncadd.s32 $0xFFFFD800  }
0x401: {  	[tilespmem:s20], [sflag:$0x1] =	stream.indirect.gather [hbm4b:s1+s23], $0x80, s7, s23, $0xb8;
	[tilespmem:$0x1F880] =	vst v63  }
0x402: {  	_ =	swait.ge [sflag:s11], $0x2800  }
0x403: {  	[sflag:s11] =	ssyncset.done $0x0  }
0x404: {  	s8 =	simm.s32 $0x880;
	[sflag:s11] =	ssyncadd.s32 $0xFFFFD800  }
0x405: {  	[tilespmem:s25], [sflag:$0x2] =	stream.indirect.gather [hbm4b:s1+s23], $0x80, s8, s23, $0xb8;
	[tilespmem:$0x1F880] =	vst v63  }
0x406: {  	_ =	swait.ge [sflag:s13], $0x2800  }
0x407: {  	[sflag:s13] =	ssyncset.done $0x0  }
0x408: {  	s10 =	simm.s32 $0x900;
	[sflag:s13] =	ssyncadd.s32 $0xFFFFD800  }
0x409: {  	[tilespmem:s28], [sflag:$0x3] =	stream.indirect.gather [hbm4b:s1+s23], $0x80, s10, s23, $0xb8;
	[tilespmem:$0x1F880] =	vst v63  }
0x40a: {  	_ =	swait.ge [sflag:s15], $0x2800  }
0x40b: {  	[sflag:s15] =	ssyncset.done $0x0  }
0x40c: {  	s12 =	simm.s32 $0x980;
	[sflag:s15] =	ssyncadd.s32 $0xFFFFD800  }
0x40d: {  	[tilespmem:s30], [sflag:$0x4] =	stream.indirect.gather [hbm4b:s1+s23], $0x80, s12, s23, $0xb8;
	[tilespmem:$0x1F880] =	vst v63  }
0x40e: {  	_ =	swait.ge [sflag:s22], $0x2800  }
0x40f: {  	[sflag:s22] =	ssyncset.done $0x0  }
0x410: {  	s14 =	simm.s32 $0x1800;
	[sflag:s22] =	ssyncadd.s32 $0xFFFFD800  }
0x411: {  	[spmem:s2] =	stream.indirect.scatter.add.f32 [tilespmem:s20], [sflag:$0x5], $0x80, s14, s23, $0xb8;
	[tilespmem:$0x1F880] =	vst v63  }
0x412: {  	_ =	swait.ge [sflag:s31], $0x2800  }
0x413: {  	[sflag:s31] =	ssyncset.done $0x0  }
0x414: {  	s16 =	simm.s32 $0x1880;
	[sflag:s31] =	ssyncadd.s32 $0xFFFFD800  }
0x415: {  	[spmem:s2] =	stream.indirect.scatter.add.f32 [tilespmem:s25], [sflag:$0x6], $0x80, s16, s23, $0xb8;
	[tilespmem:$0x1F880] =	vst v63  }
0x416: {  	_ =	swait.ge [sflag:s3], $0x2800  }
0x417: {  	[sflag:s3] =	ssyncset.done $0x0  }
0x418: {  	s17 =	simm.s32 $0x1900;
	[sflag:s3] =	ssyncadd.s32 $0xFFFFD800  }
0x419: {  	[spmem:s2] =	stream.indirect.scatter.add.f32 [tilespmem:s28], [sflag:$0x7], $0x80, s17, s23, $0xb8;
	[tilespmem:$0x1F880] =	vst v63  }
0x41a: {  	_ =	swait.ge [sflag:s6], $0x2800  }
0x41b: {  	[sflag:s6] =	ssyncset.done $0x0  }
0x41c: {  	s19 =	simm.s32 $0x1980;
	[sflag:s6] =	ssyncadd.s32 $0xFFFFD800  }
0x41d: {  	[spmem:s2] =	stream.indirect.scatter.add.f32 [tilespmem:s30], [sflag:$0x8], $0x80, s19, s23, $0xb8;
	[tilespmem:$0x1F880] =	vst v63  }
0x41e: {  	_ =	swait.ge [sflag:s9], $0x2800  }
0x41f: {  	[sflag:s9] =	ssyncset.done $0x0  }
0x420: {  	s26 =	simm.s32 $0xA00;
	[sflag:s9] =	ssyncadd.s32 $0xFFFFD800  }
0x421: {  	[tilespmem:s20], [sflag:$0x1] =	stream.indirect.gather [hbm4b:s1+s23], $0x80, s26, s23, $0xb8;
	[tilespmem:$0x1F880] =	vst v63  }
0x422: {  	_ =	swait.ge [sflag:s11], $0x2800  }
0x423: {  	[sflag:s11] =	ssyncset.done $0x0  }
0x424: {  	s29 =	simm.s32 $0xA80;
	[sflag:s11] =	ssyncadd.s32 $0xFFFFD800  }
0x425: {  	[tilespmem:s25], [sflag:$0x2] =	stream.indirect.gather [hbm4b:s1+s23], $0x80, s29, s23, $0xb8;
	[tilespmem:$0x1F880] =	vst v63  }
0x426: {  	_ =	swait.ge [sflag:s13], $0x2800  }
0x427: {  	[sflag:s13] =	ssyncset.done $0x0  }
0x428: {  	s5 =	simm.s32 $0xB00;
	[sflag:s13] =	ssyncadd.s32 $0xFFFFD800  }
0x429: {  	[tilespmem:s28], [sflag:$0x3] =	stream.indirect.gather [hbm4b:s1+s23], $0x80, s5, s23, $0xb8;
	[tilespmem:$0x1F880] =	vst v63  }
0x42a: {  	_ =	swait.ge [sflag:s15], $0x2800  }
0x42b: {  	[sflag:s15] =	ssyncset.done $0x0  }
0x42c: {  	s7 =	simm.s32 $0xB80;
	[sflag:s15] =	ssyncadd.s32 $0xFFFFD800  }
0x42d: {  	[tilespmem:s30], [sflag:$0x4] =	stream.indirect.gather [hbm4b:s1+s23], $0x80, s7, s23, $0xb8;
	[tilespmem:$0x1F880] =	vst v63  }
0x42e: {  	_ =	swait.ge [sflag:s22], $0x2800  }
0x42f: {  	[sflag:s22] =	ssyncset.done $0x0  }
0x430: {  	s8 =	simm.s32 $0x1A00;
	[sflag:s22] =	ssyncadd.s32 $0xFFFFD800  }
0x431: {  	[spmem:s2] =	stream.indirect.scatter.add.f32 [tilespmem:s20], [sflag:$0x5], $0x80, s8, s23, $0xb8;
	[tilespmem:$0x1F880] =	vst v63  }
0x432: {  	_ =	swait.ge [sflag:s31], $0x2800  }
0x433: {  	[sflag:s31] =	ssyncset.done $0x0  }
0x434: {  	s10 =	simm.s32 $0x1A80;
	[sflag:s31] =	ssyncadd.s32 $0xFFFFD800  }
0x435: {  	[spmem:s2] =	stream.indirect.scatter.add.f32 [tilespmem:s25], [sflag:$0x6], $0x80, s10, s23, $0xb8;
	[tilespmem:$0x1F880] =	vst v63  }
0x436: {  	_ =	swait.ge [sflag:s3], $0x2800  }
0x437: {  	[sflag:s3] =	ssyncset.done $0x0  }
0x438: {  	s12 =	simm.s32 $0x1B00;
	[sflag:s3] =	ssyncadd.s32 $0xFFFFD800  }
0x439: {  	[spmem:s2] =	stream.indirect.scatter.add.f32 [tilespmem:s28], [sflag:$0x7], $0x80, s12, s23, $0xb8;
	[tilespmem:$0x1F880] =	vst v63  }
0x43a: {  	_ =	swait.ge [sflag:s6], $0x2800  }
0x43b: {  	[sflag:s6] =	ssyncset.done $0x0  }
0x43c: {  	s14 =	simm.s32 $0x1B80;
	[sflag:s6] =	ssyncadd.s32 $0xFFFFD800  }
0x43d: {  	[spmem:s2] =	stream.indirect.scatter.add.f32 [tilespmem:s30], [sflag:$0x8], $0x80, s14, s23, $0xb8;
	[tilespmem:$0x1F880] =	vst v63  }
0x43e: {  	_ =	swait.ge [sflag:s9], $0x2800  }
0x43f: {  	[sflag:s9] =	ssyncset.done $0x0  }
0x440: {  	s16 =	simm.s32 $0xC00;
	[sflag:s9] =	ssyncadd.s32 $0xFFFFD800  }
0x441: {  	[tilespmem:s20], [sflag:$0x1] =	stream.indirect.gather [hbm4b:s1+s23], $0x80, s16, s23, $0xb8;
	[tilespmem:$0x1F880] =	vst v63  }
0x442: {  	_ =	swait.ge [sflag:s22], $0x2800  }
0x443: {  	[sflag:s22] =	ssyncset.done $0x0  }
0x444: {  	s17 =	simm.s32 $0x1C00;
	[sflag:s22] =	ssyncadd.s32 $0xFFFFD800  }
0x445: {  	[spmem:s2] =	stream.indirect.scatter.add.f32 [tilespmem:s20], [sflag:$0x5], $0x80, s17, s23, $0xb8;
	[tilespmem:$0x1F880] =	vst v63  }
0x446: {  	_ =	swait.ge [sflag:s9], $0x2800  }
0x447: {  	[sflag:s9] =	ssyncset.done $0x0  }
0x448: {  	[sflag:s9] =	ssyncadd.s32 $0xFFFFD800  }
0x449: {  	_ =	swait.ge [sflag:s11], $0x2800  }
0x44a: {  	[sflag:s11] =	ssyncset.done $0x0  }
0x44b: {  	[sflag:s11] =	ssyncadd.s32 $0xFFFFD800  }
0x44c: {  	_ =	swait.ge [sflag:s13], $0x2800  }
0x44d: {  	[sflag:s13] =	ssyncset.done $0x0  }
0x44e: {  	[sflag:s13] =	ssyncadd.s32 $0xFFFFD800  }
0x44f: {  	_ =	swait.ge [sflag:s15], $0x2800  }
0x450: {  	[sflag:s15] =	ssyncset.done $0x0  }
0x451: {  	[sflag:s15] =	ssyncadd.s32 $0xFFFFD800  }
0x452: {  	s19 =	stileid.u32;
	[bflag:$0x0] =	sbarrier.arrive $0xFFFF  }
.Ltmp3:
0x453: {  	s8 =	sshll.u32 s19, $0x6;
	s14 =	rddreg [dreg:$0x11];
	(pc) =	sbr.rel @!p0 .LBB2_7-.Ltmp3, $4  }
0x454: {  	s8 =	sor.u32 $0x1C09, s8;
	s29 =	rddreg [dreg:$0xf];
	s26 =	sshrl.u32 s14, $0x3  }
0x455: {  	[hbm:s29], [sflag:s8] =	dma.local [spmem:s26], $0x500  }
0x456: {  	s12 =	sadd.s32 $0x5000, s29;
	s7 =	rddreg [dreg:$0x10]  }
0x457: {  	s17 =	smov.u32 s14;
	_ =	swait.ge [sflag:s21], $0x500;
	s10 =	sadd.s32 $0xFFFFFFFF, s7  }
.LBB2_6:
0x458: {  	[sflag:s21] =	ssyncset.done $0x0;
	s17 =	sadd.s32 $0x28000, s17;
	p0 =	sne.s32 s10, $0x1  }
.Ltmp4:
0x459: {  	s16 =	sshrl.u32 s17, $0x3;
	[sflag:s21] =	ssyncadd.s32 $0xFFFFFB00;
	(pc) =	sbr.rel @p0 .LBB2_6-.Ltmp4, $3  }
0x45a: {  	[hbm:s12], [sflag:s8] =	dma.local [spmem:s16], $0x500  }
0x45b: {  	s10 =	sadd.s32 $0xFFFFFFFF, s10;
	_ =	sdelay $0x1  }
0x45c: {  	s12 =	sadd.s32 $0x5000, s12;
	_ =	swait.ge [sflag:s21], $0x500  }
.LBB2_7:
0x45d: {  	s24 =	sadd.s32 $0x1, s24;
	s8 =	rddreg [dreg:$0xe]  }
0x45e: {  	p0 =	sne.s32 s24, s8  }
.Ltmp5:
0x45f: {  	_ = 	snop;
	(pc) =	sbr.rel @p0 .LBB2_1-.Ltmp5, $3  }
0x460: {  	_ =	sdelay $0x1  }
0x461: {  	[sflag:s21] =	ssyncset.done $0x0  }
0x462: {  	[sflag:s21] =	ssyncadd.s32 $0xFFFFFB00  }
0x463: {  	_ =	sfence.sel $0x180000  }
0x464: {  	[bflag:$0x0] =	sbarrier.arrive $0xFFFF  }
0x465: {  	_ =	strace $0x90000047  }
0x466: {  	s0 =	stileid.u32;
	[bflag:$0x2] =	sbarrier.arrive $0xFFFF  }
0x467: {  	p0 =	sne.s32 s0, $0x0;
	s0 =	rddreg [dreg:$0x3]  }
0x468: {  	s0 =	sadd.s32 @!p0 $0x100000, s0  }
0x469: {  	[sflag:s0] =	ssyncadd.tile.s32 @!p0 $0x1;
	_ =	shalt  }
.Lfunc_end2:
_tile_overlayer_lowered:
.L_overlay_start_2:
0x46a: {  	(tag) =	ssettag $0x2  }
0x46b: {  	s0 =	rddreg [dreg:$0x0];
	s2 =	stileid.u32  }
0x46c: {  	s1 =	rddreg [dreg:$0x1];
	p0 =	sne.s32 s2, $0x0  }
0x46d: {  	s3 =	rddreg [dreg:$0x2];
	[bflag:$0x3] =	sbarrier.arrive $0xFFFF;
	s2 =	simm.s32 @!p0 $0x1C09  }
0x46e: {  	[timem:s3], [sflag:s2] =	dma.local @!p0 [hbm:s0], s1  }
0x46f: {  	s0 =	simm.s32 @!p0 $0x9  }
0x470: {  	_ =	swait.ge @!p0 [sflag:s0], s1  }
0x471: {  	s1 =	ssub.s32 @!p0 $0x0, s1;
	[sflag:s0] =	ssyncset.done @!p0 $0x0  }
0x472: {  	[sflag:s0] =	ssyncadd.s32 @!p0 s1  }
0x473: {  	[bflag:$0x3] =	sbarrier.arrive $0xFFFF  }
0x474: {  	_ =	shalt  }

</sc_bundles>
